<compile_context>
chip_gen: v7x
topology: tpu7x:2x2x1
jax: 0.10.2.dev20260603
libtpu: 0.0.44.dev20260713+nightly
codegen_flags: <defaults>
</compile_context>

<pallas_src>
import functools

import jax
import jax.numpy as jnp
from jax import lax
from jax.experimental import pallas as pl
from jax.experimental.pallas import tpu as pltpu
from jax.experimental.pallas import tpu_sc as plsc

_NC = 2
_NS = 16
_NW = _NC * _NS
_G = 64


def _make_segsum(n, e, d):
    epw = e // _NW
    c = 250
    nchunk = epw // c
    r0 = (n // _NS) // 8 * 8
    rlast = n - (_NS - 1) * r0
    mesh = plsc.VectorSubcoreMesh(core_axis_name="c", subcore_axis_name="s")

    @functools.partial(
        pl.kernel,
        out_type=jax.ShapeDtypeStruct((_NC, n, d), jnp.float32),
        mesh=mesh,
        compiler_params=pltpu.CompilerParams(use_tc_tiling_on_sc=False),
        scratch_types=[
            pltpu.VMEM((nchunk, c), jnp.int32),
            pltpu.VMEM((nchunk, c), jnp.int32),
            [pltpu.VMEM((c, d), jnp.float32)] * 2,
            pltpu.VMEM_SHARED((n, d), jnp.float32),
            [pltpu.SemaphoreType.DMA] * 2,
            [pltpu.SemaphoreType.DMA] * 2,
            pltpu.SemaphoreType.DMA,
        ],
    )
    def segsum(src_hbm, dst_hbm, y_hbm, zeros_hbm, out_hbm,
               idx_s, idx_d, rows, agg_sh, sem_g, sem_s, sem_i):
        cid = lax.axis_index("c")
        sid = lax.axis_index("s")
        wid = sid * _NC + cid

        @pl.when(sid < _NS - 1)
        def _():
            pltpu.sync_copy(zeros_hbm.at[pl.ds(0, r0)],
                            agg_sh.at[pl.ds(sid * r0, r0)])

        @pl.when(sid == _NS - 1)
        def _():
            pltpu.sync_copy(zeros_hbm,
                            agg_sh.at[pl.ds((_NS - 1) * r0, rlast)])

        pltpu.async_copy(src_hbm.at[wid], idx_s, sem_i)
        pltpu.async_copy(dst_hbm.at[wid], idx_d, sem_i).wait()
        pltpu.make_async_copy(src_hbm.at[wid], idx_s, sem_i).wait()
        plsc.subcore_barrier()

        nbuf = 2
        for j in range(nbuf):
            pltpu.async_copy(y_hbm.at[idx_s.at[j]], rows[j], sem_g[j])

        def body(k, carry):
            base = nbuf * k
            for j in range(nbuf):
                ch = base + j
                pltpu.make_async_copy(
                    y_hbm.at[idx_s.at[ch]], rows[j], sem_g[j]).wait()
                pltpu.async_copy(
                    rows[j], agg_sh.at[idx_d.at[ch]], sem_s[j], add=True)
            for j in range(nbuf):
                ch = base + j
                pltpu.make_async_copy(
                    rows[j], agg_sh.at[idx_d.at[ch]], sem_s[j]).wait()

                def refill(jj=j, nch=base + nbuf + j):
                    pltpu.async_copy(
                        y_hbm.at[idx_s.at[nch]], rows[jj], sem_g[jj])

                pl.when(base + nbuf + j < nchunk)(refill)
            return carry

        lax.fori_loop(0, nchunk // nbuf, body, 0, unroll=False)
        plsc.subcore_barrier()

        @pl.when(sid < _NS - 1)
        def _():
            pltpu.sync_copy(agg_sh.at[pl.ds(sid * r0, r0)],
                            out_hbm.at[cid, pl.ds(sid * r0, r0)])

        @pl.when(sid == _NS - 1)
        def _():
            pltpu.sync_copy(agg_sh.at[pl.ds((_NS - 1) * r0, rlast)],
                            out_hbm.at[cid, pl.ds((_NS - 1) * r0, rlast)])

    return segsum


def _tc2_body(x_ref, wam_ref, bam_ref, agga_ref, aggb_ref, wc_ref, bc_ref,
              h1a_ref, h1b_ref):
    z = jnp.dot(x_ref[...], wam_ref[...], preferred_element_type=jnp.float32)
    z = z + bam_ref[...]
    a1 = jnp.maximum(z[:, :64], 0.0)
    m1 = jnp.maximum(z[:, 64:80], 0.0) * jnp.maximum(z[:, 80:96], 0.0)
    agg = jnp.concatenate(
        [agga_ref[0] + agga_ref[1], aggb_ref[0] + aggb_ref[1]], axis=1)
    c1 = jnp.maximum(
        jnp.dot(agg, wc_ref[...], preferred_element_type=jnp.float32)
        + bc_ref[...], 0.0)
    h1a_ref[...] = a1
    h1b_ref[...] = jnp.concatenate([c1, m1], axis=1)


def _tc3_body(nb, h1a_ref, h1b_ref, agga_ref, aggb_ref, w_ref, b_ref,
              wc_ref, bc_ref, batch_ref, wfc_ref, bfc_ref,
              out_ref, sum_ref, mx_ref, cnt_ref):
    i = pl.program_id(0)

    @pl.when(i == 0)
    def _():
        sum_ref[...] = jnp.zeros_like(sum_ref)
        mx_ref[...] = jnp.zeros_like(mx_ref)
        cnt_ref[...] = jnp.zeros_like(cnt_ref)

    agg = jnp.concatenate(
        [agga_ref[0] + agga_ref[1], aggb_ref[0] + aggb_ref[1]], axis=1)
    c2 = jnp.maximum(
        jnp.dot(agg, wc_ref[...], preferred_element_type=jnp.float32)
        + bc_ref[...], 0.0)
    h1 = jnp.concatenate([h1a_ref[...], h1b_ref[...]], axis=1)
    z = jnp.dot(h1, w_ref[...],
                preferred_element_type=jnp.float32) + b_ref[...]
    a2 = jnp.maximum(z[:, :64], 0.0)
    m2 = jnp.maximum(z[:, 64:80], 0.0) * jnp.maximum(z[:, 80:96], 0.0)
    h2 = jnp.concatenate([a2, c2, m2], axis=1)

    bsz = h2.shape[0]
    bid = batch_ref[0, 0, :].reshape(bsz, 1)
    g_lo = batch_ref[0, 0, 0]
    g_hi = batch_ref[0, 0, bsz - 1]

    def seg(g, carry):
        msk = (bid == g).astype(jnp.float32)
        mh = h2 * msk
        s = jnp.sum(mh, axis=0, keepdims=True)
        mx = jnp.max(mh, axis=0, keepdims=True)
        cnt = jnp.sum(msk)
        sum_ref[pl.ds(g, 1), :] += s
        mx_ref[pl.ds(g, 1), :] = jnp.maximum(mx_ref[pl.ds(g, 1), :], mx)
        cnt_ref[pl.ds(g, 1), :] += cnt
        return carry

    lax.fori_loop(g_lo, g_hi + 1, seg, 0)

    @pl.when(i == nb - 1)
    def _():
        mean = sum_ref[...] / jnp.maximum(cnt_ref[...], 1.0)
        pooled = jnp.concatenate([mean, mx_ref[...]], axis=1)
        logits = jnp.dot(pooled, wfc_ref[...],
                         preferred_element_type=jnp.float32) + bfc_ref[...]
        m = jnp.max(logits, axis=1, keepdims=True)
        lse = m + jnp.log(jnp.sum(jnp.exp(logits - m), axis=1, keepdims=True))
        out_ref[...] = logits - lse


def kernel(x, edge_index, batch, Wc1, bc1, W11, b11, W12, b12, W13, b13,
           Wc2, bc2, W21, b21, W22, b22, W23, b23, Wfc2, bfc2):
    n, dx = x.shape
    e = edge_index.shape[1]
    epw = e // _NW
    c = 250
    nchunk = epw // c
    rlast = n - (_NS - 1) * ((n // _NS) // 8 * 8)

    src3 = edge_index[0].reshape(_NW, nchunk, c)
    dst3 = edge_index[1].reshape(_NW, nchunk, c)
    zeros64 = jnp.zeros((rlast, 64), jnp.float32)
    zeros80 = jnp.zeros((rlast, 80), jnp.float32)

    Wam1 = jnp.concatenate([W11, W12, W13], axis=1)
    bam1 = jnp.concatenate([b11, b12, b13])[None, :]
    Wam2 = jnp.concatenate([W21, W22, W23], axis=1)
    bam2 = jnp.concatenate([b21, b22, b23])[None, :]

    bsz = 1000
    nb = n // bsz
    full = lambda shape: pl.BlockSpec(shape, lambda i: tuple(0 for _ in shape))

    segsum64 = _make_segsum(n, e, 64)
    xa = x[:, :64]
    xb = x[:, 64:dx]
    aggxa = segsum64(src3, dst3, xa, zeros64)
    aggxb = segsum64(src3, dst3, xb, zeros64)

    h1a, h1b = pl.pallas_call(
        _tc2_body,
        grid=(nb,),
        in_specs=[
            pl.BlockSpec((bsz, dx), lambda i: (i, 0)),
            full((dx, 96)),
            full((1, 96)),
            pl.BlockSpec((_NC, bsz, 64), lambda i: (0, i, 0)),
            pl.BlockSpec((_NC, bsz, 64), lambda i: (0, i, 0)),
            full((dx, 64)),
            full((1, 64)),
        ],
        out_specs=[
            pl.BlockSpec((bsz, 64), lambda i: (i, 0)),
            pl.BlockSpec((bsz, 80), lambda i: (i, 0)),
        ],
        out_shape=[
            jax.ShapeDtypeStruct((n, 64), jnp.float32),
            jax.ShapeDtypeStruct((n, 80), jnp.float32),
        ],
    )(x, Wam1, bam1, aggxa, aggxb, Wc1, bc1[None, :])

    segsum80 = _make_segsum(n, e, 80)
    aggha = segsum64(src3, dst3, h1a, zeros64)
    agghb = segsum80(src3, dst3, h1b, zeros80)

    batch3 = batch.reshape(nb, 1, bsz)
    out = pl.pallas_call(
        functools.partial(_tc3_body, nb),
        grid=(nb,),
        in_specs=[
            pl.BlockSpec((bsz, 64), lambda i: (i, 0)),
            pl.BlockSpec((bsz, 80), lambda i: (i, 0)),
            pl.BlockSpec((_NC, bsz, 64), lambda i: (0, i, 0)),
            pl.BlockSpec((_NC, bsz, 80), lambda i: (0, i, 0)),
            full((144, 96)),
            full((1, 96)),
            full((144, 64)),
            full((1, 64)),
            pl.BlockSpec((1, 1, bsz), lambda i: (i, 0, 0)),
            full((288, 2)),
            full((1, 2)),
        ],
        out_specs=pl.BlockSpec((_G, 2), lambda i: (0, 0)),
        out_shape=jax.ShapeDtypeStruct((_G, 2), jnp.float32),
        scratch_shapes=[
            pltpu.VMEM((_G, 144), jnp.float32),
            pltpu.VMEM((_G, 144), jnp.float32),
            pltpu.VMEM((_G, 144), jnp.float32),
        ],
    )(h1a, h1b, aggha, agghb, Wam2, bam2, Wc2, bc2[None, :], batch3,
      Wfc2, bfc2[None, :])
    return out

# --- scband reference (transcript-rebuilt; emitter-appended) ---
"""Pipeline reference for scband-gnnml1-64991445123417 (READ-ONLY COPY).

The authoritative reference and input builder live on the scoring server;
editing this copy changes nothing except your own understanding.
"""

import jax, jax.numpy as jnp
import numpy as np

N = 10000
E = 320000
D = 128
G = 64
NIN = 64 + 64 + 16


def _p(key, shape, fan_in):
    return jax.random.normal(key, shape, dtype=jnp.float32) * (1.0 / fan_in) ** 0.5


def setup_inputs(seed: int = 0):
    key = jax.random.key(seed)
    ks = jax.random.split(key, 16)
    inp = {}
    inp["x"] = jax.random.normal(ks[0], (N, D), dtype=jnp.float32)
    inp["edge_index"] = jax.random.randint(ks[1], (2, E), 0, N)
    inp["batch"] = jnp.sort(jax.random.randint(ks[2], (N,), 0, G))
    # SpectConv weights (S=1, selfconn=False -> single support weight [in,out] + bias)
    inp["Wc1"] = _p(ks[3], (D, 64), D)
    inp["bc1"] = jnp.zeros((64,), jnp.float32)
    inp["W11"] = _p(ks[4], (D, 64), D)
    inp["b11"] = jnp.zeros((64,), jnp.float32)
    inp["W12"] = _p(ks[5], (D, 16), D)
    inp["b12"] = jnp.zeros((16,), jnp.float32)
    inp["W13"] = _p(ks[6], (D, 16), D)
    inp["b13"] = jnp.zeros((16,), jnp.float32)
    inp["Wc2"] = _p(ks[7], (NIN, 64), NIN)
    inp["bc2"] = jnp.zeros((64,), jnp.float32)
    inp["W21"] = _p(ks[8], (NIN, 64), NIN)
    inp["b21"] = jnp.zeros((64,), jnp.float32)
    inp["W22"] = _p(ks[9], (NIN, 16), NIN)
    inp["b22"] = jnp.zeros((16,), jnp.float32)
    inp["W23"] = _p(ks[10], (NIN, 16), NIN)
    inp["b23"] = jnp.zeros((16,), jnp.float32)
    inp["Wfc2"] = _p(ks[11], (2 * NIN, 2), 2 * NIN)
    inp["bfc2"] = jnp.zeros((2,), jnp.float32)
    return inp


def _spect(x, src, dst, W, b):
    # SpectConv, S=1, selfconn=False, edge_attr = ones -> plain adjacency scatter-add then linear
    agg = jax.ops.segment_sum(x[src], dst, num_segments=N)
    return agg @ W + b


def _block(x, src, dst, Wc, bc, Wa, ba, Wm1, bm1, Wm2, bm2):
    a = jax.nn.relu(x @ Wa + ba)
    c = jax.nn.relu(_spect(x, src, dst, Wc, bc))
    m = jax.nn.relu(x @ Wm1 + bm1) * jax.nn.relu(x @ Wm2 + bm2)
    return jnp.concatenate([a, c, m], axis=1)


def reference(x, edge_index, batch, Wc1, bc1, W11, b11, W12, b12, W13, b13, Wc2, bc2, W21, b21, W22, b22, W23, b23, Wfc2, bfc2):
    # eval mode: dropout disabled; bn1/bn2 unused in the original forward
    src = edge_index[0]
    dst = edge_index[1]
    h1 = _block(x, src, dst, Wc1, bc1, W11, b11, W12, b12, W13, b13)
    h2 = _block(h1, src, dst, Wc2, bc2, W21, b21, W22, b22, W23, b23)
    cnt = jax.ops.segment_sum(jnp.ones((N,), jnp.float32), batch, num_segments=G)
    s = jax.ops.segment_sum(h2, batch, num_segments=G)
    mean = s / jnp.clip(cnt, 1.0)[:, None]
    mx = jax.ops.segment_max(h2, batch, num_segments=G)
    mx = jnp.where(cnt[:, None] > 0, mx, 0.0)
    pooled = jnp.concatenate([mean, mx], axis=1)
    return jax.nn.log_softmax(pooled @ Wfc2 + bfc2, axis=1)

if __name__ == "__main__":
    import jax
    _d = setup_inputs()
    print(jax.jit(kernel)(*tuple(_d.values())))

</pallas_src>

<mosaic_0001>
#map = affine_map<(d0, d1) -> (0, 0, 0)>
#map1 = affine_map<(d0, d1) -> (0, 0)>
module attributes {stable_mosaic.version = 14 : i64} {
  func.func @segsum(%arg0: i32, %arg1: i32, %arg2: memref<32x40x250xi32, #tpu.memory_space<hbm>>, %arg3: memref<32x40x250xi32, #tpu.memory_space<hbm>>, %arg4: memref<10000x64xf32, #tpu.memory_space<hbm>>, %arg5: memref<640x64xf32, #tpu.memory_space<hbm>>, %arg6: memref<2x10000x64xf32, #tpu.memory_space<hbm>>, %arg7: memref<40x250xi32, #tpu.memory_space<vmem>>, %arg8: memref<40x250xi32, #tpu.memory_space<vmem>>, %arg9: memref<250x64xf32, #tpu.memory_space<vmem>>, %arg10: memref<250x64xf32, #tpu.memory_space<vmem>>, %arg11: memref<10000x64xf32, #tpu.memory_space<vmem_shared>>, %arg12: memref<!tpu.dma_semaphore, #tpu.memory_space<semaphore_mem>>, %arg13: memref<!tpu.dma_semaphore, #tpu.memory_space<semaphore_mem>>, %arg14: memref<!tpu.dma_semaphore, #tpu.memory_space<semaphore_mem>>, %arg15: memref<!tpu.dma_semaphore, #tpu.memory_space<semaphore_mem>>, %arg16: memref<!tpu.dma_semaphore, #tpu.memory_space<semaphore_mem>>) attributes {dimension_semantics = [#tpu.dimension_semantics<core_parallel>, #tpu.dimension_semantics<subcore_parallel>], iteration_bounds = array<i64: 2, 16>, scalar_prefetch = 0 : i64, scratch_operands = 10 : i64, tpu.core_type = #tpu.core_type<sc_vector_subcore>, window_params = [{transform_indices = #map}, {transform_indices = #map}, {transform_indices = #map1}, {transform_indices = #map1}, {transform_indices = #map}]} {
    %mul3A = arith.constant 2 : i32
    %mul3A_0 = arith.muli %arg1, %mul3A : i32
    %add3A = arith.addi %mul3A_0, %arg0 : i32
    %lt3A = arith.constant 15 : i32
    %lt3A_1 = arith.cmpi slt, %arg1, %lt3A : i32
    %convert_element_type3A = arith.extui %lt3A_1 : i1 to i32
    %cond3A = arith.constant 0 : i32
    %cond3A_2 = arith.cmpi ne, %convert_element_type3A, %cond3A : i32
    scf.if %cond3A_2 {
      %mul3A_67 = arith.constant 624 : i32
      %mul3A_68 = arith.muli %arg1, %mul3A_67 : i32
      "tpu.region"() ({
        %run_scoped3A = tpu.sem_alloc : memref<!tpu.dma_semaphore, #tpu.memory_space<semaphore_mem>>
        %dma_start3A_69 = arith.constant 0 : i32
        %dma_start3A_70 = tpu.memref_slice %arg11[%mul3A_68, %dma_start3A_69] : memref<10000x64xf32, #tpu.memory_space<vmem_shared>> -> memref<624x64xf32, #tpu.memory_space<vmem_shared>>
        %dma_start3A_71 = arith.constant 0 : i32
        %dma_start3A_72 = arith.constant 0 : i32
        %dma_start3A_73 = tpu.memref_slice %arg5[%dma_start3A_71, %dma_start3A_72] : memref<640x64xf32, #tpu.memory_space<hbm>> -> memref<624x64xf32, #tpu.memory_space<hbm>>
        tpu.enqueue_dma source(%dma_start3A_73 : memref<624x64xf32, #tpu.memory_space<hbm>>) target(%dma_start3A_70 : memref<624x64xf32, #tpu.memory_space<vmem_shared>>) target_semaphore(%run_scoped3A : memref<!tpu.dma_semaphore, #tpu.memory_space<semaphore_mem>>)
        %dma_wait3A_74 = arith.constant 0 : i32
        %dma_wait3A_75 = tpu.memref_slice %arg11[%mul3A_68, %dma_wait3A_74] : memref<10000x64xf32, #tpu.memory_space<vmem_shared>> -> memref<624x64xf32, #tpu.memory_space<vmem_shared>>
        %dma_wait3A_76 = arith.constant 0 : i32
        %dma_wait3A_77 = arith.constant 0 : i32
        %dma_wait3A_78 = tpu.memref_slice %arg5[%dma_wait3A_76, %dma_wait3A_77] : memref<640x64xf32, #tpu.memory_space<hbm>> -> memref<624x64xf32, #tpu.memory_space<hbm>>
        tpu.wait_dma2 semaphore(%run_scoped3A : memref<!tpu.dma_semaphore, #tpu.memory_space<semaphore_mem>>) src(%dma_wait3A_78 : memref<624x64xf32, #tpu.memory_space<hbm>>) dst(%dma_wait3A_75 : memref<624x64xf32, #tpu.memory_space<vmem_shared>>)
        tpu.yield
      }) : () -> ()
    } else {
    }
    %eq3A = arith.constant 15 : i32
    %eq3A_3 = arith.cmpi eq, %arg1, %eq3A : i32
    %convert_element_type3A_4 = arith.extui %eq3A_3 : i1 to i32
    %cond3A_5 = arith.constant 0 : i32
    %cond3A_6 = arith.cmpi ne, %convert_element_type3A_4, %cond3A_5 : i32
    scf.if %cond3A_6 {
      "tpu.region"() ({
        %run_scoped3A = tpu.sem_alloc : memref<!tpu.dma_semaphore, #tpu.memory_space<semaphore_mem>>
        %dma_start3A_67 = arith.constant 9360 : i32
        %dma_start3A_68 = arith.constant 0 : i32
        %dma_start3A_69 = tpu.memref_slice %arg11[%dma_start3A_67, %dma_start3A_68] : memref<10000x64xf32, #tpu.memory_space<vmem_shared>> -> memref<640x64xf32, #tpu.memory_space<vmem_shared>>
        tpu.enqueue_dma source(%arg5 : memref<640x64xf32, #tpu.memory_space<hbm>>) target(%dma_start3A_69 : memref<640x64xf32, #tpu.memory_space<vmem_shared>>) target_semaphore(%run_scoped3A : memref<!tpu.dma_semaphore, #tpu.memory_space<semaphore_mem>>)
        %dma_wait3A_70 = arith.constant 9360 : i32
        %dma_wait3A_71 = arith.constant 0 : i32
        %dma_wait3A_72 = tpu.memref_slice %arg11[%dma_wait3A_70, %dma_wait3A_71] : memref<10000x64xf32, #tpu.memory_space<vmem_shared>> -> memref<640x64xf32, #tpu.memory_space<vmem_shared>>
        tpu.wait_dma2 semaphore(%run_scoped3A : memref<!tpu.dma_semaphore, #tpu.memory_space<semaphore_mem>>) src(%arg5 : memref<640x64xf32, #tpu.memory_space<hbm>>) dst(%dma_wait3A_72 : memref<640x64xf32, #tpu.memory_space<vmem_shared>>)
        tpu.yield
      }) : () -> ()
    } else {
    }
    %dma_start3A = arith.constant 0 : i32
    %dma_start3A_7 = arith.constant 0 : i32
    %dma_start3A_8 = tpu.memref_slice %arg2[%add3A, %dma_start3A, %dma_start3A_7] : memref<32x40x250xi32, #tpu.memory_space<hbm>> -> memref<1x40x250xi32, #tpu.memory_space<hbm>>
    %dma_start3A_9 = tpu.memref_squeeze %dma_start3A_8 : memref<1x40x250xi32, #tpu.memory_space<hbm>> -> memref<40x250xi32, #tpu.memory_space<hbm>>
    %dma_start3A_10 = arith.constant 0 : i32
    %dma_start3A_11 = arith.constant 0 : i32
    %dma_start3A_12 = tpu.memref_slice %arg2[%add3A, %dma_start3A_10, %dma_start3A_11] : memref<32x40x250xi32, #tpu.memory_space<hbm>> -> memref<1x40x250xi32, #tpu.memory_space<hbm>>
    %dma_start3A_13 = tpu.memref_squeeze %dma_start3A_12 : memref<1x40x250xi32, #tpu.memory_space<hbm>> -> memref<40x250xi32, #tpu.memory_space<hbm>>
    tpu.enqueue_dma source(%dma_start3A_13 : memref<40x250xi32, #tpu.memory_space<hbm>>) target(%arg7 : memref<40x250xi32, #tpu.memory_space<vmem>>) target_semaphore(%arg16 : memref<!tpu.dma_semaphore, #tpu.memory_space<semaphore_mem>>)
    %dma_start3A_14 = arith.constant 0 : i32
    %dma_start3A_15 = arith.constant 0 : i32
    %dma_start3A_16 = tpu.memref_slice %arg3[%add3A, %dma_start3A_14, %dma_start3A_15] : memref<32x40x250xi32, #tpu.memory_space<hbm>> -> memref<1x40x250xi32, #tpu.memory_space<hbm>>
    %dma_start3A_17 = tpu.memref_squeeze %dma_start3A_16 : memref<1x40x250xi32, #tpu.memory_space<hbm>> -> memref<40x250xi32, #tpu.memory_space<hbm>>
    %dma_start3A_18 = arith.constant 0 : i32
    %dma_start3A_19 = arith.constant 0 : i32
    %dma_start3A_20 = tpu.memref_slice %arg3[%add3A, %dma_start3A_18, %dma_start3A_19] : memref<32x40x250xi32, #tpu.memory_space<hbm>> -> memref<1x40x250xi32, #tpu.memory_space<hbm>>
    %dma_start3A_21 = tpu.memref_squeeze %dma_start3A_20 : memref<1x40x250xi32, #tpu.memory_space<hbm>> -> memref<40x250xi32, #tpu.memory_space<hbm>>
    tpu.enqueue_dma source(%dma_start3A_21 : memref<40x250xi32, #tpu.memory_space<hbm>>) target(%arg8 : memref<40x250xi32, #tpu.memory_space<vmem>>) target_semaphore(%arg16 : memref<!tpu.dma_semaphore, #tpu.memory_space<semaphore_mem>>)
    %dma_wait3A = arith.constant 0 : i32
    %dma_wait3A_22 = arith.constant 0 : i32
    %dma_wait3A_23 = tpu.memref_slice %arg3[%add3A, %dma_wait3A, %dma_wait3A_22] : memref<32x40x250xi32, #tpu.memory_space<hbm>> -> memref<1x40x250xi32, #tpu.memory_space<hbm>>
    %dma_wait3A_24 = tpu.memref_squeeze %dma_wait3A_23 : memref<1x40x250xi32, #tpu.memory_space<hbm>> -> memref<40x250xi32, #tpu.memory_space<hbm>>
    %dma_wait3A_25 = arith.constant 0 : i32
    %dma_wait3A_26 = arith.constant 0 : i32
    %dma_wait3A_27 = tpu.memref_slice %arg3[%add3A, %dma_wait3A_25, %dma_wait3A_26] : memref<32x40x250xi32, #tpu.memory_space<hbm>> -> memref<1x40x250xi32, #tpu.memory_space<hbm>>
    %dma_wait3A_28 = tpu.memref_squeeze %dma_wait3A_27 : memref<1x40x250xi32, #tpu.memory_space<hbm>> -> memref<40x250xi32, #tpu.memory_space<hbm>>
    tpu.wait_dma2 semaphore(%arg16 : memref<!tpu.dma_semaphore, #tpu.memory_space<semaphore_mem>>) src(%dma_wait3A_28 : memref<40x250xi32, #tpu.memory_space<hbm>>) dst(%arg8 : memref<40x250xi32, #tpu.memory_space<vmem>>)
    %dma_wait3A_29 = arith.constant 0 : i32
    %dma_wait3A_30 = arith.constant 0 : i32
    %dma_wait3A_31 = tpu.memref_slice %arg2[%add3A, %dma_wait3A_29, %dma_wait3A_30] : memref<32x40x250xi32, #tpu.memory_space<hbm>> -> memref<1x40x250xi32, #tpu.memory_space<hbm>>
    %dma_wait3A_32 = tpu.memref_squeeze %dma_wait3A_31 : memref<1x40x250xi32, #tpu.memory_space<hbm>> -> memref<40x250xi32, #tpu.memory_space<hbm>>
    %dma_wait3A_33 = arith.constant 0 : i32
    %dma_wait3A_34 = arith.constant 0 : i32
    %dma_wait3A_35 = tpu.memref_slice %arg2[%add3A, %dma_wait3A_33, %dma_wait3A_34] : memref<32x40x250xi32, #tpu.memory_space<hbm>> -> memref<1x40x250xi32, #tpu.memory_space<hbm>>
    %dma_wait3A_36 = tpu.memref_squeeze %dma_wait3A_35 : memref<1x40x250xi32, #tpu.memory_space<hbm>> -> memref<40x250xi32, #tpu.memory_space<hbm>>
    tpu.wait_dma2 semaphore(%arg16 : memref<!tpu.dma_semaphore, #tpu.memory_space<semaphore_mem>>) src(%dma_wait3A_36 : memref<40x250xi32, #tpu.memory_space<hbm>>) dst(%arg7 : memref<40x250xi32, #tpu.memory_space<vmem>>)
    %barrier3A = arith.constant 0 : index
    tpu.barrier barrier_id(%barrier3A)
    %dma_start3A_37 = arith.constant 0 : i32
    %dma_start3A_38 = arith.constant 0 : i32
    %dma_start3A_39 = tpu.memref_slice %arg7[%dma_start3A_37, %dma_start3A_38] : memref<40x250xi32, #tpu.memory_space<vmem>> -> memref<1x250xi32, #tpu.memory_space<vmem>>
    %dma_start3A_40 = tpu.memref_squeeze %dma_start3A_39 : memref<1x250xi32, #tpu.memory_space<vmem>> -> memref<250xi32, #tpu.memory_space<vmem>>
    %dma_start3A_41 = arith.constant 0 : i32
    %dma_start3A_42 = arith.constant 0 : i32
    %dma_start3A_43 = tpu.memref_slice %arg4[%dma_start3A_41, %dma_start3A_42] : memref<10000x64xf32, #tpu.memory_space<hbm>> -> memref<10000x64xf32, #tpu.memory_space<hbm>>
    tpu.enqueue_indirect_dma source(%dma_start3A_43 : memref<10000x64xf32, #tpu.memory_space<hbm>>) target(%arg9 : memref<250x64xf32, #tpu.memory_space<vmem>>) offsets(%dma_start3A_40 : memref<250xi32, #tpu.memory_space<vmem>>) semaphore(%arg12 : memref<!tpu.dma_semaphore, #tpu.memory_space<semaphore_mem>>)
    %dma_start3A_44 = arith.constant 1 : i32
    %dma_start3A_45 = arith.constant 0 : i32
    %dma_start3A_46 = tpu.memref_slice %arg7[%dma_start3A_44, %dma_start3A_45] : memref<40x250xi32, #tpu.memory_space<vmem>> -> memref<1x250xi32, #tpu.memory_space<vmem>>
    %dma_start3A_47 = tpu.memref_squeeze %dma_start3A_46 : memref<1x250xi32, #tpu.memory_space<vmem>> -> memref<250xi32, #tpu.memory_space<vmem>>
    %dma_start3A_48 = arith.constant 0 : i32
    %dma_start3A_49 = arith.constant 0 : i32
    %dma_start3A_50 = tpu.memref_slice %arg4[%dma_start3A_48, %dma_start3A_49] : memref<10000x64xf32, #tpu.memory_space<hbm>> -> memref<10000x64xf32, #tpu.memory_space<hbm>>
    tpu.enqueue_indirect_dma source(%dma_start3A_50 : memref<10000x64xf32, #tpu.memory_space<hbm>>) target(%arg10 : memref<250x64xf32, #tpu.memory_space<vmem>>) offsets(%dma_start3A_47 : memref<250xi32, #tpu.memory_space<vmem>>) semaphore(%arg13 : memref<!tpu.dma_semaphore, #tpu.memory_space<semaphore_mem>>)
    %scan3A = arith.constant 0 : i32
    %scan3A_51 = arith.constant 0 : i32
    %scan3A_52 = arith.constant 20 : i32
    %scan3A_53 = arith.addi %scan3A_51, %scan3A_52 : i32
    %scan3A_54 = arith.constant 1 : i32
    scf.for %scan3A_67 = %scan3A_51 to %scan3A_53 step %scan3A_54  : i32 {
      %mul3A_68 = arith.constant 2 : i32
      %mul3A_69 = arith.muli %mul3A_68, %scan3A_67 : i32
      %add3A_70 = arith.constant 0 : i32
      %add3A_71 = arith.addi %mul3A_69, %add3A_70 : i32
      %dma_wait3A_72 = arith.constant 0 : i32
      %dma_wait3A_73 = tpu.memref_slice %arg7[%add3A_71, %dma_wait3A_72] : memref<40x250xi32, #tpu.memory_space<vmem>> -> memref<1x250xi32, #tpu.memory_space<vmem>>
      %dma_wait3A_74 = tpu.memref_squeeze %dma_wait3A_73 : memref<1x250xi32, #tpu.memory_space<vmem>> -> memref<250xi32, #tpu.memory_space<vmem>>
      %dma_wait3A_75 = arith.constant 0 : i32
      %dma_wait3A_76 = arith.constant 0 : i32
      %dma_wait3A_77 = tpu.memref_slice %arg4[%dma_wait3A_75, %dma_wait3A_76] : memref<10000x64xf32, #tpu.memory_space<hbm>> -> memref<10000x64xf32, #tpu.memory_space<hbm>>
      tpu.wait_indirect_dma semaphore(%arg12 : memref<!tpu.dma_semaphore, #tpu.memory_space<semaphore_mem>>) src(%dma_wait3A_77 : memref<10000x64xf32, #tpu.memory_space<hbm>>) dst(%arg9 : memref<250x64xf32, #tpu.memory_space<vmem>>)
      %dma_start3A_78 = arith.constant 0 : i32
      %dma_start3A_79 = tpu.memref_slice %arg8[%add3A_71, %dma_start3A_78] : memref<40x250xi32, #tpu.memory_space<vmem>> -> memref<1x250xi32, #tpu.memory_space<vmem>>
      %dma_start3A_80 = tpu.memref_squeeze %dma_start3A_79 : memref<1x250xi32, #tpu.memory_space<vmem>> -> memref<250xi32, #tpu.memory_space<vmem>>
      %dma_start3A_81 = arith.constant 0 : i32
      %dma_start3A_82 = arith.constant 0 : i32
      %dma_start3A_83 = tpu.memref_slice %arg11[%dma_start3A_81, %dma_start3A_82] : memref<10000x64xf32, #tpu.memory_space<vmem_shared>> -> memref<10000x64xf32, #tpu.memory_space<vmem_shared>>
      tpu.enqueue_indirect_dma source(%arg9 : memref<250x64xf32, #tpu.memory_space<vmem>>) target(%dma_start3A_83 : memref<10000x64xf32, #tpu.memory_space<vmem_shared>>) offsets(%dma_start3A_80 : memref<250xi32, #tpu.memory_space<vmem>>) semaphore(%arg14 : memref<!tpu.dma_semaphore, #tpu.memory_space<semaphore_mem>>) {add = true}
      %add3A_84 = arith.constant 1 : i32
      %add3A_85 = arith.addi %mul3A_69, %add3A_84 : i32
      %dma_wait3A_86 = arith.constant 0 : i32
      %dma_wait3A_87 = tpu.memref_slice %arg7[%add3A_85, %dma_wait3A_86] : memref<40x250xi32, #tpu.memory_space<vmem>> -> memref<1x250xi32, #tpu.memory_space<vmem>>
      %dma_wait3A_88 = tpu.memref_squeeze %dma_wait3A_87 : memref<1x250xi32, #tpu.memory_space<vmem>> -> memref<250xi32, #tpu.memory_space<vmem>>
      %dma_wait3A_89 = arith.constant 0 : i32
      %dma_wait3A_90 = arith.constant 0 : i32
      %dma_wait3A_91 = tpu.memref_slice %arg4[%dma_wait3A_89, %dma_wait3A_90] : memref<10000x64xf32, #tpu.memory_space<hbm>> -> memref<10000x64xf32, #tpu.memory_space<hbm>>
      tpu.wait_indirect_dma semaphore(%arg13 : memref<!tpu.dma_semaphore, #tpu.memory_space<semaphore_mem>>) src(%dma_wait3A_91 : memref<10000x64xf32, #tpu.memory_space<hbm>>) dst(%arg10 : memref<250x64xf32, #tpu.memory_space<vmem>>)
      %dma_start3A_92 = arith.constant 0 : i32
      %dma_start3A_93 = tpu.memref_slice %arg8[%add3A_85, %dma_start3A_92] : memref<40x250xi32, #tpu.memory_space<vmem>> -> memref<1x250xi32, #tpu.memory_space<vmem>>
      %dma_start3A_94 = tpu.memref_squeeze %dma_start3A_93 : memref<1x250xi32, #tpu.memory_space<vmem>> -> memref<250xi32, #tpu.memory_space<vmem>>
      %dma_start3A_95 = arith.constant 0 : i32
      %dma_start3A_96 = arith.constant 0 : i32
      %dma_start3A_97 = tpu.memref_slice %arg11[%dma_start3A_95, %dma_start3A_96] : memref<10000x64xf32, #tpu.memory_space<vmem_shared>> -> memref<10000x64xf32, #tpu.memory_space<vmem_shared>>
      tpu.enqueue_indirect_dma source(%arg10 : memref<250x64xf32, #tpu.memory_space<vmem>>) target(%dma_start3A_97 : memref<10000x64xf32, #tpu.memory_space<vmem_shared>>) offsets(%dma_start3A_94 : memref<250xi32, #tpu.memory_space<vmem>>) semaphore(%arg15 : memref<!tpu.dma_semaphore, #tpu.memory_space<semaphore_mem>>) {add = true}
      %add3A_98 = arith.constant 0 : i32
      %add3A_99 = arith.addi %mul3A_69, %add3A_98 : i32
      %dma_wait3A_100 = arith.constant 0 : i32
      %dma_wait3A_101 = tpu.memref_slice %arg8[%add3A_99, %dma_wait3A_100] : memref<40x250xi32, #tpu.memory_space<vmem>> -> memref<1x250xi32, #tpu.memory_space<vmem>>
      %dma_wait3A_102 = tpu.memref_squeeze %dma_wait3A_101 : memref<1x250xi32, #tpu.memory_space<vmem>> -> memref<250xi32, #tpu.memory_space<vmem>>
      %dma_wait3A_103 = arith.constant 0 : i32
      %dma_wait3A_104 = arith.constant 0 : i32
      %dma_wait3A_105 = tpu.memref_slice %arg11[%dma_wait3A_103, %dma_wait3A_104] : memref<10000x64xf32, #tpu.memory_space<vmem_shared>> -> memref<10000x64xf32, #tpu.memory_space<vmem_shared>>
      tpu.wait_indirect_dma semaphore(%arg14 : memref<!tpu.dma_semaphore, #tpu.memory_space<semaphore_mem>>) src(%arg9 : memref<250x64xf32, #tpu.memory_space<vmem>>) dst(%dma_wait3A_105 : memref<10000x64xf32, #tpu.memory_space<vmem_shared>>)
      %add3A_106 = arith.constant 2 : i32
      %add3A_107 = arith.addi %mul3A_69, %add3A_106 : i32
      %add3A_108 = arith.constant 0 : i32
      %add3A_109 = arith.addi %add3A_107, %add3A_108 : i32
      %add3A_110 = arith.constant 2 : i32
      %add3A_111 = arith.addi %mul3A_69, %add3A_110 : i32
      %add3A_112 = arith.constant 0 : i32
      %add3A_113 = arith.addi %add3A_111, %add3A_112 : i32
      %lt3A_114 = arith.constant 40 : i32
      %lt3A_115 = arith.cmpi slt, %add3A_113, %lt3A_114 : i32
      %convert_element_type3A_116 = arith.extui %lt3A_115 : i1 to i32
      %cond3A_117 = arith.constant 0 : i32
      %cond3A_118 = arith.cmpi ne, %convert_element_type3A_116, %cond3A_117 : i32
      scf.if %cond3A_118 {
        %dma_start3A_140 = arith.constant 0 : i32
        %dma_start3A_141 = tpu.memref_slice %arg7[%add3A_109, %dma_start3A_140] : memref<40x250xi32, #tpu.memory_space<vmem>> -> memref<1x250xi32, #tpu.memory_space<vmem>>
        %dma_start3A_142 = tpu.memref_squeeze %dma_start3A_141 : memref<1x250xi32, #tpu.memory_space<vmem>> -> memref<250xi32, #tpu.memory_space<vmem>>
        %dma_start3A_143 = arith.constant 0 : i32
        %dma_start3A_144 = arith.constant 0 : i32
        %dma_start3A_145 = tpu.memref_slice %arg4[%dma_start3A_143, %dma_start3A_144] : memref<10000x64xf32, #tpu.memory_space<hbm>> -> memref<10000x64xf32, #tpu.memory_space<hbm>>
        tpu.enqueue_indirect_dma source(%dma_start3A_145 : memref<10000x64xf32, #tpu.memory_space<hbm>>) target(%arg9 : memref<250x64xf32, #tpu.memory_space<vmem>>) offsets(%dma_start3A_142 : memref<250xi32, #tpu.memory_space<vmem>>) semaphore(%arg12 : memref<!tpu.dma_semaphore, #tpu.memory_space<semaphore_mem>>)
      } else {
      }
      %add3A_119 = arith.constant 1 : i32
      %add3A_120 = arith.addi %mul3A_69, %add3A_119 : i32
      %dma_wait3A_121 = arith.constant 0 : i32
      %dma_wait3A_122 = tpu.memref_slice %arg8[%add3A_120, %dma_wait3A_121] : memref<40x250xi32, #tpu.memory_space<vmem>> -> memref<1x250xi32, #tpu.memory_space<vmem>>
      %dma_wait3A_123 = tpu.memref_squeeze %dma_wait3A_122 : memref<1x250xi32, #tpu.memory_space<vmem>> -> memref<250xi32, #tpu.memory_space<vmem>>
      %dma_wait3A_124 = arith.constant 0 : i32
      %dma_wait3A_125 = arith.constant 0 : i32
      %dma_wait3A_126 = tpu.memref_slice %arg11[%dma_wait3A_124, %dma_wait3A_125] : memref<10000x64xf32, #tpu.memory_space<vmem_shared>> -> memref<10000x64xf32, #tpu.memory_space<vmem_shared>>
      tpu.wait_indirect_dma semaphore(%arg15 : memref<!tpu.dma_semaphore, #tpu.memory_space<semaphore_mem>>) src(%arg10 : memref<250x64xf32, #tpu.memory_space<vmem>>) dst(%dma_wait3A_126 : memref<10000x64xf32, #tpu.memory_space<vmem_shared>>)
      %add3A_127 = arith.constant 2 : i32
      %add3A_128 = arith.addi %mul3A_69, %add3A_127 : i32
      %add3A_129 = arith.constant 1 : i32
      %add3A_130 = arith.addi %add3A_128, %add3A_129 : i32
      %add3A_131 = arith.constant 2 : i32
      %add3A_132 = arith.addi %mul3A_69, %add3A_131 : i32
      %add3A_133 = arith.constant 1 : i32
      %add3A_134 = arith.addi %add3A_132, %add3A_133 : i32
      %lt3A_135 = arith.constant 40 : i32
      %lt3A_136 = arith.cmpi slt, %add3A_134, %lt3A_135 : i32
      %convert_element_type3A_137 = arith.extui %lt3A_136 : i1 to i32
      %cond3A_138 = arith.constant 0 : i32
      %cond3A_139 = arith.cmpi ne, %convert_element_type3A_137, %cond3A_138 : i32
      scf.if %cond3A_139 {
        %dma_start3A_140 = arith.constant 0 : i32
        %dma_start3A_141 = tpu.memref_slice %arg7[%add3A_130, %dma_start3A_140] : memref<40x250xi32, #tpu.memory_space<vmem>> -> memref<1x250xi32, #tpu.memory_space<vmem>>
        %dma_start3A_142 = tpu.memref_squeeze %dma_start3A_141 : memref<1x250xi32, #tpu.memory_space<vmem>> -> memref<250xi32, #tpu.memory_space<vmem>>
        %dma_start3A_143 = arith.constant 0 : i32
        %dma_start3A_144 = arith.constant 0 : i32
        %dma_start3A_145 = tpu.memref_slice %arg4[%dma_start3A_143, %dma_start3A_144] : memref<10000x64xf32, #tpu.memory_space<hbm>> -> memref<10000x64xf32, #tpu.memory_space<hbm>>
        tpu.enqueue_indirect_dma source(%dma_start3A_145 : memref<10000x64xf32, #tpu.memory_space<hbm>>) target(%arg10 : memref<250x64xf32, #tpu.memory_space<vmem>>) offsets(%dma_start3A_142 : memref<250xi32, #tpu.memory_space<vmem>>) semaphore(%arg13 : memref<!tpu.dma_semaphore, #tpu.memory_space<semaphore_mem>>)
      } else {
      }
    }
    %scan3A_55 = arith.constant 20 : i32
    %barrier3A_56 = arith.constant 0 : index
    tpu.barrier barrier_id(%barrier3A_56)
    %lt3A_57 = arith.constant 15 : i32
    %lt3A_58 = arith.cmpi slt, %arg1, %lt3A_57 : i32
    %convert_element_type3A_59 = arith.extui %lt3A_58 : i1 to i32
    %cond3A_60 = arith.constant 0 : i32
    %cond3A_61 = arith.cmpi ne, %convert_element_type3A_59, %cond3A_60 : i32
    scf.if %cond3A_61 {
      %mul3A_67 = arith.constant 624 : i32
      %mul3A_68 = arith.muli %arg1, %mul3A_67 : i32
      %mul3A_69 = arith.constant 624 : i32
      %mul3A_70 = arith.muli %arg1, %mul3A_69 : i32
      "tpu.region"() ({
        %run_scoped3A = tpu.sem_alloc : memref<!tpu.dma_semaphore, #tpu.memory_space<semaphore_mem>>
        %dma_start3A_71 = arith.constant 0 : i32
        %dma_start3A_72 = tpu.memref_slice %arg6[%arg0, %mul3A_70, %dma_start3A_71] : memref<2x10000x64xf32, #tpu.memory_space<hbm>> -> memref<1x624x64xf32, #tpu.memory_space<hbm>>
        %dma_start3A_73 = tpu.memref_squeeze %dma_start3A_72 : memref<1x624x64xf32, #tpu.memory_space<hbm>> -> memref<624x64xf32, #tpu.memory_space<hbm>>
        %dma_start3A_74 = arith.constant 0 : i32
        %dma_start3A_75 = tpu.memref_slice %arg11[%mul3A_68, %dma_start3A_74] : memref<10000x64xf32, #tpu.memory_space<vmem_shared>> -> memref<624x64xf32, #tpu.memory_space<vmem_shared>>
        tpu.enqueue_dma source(%dma_start3A_75 : memref<624x64xf32, #tpu.memory_space<vmem_shared>>) target(%dma_start3A_73 : memref<624x64xf32, #tpu.memory_space<hbm>>) target_semaphore(%run_scoped3A : memref<!tpu.dma_semaphore, #tpu.memory_space<semaphore_mem>>)
        %dma_wait3A_76 = arith.constant 0 : i32
        %dma_wait3A_77 = tpu.memref_slice %arg6[%arg0, %mul3A_70, %dma_wait3A_76] : memref<2x10000x64xf32, #tpu.memory_space<hbm>> -> memref<1x624x64xf32, #tpu.memory_space<hbm>>
        %dma_wait3A_78 = tpu.memref_squeeze %dma_wait3A_77 : memref<1x624x64xf32, #tpu.memory_space<hbm>> -> memref<624x64xf32, #tpu.memory_space<hbm>>
        %dma_wait3A_79 = arith.constant 0 : i32
        %dma_wait3A_80 = tpu.memref_slice %arg11[%mul3A_68, %dma_wait3A_79] : memref<10000x64xf32, #tpu.memory_space<vmem_shared>> -> memref<624x64xf32, #tpu.memory_space<vmem_shared>>
        tpu.wait_dma2 semaphore(%run_scoped3A : memref<!tpu.dma_semaphore, #tpu.memory_space<semaphore_mem>>) src(%dma_wait3A_80 : memref<624x64xf32, #tpu.memory_space<vmem_shared>>) dst(%dma_wait3A_78 : memref<624x64xf32, #tpu.memory_space<hbm>>)
        tpu.yield
      }) : () -> ()
    } else {
    }
    %eq3A_62 = arith.constant 15 : i32
    %eq3A_63 = arith.cmpi eq, %arg1, %eq3A_62 : i32
    %convert_element_type3A_64 = arith.extui %eq3A_63 : i1 to i32
    %cond3A_65 = arith.constant 0 : i32
    %cond3A_66 = arith.cmpi ne, %convert_element_type3A_64, %cond3A_65 : i32
    scf.if %cond3A_66 {
      "tpu.region"() ({
        %run_scoped3A = tpu.sem_alloc : memref<!tpu.dma_semaphore, #tpu.memory_space<semaphore_mem>>
        %dma_start3A_67 = arith.constant 9360 : i32
        %dma_start3A_68 = arith.constant 0 : i32
        %dma_start3A_69 = tpu.memref_slice %arg6[%arg0, %dma_start3A_67, %dma_start3A_68] : memref<2x10000x64xf32, #tpu.memory_space<hbm>> -> memref<1x640x64xf32, #tpu.memory_space<hbm>>
        %dma_start3A_70 = tpu.memref_squeeze %dma_start3A_69 : memref<1x640x64xf32, #tpu.memory_space<hbm>> -> memref<640x64xf32, #tpu.memory_space<hbm>>
        %dma_start3A_71 = arith.constant 9360 : i32
        %dma_start3A_72 = arith.constant 0 : i32
        %dma_start3A_73 = tpu.memref_slice %arg11[%dma_start3A_71, %dma_start3A_72] : memref<10000x64xf32, #tpu.memory_space<vmem_shared>> -> memref<640x64xf32, #tpu.memory_space<vmem_shared>>
        tpu.enqueue_dma source(%dma_start3A_73 : memref<640x64xf32, #tpu.memory_space<vmem_shared>>) target(%dma_start3A_70 : memref<640x64xf32, #tpu.memory_space<hbm>>) target_semaphore(%run_scoped3A : memref<!tpu.dma_semaphore, #tpu.memory_space<semaphore_mem>>)
        %dma_wait3A_74 = arith.constant 9360 : i32
        %dma_wait3A_75 = arith.constant 0 : i32
        %dma_wait3A_76 = tpu.memref_slice %arg6[%arg0, %dma_wait3A_74, %dma_wait3A_75] : memref<2x10000x64xf32, #tpu.memory_space<hbm>> -> memref<1x640x64xf32, #tpu.memory_space<hbm>>
        %dma_wait3A_77 = tpu.memref_squeeze %dma_wait3A_76 : memref<1x640x64xf32, #tpu.memory_space<hbm>> -> memref<640x64xf32, #tpu.memory_space<hbm>>
        %dma_wait3A_78 = arith.constant 9360 : i32
        %dma_wait3A_79 = arith.constant 0 : i32
        %dma_wait3A_80 = tpu.memref_slice %arg11[%dma_wait3A_78, %dma_wait3A_79] : memref<10000x64xf32, #tpu.memory_space<vmem_shared>> -> memref<640x64xf32, #tpu.memory_space<vmem_shared>>
        tpu.wait_dma2 semaphore(%run_scoped3A : memref<!tpu.dma_semaphore, #tpu.memory_space<semaphore_mem>>) src(%dma_wait3A_80 : memref<640x64xf32, #tpu.memory_space<vmem_shared>>) dst(%dma_wait3A_77 : memref<640x64xf32, #tpu.memory_space<hbm>>)
        tpu.yield
      }) : () -> ()
    } else {
    }
    return
  }
}

#map = affine_map<(d0, d1) -> (0, 0, 0)>
#map1 = affine_map<(d0, d1) -> (0, 0)>
module attributes {stable_mosaic.version = 14 : i64} {
  func.func @segsum(%arg0: i32, %arg1: i32, %arg2: memref<32x40x250xi32, #tpu.memory_space<hbm>>, %arg3: memref<32x40x250xi32, #tpu.memory_space<hbm>>, %arg4: memref<10000x64xf32, #tpu.memory_space<hbm>>, %arg5: memref<640x64xf32, #tpu.memory_space<hbm>>, %arg6: memref<2x10000x64xf32, #tpu.memory_space<hbm>>, %arg7: memref<40x250xi32, #tpu.memory_space<vmem>>, %arg8: memref<40x250xi32, #tpu.memory_space<vmem>>, %arg9: memref<250x64xf32, #tpu.memory_space<vmem>>, %arg10: memref<250x64xf32, #tpu.memory_space<vmem>>, %arg11: memref<10000x64xf32, #tpu.memory_space<vmem_shared>>, %arg12: memref<!tpu.dma_semaphore, #tpu.memory_space<semaphore_mem>>, %arg13: memref<!tpu.dma_semaphore, #tpu.memory_space<semaphore_mem>>, %arg14: memref<!tpu.dma_semaphore, #tpu.memory_space<semaphore_mem>>, %arg15: memref<!tpu.dma_semaphore, #tpu.memory_space<semaphore_mem>>, %arg16: memref<!tpu.dma_semaphore, #tpu.memory_space<semaphore_mem>>) attributes {dimension_semantics = [#tpu.dimension_semantics<core_parallel>, #tpu.dimension_semantics<subcore_parallel>], iteration_bounds = array<i64: 2, 16>, scalar_prefetch = 0 : i64, scratch_operands = 10 : i64, tpu.core_type = #tpu.core_type<sc_vector_subcore>, window_params = [{transform_indices = #map}, {transform_indices = #map}, {transform_indices = #map1}, {transform_indices = #map1}, {transform_indices = #map}]} {
    %mul3A = arith.constant 2 : i32
    %mul3A_0 = arith.muli %arg1, %mul3A : i32
    %add3A = arith.addi %mul3A_0, %arg0 : i32
    %lt3A = arith.constant 15 : i32
    %lt3A_1 = arith.cmpi slt, %arg1, %lt3A : i32
    %convert_element_type3A = arith.extui %lt3A_1 : i1 to i32
    %cond3A = arith.constant 0 : i32
    %cond3A_2 = arith.cmpi ne, %convert_element_type3A, %cond3A : i32
    scf.if %cond3A_2 {
      %mul3A_67 = arith.constant 624 : i32
      %mul3A_68 = arith.muli %arg1, %mul3A_67 : i32
      "tpu.region"() ({
        %run_scoped3A = tpu.sem_alloc : memref<!tpu.dma_semaphore, #tpu.memory_space<semaphore_mem>>
        %dma_start3A_69 = arith.constant 0 : i32
        %dma_start3A_70 = tpu.memref_slice %arg11[%mul3A_68, %dma_start3A_69] : memref<10000x64xf32, #tpu.memory_space<vmem_shared>> -> memref<624x64xf32, #tpu.memory_space<vmem_shared>>
        %dma_start3A_71 = arith.constant 0 : i32
        %dma_start3A_72 = arith.constant 0 : i32
        %dma_start3A_73 = tpu.memref_slice %arg5[%dma_start3A_71, %dma_start3A_72] : memref<640x64xf32, #tpu.memory_space<hbm>> -> memref<624x64xf32, #tpu.memory_space<hbm>>
        tpu.enqueue_dma source(%dma_start3A_73 : memref<624x64xf32, #tpu.memory_space<hbm>>) target(%dma_start3A_70 : memref<624x64xf32, #tpu.memory_space<vmem_shared>>) target_semaphore(%run_scoped3A : memref<!tpu.dma_semaphore, #tpu.memory_space<semaphore_mem>>)
        %dma_wait3A_74 = arith.constant 0 : i32
        %dma_wait3A_75 = tpu.memref_slice %arg11[%mul3A_68, %dma_wait3A_74] : memref<10000x64xf32, #tpu.memory_space<vmem_shared>> -> memref<624x64xf32, #tpu.memory_space<vmem_shared>>
        %dma_wait3A_76 = arith.constant 0 : i32
        %dma_wait3A_77 = arith.constant 0 : i32
        %dma_wait3A_78 = tpu.memref_slice %arg5[%dma_wait3A_76, %dma_wait3A_77] : memref<640x64xf32, #tpu.memory_space<hbm>> -> memref<624x64xf32, #tpu.memory_space<hbm>>
        tpu.wait_dma2 semaphore(%run_scoped3A : memref<!tpu.dma_semaphore, #tpu.memory_space<semaphore_mem>>) src(%dma_wait3A_78 : memref<624x64xf32, #tpu.memory_space<hbm>>) dst(%dma_wait3A_75 : memref<624x64xf32, #tpu.memory_space<vmem_shared>>)
        tpu.yield
      }) : () -> ()
    } else {
    }
    %eq3A = arith.constant 15 : i32
    %eq3A_3 = arith.cmpi eq, %arg1, %eq3A : i32
    %convert_element_type3A_4 = arith.extui %eq3A_3 : i1 to i32
    %cond3A_5 = arith.constant 0 : i32
    %cond3A_6 = arith.cmpi ne, %convert_element_type3A_4, %cond3A_5 : i32
    scf.if %cond3A_6 {
      "tpu.region"() ({
        %run_scoped3A = tpu.sem_alloc : memref<!tpu.dma_semaphore, #tpu.memory_space<semaphore_mem>>
        %dma_start3A_67 = arith.constant 9360 : i32
        %dma_start3A_68 = arith.constant 0 : i32
        %dma_start3A_69 = tpu.memref_slice %arg11[%dma_start3A_67, %dma_start3A_68] : memref<10000x64xf32, #tpu.memory_space<vmem_shared>> -> memref<640x64xf32, #tpu.memory_space<vmem_shared>>
        tpu.enqueue_dma source(%arg5 : memref<640x64xf32, #tpu.memory_space<hbm>>) target(%dma_start3A_69 : memref<640x64xf32, #tpu.memory_space<vmem_shared>>) target_semaphore(%run_scoped3A : memref<!tpu.dma_semaphore, #tpu.memory_space<semaphore_mem>>)
        %dma_wait3A_70 = arith.constant 9360 : i32
        %dma_wait3A_71 = arith.constant 0 : i32
        %dma_wait3A_72 = tpu.memref_slice %arg11[%dma_wait3A_70, %dma_wait3A_71] : memref<10000x64xf32, #tpu.memory_space<vmem_shared>> -> memref<640x64xf32, #tpu.memory_space<vmem_shared>>
        tpu.wait_dma2 semaphore(%run_scoped3A : memref<!tpu.dma_semaphore, #tpu.memory_space<semaphore_mem>>) src(%arg5 : memref<640x64xf32, #tpu.memory_space<hbm>>) dst(%dma_wait3A_72 : memref<640x64xf32, #tpu.memory_space<vmem_shared>>)
        tpu.yield
      }) : () -> ()
    } else {
    }
    %dma_start3A = arith.constant 0 : i32
    %dma_start3A_7 = arith.constant 0 : i32
    %dma_start3A_8 = tpu.memref_slice %arg2[%add3A, %dma_start3A, %dma_start3A_7] : memref<32x40x250xi32, #tpu.memory_space<hbm>> -> memref<1x40x250xi32, #tpu.memory_space<hbm>>
    %dma_start3A_9 = tpu.memref_squeeze %dma_start3A_8 : memref<1x40x250xi32, #tpu.memory_space<hbm>> -> memref<40x250xi32, #tpu.memory_space<hbm>>
    %dma_start3A_10 = arith.constant 0 : i32
    %dma_start3A_11 = arith.constant 0 : i32
    %dma_start3A_12 = tpu.memref_slice %arg2[%add3A, %dma_start3A_10, %dma_start3A_11] : memref<32x40x250xi32, #tpu.memory_space<hbm>> -> memref<1x40x250xi32, #tpu.memory_space<hbm>>
    %dma_start3A_13 = tpu.memref_squeeze %dma_start3A_12 : memref<1x40x250xi32, #tpu.memory_space<hbm>> -> memref<40x250xi32, #tpu.memory_space<hbm>>
    tpu.enqueue_dma source(%dma_start3A_13 : memref<40x250xi32, #tpu.memory_space<hbm>>) target(%arg7 : memref<40x250xi32, #tpu.memory_space<vmem>>) target_semaphore(%arg16 : memref<!tpu.dma_semaphore, #tpu.memory_space<semaphore_mem>>)
    %dma_start3A_14 = arith.constant 0 : i32
    %dma_start3A_15 = arith.constant 0 : i32
    %dma_start3A_16 = tpu.memref_slice %arg3[%add3A, %dma_start3A_14, %dma_start3A_15] : memref<32x40x250xi32, #tpu.memory_space<hbm>> -> memref<1x40x250xi32, #tpu.memory_space<hbm>>
    %dma_start3A_17 = tpu.memref_squeeze %dma_start3A_16 : memref<1x40x250xi32, #tpu.memory_space<hbm>> -> memref<40x250xi32, #tpu.memory_space<hbm>>
    %dma_start3A_18 = arith.constant 0 : i32
    %dma_start3A_19 = arith.constant 0 : i32
    %dma_start3A_20 = tpu.memref_slice %arg3[%add3A, %dma_start3A_18, %dma_start3A_19] : memref<32x40x250xi32, #tpu.memory_space<hbm>> -> memref<1x40x250xi32, #tpu.memory_space<hbm>>
    %dma_start3A_21 = tpu.memref_squeeze %dma_start3A_20 : memref<1x40x250xi32, #tpu.memory_space<hbm>> -> memref<40x250xi32, #tpu.memory_space<hbm>>
    tpu.enqueue_dma source(%dma_start3A_21 : memref<40x250xi32, #tpu.memory_space<hbm>>) target(%arg8 : memref<40x250xi32, #tpu.memory_space<vmem>>) target_semaphore(%arg16 : memref<!tpu.dma_semaphore, #tpu.memory_space<semaphore_mem>>)
    %dma_wait3A = arith.constant 0 : i32
    %dma_wait3A_22 = arith.constant 0 : i32
    %dma_wait3A_23 = tpu.memref_slice %arg3[%add3A, %dma_wait3A, %dma_wait3A_22] : memref<32x40x250xi32, #tpu.memory_space<hbm>> -> memref<1x40x250xi32, #tpu.memory_space<hbm>>
    %dma_wait3A_24 = tpu.memref_squeeze %dma_wait3A_23 : memref<1x40x250xi32, #tpu.memory_space<hbm>> -> memref<40x250xi32, #tpu.memory_space<hbm>>
    %dma_wait3A_25 = arith.constant 0 : i32
    %dma_wait3A_26 = arith.constant 0 : i32
    %dma_wait3A_27 = tpu.memref_slice %arg3[%add3A, %dma_wait3A_25, %dma_wait3A_26] : memref<32x40x250xi32, #tpu.memory_space<hbm>> -> memref<1x40x250xi32, #tpu.memory_space<hbm>>
    %dma_wait3A_28 = tpu.memref_squeeze %dma_wait3A_27 : memref<1x40x250xi32, #tpu.memory_space<hbm>> -> memref<40x250xi32, #tpu.memory_space<hbm>>
    tpu.wait_dma2 semaphore(%arg16 : memref<!tpu.dma_semaphore, #tpu.memory_space<semaphore_mem>>) src(%dma_wait3A_28 : memref<40x250xi32, #tpu.memory_space<hbm>>) dst(%arg8 : memref<40x250xi32, #tpu.memory_space<vmem>>)
    %dma_wait3A_29 = arith.constant 0 : i32
    %dma_wait3A_30 = arith.constant 0 : i32
    %dma_wait3A_31 = tpu.memref_slice %arg2[%add3A, %dma_wait3A_29, %dma_wait3A_30] : memref<32x40x250xi32, #tpu.memory_space<hbm>> -> memref<1x40x250xi32, #tpu.memory_space<hbm>>
    %dma_wait3A_32 = tpu.memref_squeeze %dma_wait3A_31 : memref<1x40x250xi32, #tpu.memory_space<hbm>> -> memref<40x250xi32, #tpu.memory_space<hbm>>
    %dma_wait3A_33 = arith.constant 0 : i32
    %dma_wait3A_34 = arith.constant 0 : i32
    %dma_wait3A_35 = tpu.memref_slice %arg2[%add3A, %dma_wait3A_33, %dma_wait3A_34] : memref<32x40x250xi32, #tpu.memory_space<hbm>> -> memref<1x40x250xi32, #tpu.memory_space<hbm>>
    %dma_wait3A_36 = tpu.memref_squeeze %dma_wait3A_35 : memref<1x40x250xi32, #tpu.memory_space<hbm>> -> memref<40x250xi32, #tpu.memory_space<hbm>>
    tpu.wait_dma2 semaphore(%arg16 : memref<!tpu.dma_semaphore, #tpu.memory_space<semaphore_mem>>) src(%dma_wait3A_36 : memref<40x250xi32, #tpu.memory_space<hbm>>) dst(%arg7 : memref<40x250xi32, #tpu.memory_space<vmem>>)
    %barrier3A = arith.constant 0 : index
    tpu.barrier barrier_id(%barrier3A)
    %dma_start3A_37 = arith.constant 0 : i32
    %dma_start3A_38 = arith.constant 0 : i32
    %dma_start3A_39 = tpu.memref_slice %arg7[%dma_start3A_37, %dma_start3A_38] : memref<40x250xi32, #tpu.memory_space<vmem>> -> memref<1x250xi32, #tpu.memory_space<vmem>>
    %dma_start3A_40 = tpu.memref_squeeze %dma_start3A_39 : memref<1x250xi32, #tpu.memory_space<vmem>> -> memref<250xi32, #tpu.memory_space<vmem>>
    %dma_start3A_41 = arith.constant 0 : i32
    %dma_start3A_42 = arith.constant 0 : i32
    %dma_start3A_43 = tpu.memref_slice %arg4[%dma_start3A_41, %dma_start3A_42] : memref<10000x64xf32, #tpu.memory_space<hbm>> -> memref<10000x64xf32, #tpu.memory_space<hbm>>
    tpu.enqueue_indirect_dma source(%dma_start3A_43 : memref<10000x64xf32, #tpu.memory_space<hbm>>) target(%arg9 : memref<250x64xf32, #tpu.memory_space<vmem>>) offsets(%dma_start3A_40 : memref<250xi32, #tpu.memory_space<vmem>>) semaphore(%arg12 : memref<!tpu.dma_semaphore, #tpu.memory_space<semaphore_mem>>)
    %dma_start3A_44 = arith.constant 1 : i32
    %dma_start3A_45 = arith.constant 0 : i32
    %dma_start3A_46 = tpu.memref_slice %arg7[%dma_start3A_44, %dma_start3A_45] : memref<40x250xi32, #tpu.memory_space<vmem>> -> memref<1x250xi32, #tpu.memory_space<vmem>>
    %dma_start3A_47 = tpu.memref_squeeze %dma_start3A_46 : memref<1x250xi32, #tpu.memory_space<vmem>> -> memref<250xi32, #tpu.memory_space<vmem>>
    %dma_start3A_48 = arith.constant 0 : i32
    %dma_start3A_49 = arith.constant 0 : i32
    %dma_start3A_50 = tpu.memref_slice %arg4[%dma_start3A_48, %dma_start3A_49] : memref<10000x64xf32, #tpu.memory_space<hbm>> -> memref<10000x64xf32, #tpu.memory_space<hbm>>
    tpu.enqueue_indirect_dma source(%dma_start3A_50 : memref<10000x64xf32, #tpu.memory_space<hbm>>) target(%arg10 : memref<250x64xf32, #tpu.memory_space<vmem>>) offsets(%dma_start3A_47 : memref<250xi32, #tpu.memory_space<vmem>>) semaphore(%arg13 : memref<!tpu.dma_semaphore, #tpu.memory_space<semaphore_mem>>)
    %scan3A = arith.constant 0 : i32
    %scan3A_51 = arith.constant 0 : i32
    %scan3A_52 = arith.constant 20 : i32
    %scan3A_53 = arith.addi %scan3A_51, %scan3A_52 : i32
    %scan3A_54 = arith.constant 1 : i32
    scf.for %scan3A_67 = %scan3A_51 to %scan3A_53 step %scan3A_54  : i32 {
      %mul3A_68 = arith.constant 2 : i32
      %mul3A_69 = arith.muli %mul3A_68, %scan3A_67 : i32
      %add3A_70 = arith.constant 0 : i32
      %add3A_71 = arith.addi %mul3A_69, %add3A_70 : i32
      %dma_wait3A_72 = arith.constant 0 : i32
      %dma_wait3A_73 = tpu.memref_slice %arg7[%add3A_71, %dma_wait3A_72] : memref<40x250xi32, #tpu.memory_space<vmem>> -> memref<1x250xi32, #tpu.memory_space<vmem>>
      %dma_wait3A_74 = tpu.memref_squeeze %dma_wait3A_73 : memref<1x250xi32, #tpu.memory_space<vmem>> -> memref<250xi32, #tpu.memory_space<vmem>>
      %dma_wait3A_75 = arith.constant 0 : i32
      %dma_wait3A_76 = arith.constant 0 : i32
      %dma_wait3A_77 = tpu.memref_slice %arg4[%dma_wait3A_75, %dma_wait3A_76] : memref<10000x64xf32, #tpu.memory_space<hbm>> -> memref<10000x64xf32, #tpu.memory_space<hbm>>
      tpu.wait_indirect_dma semaphore(%arg12 : memref<!tpu.dma_semaphore, #tpu.memory_space<semaphore_mem>>) src(%dma_wait3A_77 : memref<10000x64xf32, #tpu.memory_space<hbm>>) dst(%arg9 : memref<250x64xf32, #tpu.memory_space<vmem>>)
      %dma_start3A_78 = arith.constant 0 : i32
      %dma_start3A_79 = tpu.memref_slice %arg8[%add3A_71, %dma_start3A_78] : memref<40x250xi32, #tpu.memory_space<vmem>> -> memref<1x250xi32, #tpu.memory_space<vmem>>
      %dma_start3A_80 = tpu.memref_squeeze %dma_start3A_79 : memref<1x250xi32, #tpu.memory_space<vmem>> -> memref<250xi32, #tpu.memory_space<vmem>>
      %dma_start3A_81 = arith.constant 0 : i32
      %dma_start3A_82 = arith.constant 0 : i32
      %dma_start3A_83 = tpu.memref_slice %arg11[%dma_start3A_81, %dma_start3A_82] : memref<10000x64xf32, #tpu.memory_space<vmem_shared>> -> memref<10000x64xf32, #tpu.memory_space<vmem_shared>>
      tpu.enqueue_indirect_dma source(%arg9 : memref<250x64xf32, #tpu.memory_space<vmem>>) target(%dma_start3A_83 : memref<10000x64xf32, #tpu.memory_space<vmem_shared>>) offsets(%dma_start3A_80 : memref<250xi32, #tpu.memory_space<vmem>>) semaphore(%arg14 : memref<!tpu.dma_semaphore, #tpu.memory_space<semaphore_mem>>) {add = true}
      %add3A_84 = arith.constant 1 : i32
      %add3A_85 = arith.addi %mul3A_69, %add3A_84 : i32
      %dma_wait3A_86 = arith.constant 0 : i32
      %dma_wait3A_87 = tpu.memref_slice %arg7[%add3A_85, %dma_wait3A_86] : memref<40x250xi32, #tpu.memory_space<vmem>> -> memref<1x250xi32, #tpu.memory_space<vmem>>
      %dma_wait3A_88 = tpu.memref_squeeze %dma_wait3A_87 : memref<1x250xi32, #tpu.memory_space<vmem>> -> memref<250xi32, #tpu.memory_space<vmem>>
      %dma_wait3A_89 = arith.constant 0 : i32
      %dma_wait3A_90 = arith.constant 0 : i32
      %dma_wait3A_91 = tpu.memref_slice %arg4[%dma_wait3A_89, %dma_wait3A_90] : memref<10000x64xf32, #tpu.memory_space<hbm>> -> memref<10000x64xf32, #tpu.memory_space<hbm>>
      tpu.wait_indirect_dma semaphore(%arg13 : memref<!tpu.dma_semaphore, #tpu.memory_space<semaphore_mem>>) src(%dma_wait3A_91 : memref<10000x64xf32, #tpu.memory_space<hbm>>) dst(%arg10 : memref<250x64xf32, #tpu.memory_space<vmem>>)
      %dma_start3A_92 = arith.constant 0 : i32
      %dma_start3A_93 = tpu.memref_slice %arg8[%add3A_85, %dma_start3A_92] : memref<40x250xi32, #tpu.memory_space<vmem>> -> memref<1x250xi32, #tpu.memory_space<vmem>>
      %dma_start3A_94 = tpu.memref_squeeze %dma_start3A_93 : memref<1x250xi32, #tpu.memory_space<vmem>> -> memref<250xi32, #tpu.memory_space<vmem>>
      %dma_start3A_95 = arith.constant 0 : i32
      %dma_start3A_96 = arith.constant 0 : i32
      %dma_start3A_97 = tpu.memref_slice %arg11[%dma_start3A_95, %dma_start3A_96] : memref<10000x64xf32, #tpu.memory_space<vmem_shared>> -> memref<10000x64xf32, #tpu.memory_space<vmem_shared>>
      tpu.enqueue_indirect_dma source(%arg10 : memref<250x64xf32, #tpu.memory_space<vmem>>) target(%dma_start3A_97 : memref<10000x64xf32, #tpu.memory_space<vmem_shared>>) offsets(%dma_start3A_94 : memref<250xi32, #tpu.memory_space<vmem>>) semaphore(%arg15 : memref<!tpu.dma_semaphore, #tpu.memory_space<semaphore_mem>>) {add = true}
      %add3A_98 = arith.constant 0 : i32
      %add3A_99 = arith.addi %mul3A_69, %add3A_98 : i32
      %dma_wait3A_100 = arith.constant 0 : i32
      %dma_wait3A_101 = tpu.memref_slice %arg8[%add3A_99, %dma_wait3A_100] : memref<40x250xi32, #tpu.memory_space<vmem>> -> memref<1x250xi32, #tpu.memory_space<vmem>>
      %dma_wait3A_102 = tpu.memref_squeeze %dma_wait3A_101 : memref<1x250xi32, #tpu.memory_space<vmem>> -> memref<250xi32, #tpu.memory_space<vmem>>
      %dma_wait3A_103 = arith.constant 0 : i32
      %dma_wait3A_104 = arith.constant 0 : i32
      %dma_wait3A_105 = tpu.memref_slice %arg11[%dma_wait3A_103, %dma_wait3A_104] : memref<10000x64xf32, #tpu.memory_space<vmem_shared>> -> memref<10000x64xf32, #tpu.memory_space<vmem_shared>>
      tpu.wait_indirect_dma semaphore(%arg14 : memref<!tpu.dma_semaphore, #tpu.memory_space<semaphore_mem>>) src(%arg9 : memref<250x64xf32, #tpu.memory_space<vmem>>) dst(%dma_wait3A_105 : memref<10000x64xf32, #tpu.memory_space<vmem_shared>>)
      %add3A_106 = arith.constant 2 : i32
      %add3A_107 = arith.addi %mul3A_69, %add3A_106 : i32
      %add3A_108 = arith.constant 0 : i32
      %add3A_109 = arith.addi %add3A_107, %add3A_108 : i32
      %add3A_110 = arith.constant 2 : i32
      %add3A_111 = arith.addi %mul3A_69, %add3A_110 : i32
      %add3A_112 = arith.constant 0 : i32
      %add3A_113 = arith.addi %add3A_111, %add3A_112 : i32
      %lt3A_114 = arith.constant 40 : i32
      %lt3A_115 = arith.cmpi slt, %add3A_113, %lt3A_114 : i32
      %convert_element_type3A_116 = arith.extui %lt3A_115 : i1 to i32
      %cond3A_117 = arith.constant 0 : i32
      %cond3A_118 = arith.cmpi ne, %convert_element_type3A_116, %cond3A_117 : i32
      scf.if %cond3A_118 {
        %dma_start3A_140 = arith.constant 0 : i32
        %dma_start3A_141 = tpu.memref_slice %arg7[%add3A_109, %dma_start3A_140] : memref<40x250xi32, #tpu.memory_space<vmem>> -> memref<1x250xi32, #tpu.memory_space<vmem>>
        %dma_start3A_142 = tpu.memref_squeeze %dma_start3A_141 : memref<1x250xi32, #tpu.memory_space<vmem>> -> memref<250xi32, #tpu.memory_space<vmem>>
        %dma_start3A_143 = arith.constant 0 : i32
        %dma_start3A_144 = arith.constant 0 : i32
        %dma_start3A_145 = tpu.memref_slice %arg4[%dma_start3A_143, %dma_start3A_144] : memref<10000x64xf32, #tpu.memory_space<hbm>> -> memref<10000x64xf32, #tpu.memory_space<hbm>>
        tpu.enqueue_indirect_dma source(%dma_start3A_145 : memref<10000x64xf32, #tpu.memory_space<hbm>>) target(%arg9 : memref<250x64xf32, #tpu.memory_space<vmem>>) offsets(%dma_start3A_142 : memref<250xi32, #tpu.memory_space<vmem>>) semaphore(%arg12 : memref<!tpu.dma_semaphore, #tpu.memory_space<semaphore_mem>>)
      } else {
      }
      %add3A_119 = arith.constant 1 : i32
      %add3A_120 = arith.addi %mul3A_69, %add3A_119 : i32
      %dma_wait3A_121 = arith.constant 0 : i32
      %dma_wait3A_122 = tpu.memref_slice %arg8[%add3A_120, %dma_wait3A_121] : memref<40x250xi32, #tpu.memory_space<vmem>> -> memref<1x250xi32, #tpu.memory_space<vmem>>
      %dma_wait3A_123 = tpu.memref_squeeze %dma_wait3A_122 : memref<1x250xi32, #tpu.memory_space<vmem>> -> memref<250xi32, #tpu.memory_space<vmem>>
      %dma_wait3A_124 = arith.constant 0 : i32
      %dma_wait3A_125 = arith.constant 0 : i32
      %dma_wait3A_126 = tpu.memref_slice %arg11[%dma_wait3A_124, %dma_wait3A_125] : memref<10000x64xf32, #tpu.memory_space<vmem_shared>> -> memref<10000x64xf32, #tpu.memory_space<vmem_shared>>
      tpu.wait_indirect_dma semaphore(%arg15 : memref<!tpu.dma_semaphore, #tpu.memory_space<semaphore_mem>>) src(%arg10 : memref<250x64xf32, #tpu.memory_space<vmem>>) dst(%dma_wait3A_126 : memref<10000x64xf32, #tpu.memory_space<vmem_shared>>)
      %add3A_127 = arith.constant 2 : i32
      %add3A_128 = arith.addi %mul3A_69, %add3A_127 : i32
      %add3A_129 = arith.constant 1 : i32
      %add3A_130 = arith.addi %add3A_128, %add3A_129 : i32
      %add3A_131 = arith.constant 2 : i32
      %add3A_132 = arith.addi %mul3A_69, %add3A_131 : i32
      %add3A_133 = arith.constant 1 : i32
      %add3A_134 = arith.addi %add3A_132, %add3A_133 : i32
      %lt3A_135 = arith.constant 40 : i32
      %lt3A_136 = arith.cmpi slt, %add3A_134, %lt3A_135 : i32
      %convert_element_type3A_137 = arith.extui %lt3A_136 : i1 to i32
      %cond3A_138 = arith.constant 0 : i32
      %cond3A_139 = arith.cmpi ne, %convert_element_type3A_137, %cond3A_138 : i32
      scf.if %cond3A_139 {
        %dma_start3A_140 = arith.constant 0 : i32
        %dma_start3A_141 = tpu.memref_slice %arg7[%add3A_130, %dma_start3A_140] : memref<40x250xi32, #tpu.memory_space<vmem>> -> memref<1x250xi32, #tpu.memory_space<vmem>>
        %dma_start3A_142 = tpu.memref_squeeze %dma_start3A_141 : memref<1x250xi32, #tpu.memory_space<vmem>> -> memref<250xi32, #tpu.memory_space<vmem>>
        %dma_start3A_143 = arith.constant 0 : i32
        %dma_start3A_144 = arith.constant 0 : i32
        %dma_start3A_145 = tpu.memref_slice %arg4[%dma_start3A_143, %dma_start3A_144] : memref<10000x64xf32, #tpu.memory_space<hbm>> -> memref<10000x64xf32, #tpu.memory_space<hbm>>
        tpu.enqueue_indirect_dma source(%dma_start3A_145 : memref<10000x64xf32, #tpu.memory_space<hbm>>) target(%arg10 : memref<250x64xf32, #tpu.memory_space<vmem>>) offsets(%dma_start3A_142 : memref<250xi32, #tpu.memory_space<vmem>>) semaphore(%arg13 : memref<!tpu.dma_semaphore, #tpu.memory_space<semaphore_mem>>)
      } else {
      }
    }
    %scan3A_55 = arith.constant 20 : i32
    %barrier3A_56 = arith.constant 0 : index
    tpu.barrier barrier_id(%barrier3A_56)
    %lt3A_57 = arith.constant 15 : i32
    %lt3A_58 = arith.cmpi slt, %arg1, %lt3A_57 : i32
    %convert_element_type3A_59 = arith.extui %lt3A_58 : i1 to i32
    %cond3A_60 = arith.constant 0 : i32
    %cond3A_61 = arith.cmpi ne, %convert_element_type3A_59, %cond3A_60 : i32
    scf.if %cond3A_61 {
      %mul3A_67 = arith.constant 624 : i32
      %mul3A_68 = arith.muli %arg1, %mul3A_67 : i32
      %mul3A_69 = arith.constant 624 : i32
      %mul3A_70 = arith.muli %arg1, %mul3A_69 : i32
      "tpu.region"() ({
        %run_scoped3A = tpu.sem_alloc : memref<!tpu.dma_semaphore, #tpu.memory_space<semaphore_mem>>
        %dma_start3A_71 = arith.constant 0 : i32
        %dma_start3A_72 = tpu.memref_slice %arg6[%arg0, %mul3A_70, %dma_start3A_71] : memref<2x10000x64xf32, #tpu.memory_space<hbm>> -> memref<1x624x64xf32, #tpu.memory_space<hbm>>
        %dma_start3A_73 = tpu.memref_squeeze %dma_start3A_72 : memref<1x624x64xf32, #tpu.memory_space<hbm>> -> memref<624x64xf32, #tpu.memory_space<hbm>>
        %dma_start3A_74 = arith.constant 0 : i32
        %dma_start3A_75 = tpu.memref_slice %arg11[%mul3A_68, %dma_start3A_74] : memref<10000x64xf32, #tpu.memory_space<vmem_shared>> -> memref<624x64xf32, #tpu.memory_space<vmem_shared>>
        tpu.enqueue_dma source(%dma_start3A_75 : memref<624x64xf32, #tpu.memory_space<vmem_shared>>) target(%dma_start3A_73 : memref<624x64xf32, #tpu.memory_space<hbm>>) target_semaphore(%run_scoped3A : memref<!tpu.dma_semaphore, #tpu.memory_space<semaphore_mem>>)
        %dma_wait3A_76 = arith.constant 0 : i32
        %dma_wait3A_77 = tpu.memref_slice %arg6[%arg0, %mul3A_70, %dma_wait3A_76] : memref<2x10000x64xf32, #tpu.memory_space<hbm>> -> memref<1x624x64xf32, #tpu.memory_space<hbm>>
        %dma_wait3A_78 = tpu.memref_squeeze %dma_wait3A_77 : memref<1x624x64xf32, #tpu.memory_space<hbm>> -> memref<624x64xf32, #tpu.memory_space<hbm>>
        %dma_wait3A_79 = arith.constant 0 : i32
        %dma_wait3A_80 = tpu.memref_slice %arg11[%mul3A_68, %dma_wait3A_79] : memref<10000x64xf32, #tpu.memory_space<vmem_shared>> -> memref<624x64xf32, #tpu.memory_space<vmem_shared>>
        tpu.wait_dma2 semaphore(%run_scoped3A : memref<!tpu.dma_semaphore, #tpu.memory_space<semaphore_mem>>) src(%dma_wait3A_80 : memref<624x64xf32, #tpu.memory_space<vmem_shared>>) dst(%dma_wait3A_78 : memref<624x64xf32, #tpu.memory_space<hbm>>)
        tpu.yield
      }) : () -> ()
    } else {
    }
    %eq3A_62 = arith.constant 15 : i32
    %eq3A_63 = arith.cmpi eq, %arg1, %eq3A_62 : i32
    %convert_element_type3A_64 = arith.extui %eq3A_63 : i1 to i32
    %cond3A_65 = arith.constant 0 : i32
    %cond3A_66 = arith.cmpi ne, %convert_element_type3A_64, %cond3A_65 : i32
    scf.if %cond3A_66 {
      "tpu.region"() ({
        %run_scoped3A = tpu.sem_alloc : memref<!tpu.dma_semaphore, #tpu.memory_space<semaphore_mem>>
        %dma_start3A_67 = arith.constant 9360 : i32
        %dma_start3A_68 = arith.constant 0 : i32
        %dma_start3A_69 = tpu.memref_slice %arg6[%arg0, %dma_start3A_67, %dma_start3A_68] : memref<2x10000x64xf32, #tpu.memory_space<hbm>> -> memref<1x640x64xf32, #tpu.memory_space<hbm>>
        %dma_start3A_70 = tpu.memref_squeeze %dma_start3A_69 : memref<1x640x64xf32, #tpu.memory_space<hbm>> -> memref<640x64xf32, #tpu.memory_space<hbm>>
        %dma_start3A_71 = arith.constant 9360 : i32
        %dma_start3A_72 = arith.constant 0 : i32
        %dma_start3A_73 = tpu.memref_slice %arg11[%dma_start3A_71, %dma_start3A_72] : memref<10000x64xf32, #tpu.memory_space<vmem_shared>> -> memref<640x64xf32, #tpu.memory_space<vmem_shared>>
        tpu.enqueue_dma source(%dma_start3A_73 : memref<640x64xf32, #tpu.memory_space<vmem_shared>>) target(%dma_start3A_70 : memref<640x64xf32, #tpu.memory_space<hbm>>) target_semaphore(%run_scoped3A : memref<!tpu.dma_semaphore, #tpu.memory_space<semaphore_mem>>)
        %dma_wait3A_74 = arith.constant 9360 : i32
        %dma_wait3A_75 = arith.constant 0 : i32
        %dma_wait3A_76 = tpu.memref_slice %arg6[%arg0, %dma_wait3A_74, %dma_wait3A_75] : memref<2x10000x64xf32, #tpu.memory_space<hbm>> -> memref<1x640x64xf32, #tpu.memory_space<hbm>>
        %dma_wait3A_77 = tpu.memref_squeeze %dma_wait3A_76 : memref<1x640x64xf32, #tpu.memory_space<hbm>> -> memref<640x64xf32, #tpu.memory_space<hbm>>
        %dma_wait3A_78 = arith.constant 9360 : i32
        %dma_wait3A_79 = arith.constant 0 : i32
        %dma_wait3A_80 = tpu.memref_slice %arg11[%dma_wait3A_78, %dma_wait3A_79] : memref<10000x64xf32, #tpu.memory_space<vmem_shared>> -> memref<640x64xf32, #tpu.memory_space<vmem_shared>>
        tpu.wait_dma2 semaphore(%run_scoped3A : memref<!tpu.dma_semaphore, #tpu.memory_space<semaphore_mem>>) src(%dma_wait3A_80 : memref<640x64xf32, #tpu.memory_space<vmem_shared>>) dst(%dma_wait3A_77 : memref<640x64xf32, #tpu.memory_space<hbm>>)
        tpu.yield
      }) : () -> ()
    } else {
    }
    return
  }
}

#map = affine_map<(d0, d1) -> (0, 0, 0)>
#map1 = affine_map<(d0, d1) -> (0, 0)>
module attributes {stable_mosaic.version = 14 : i64} {
  func.func @segsum(%arg0: i32, %arg1: i32, %arg2: memref<32x40x250xi32, #tpu.memory_space<hbm>>, %arg3: memref<32x40x250xi32, #tpu.memory_space<hbm>>, %arg4: memref<10000x80xf32, #tpu.memory_space<hbm>>, %arg5: memref<640x80xf32, #tpu.memory_space<hbm>>, %arg6: memref<2x10000x80xf32, #tpu.memory_space<hbm>>, %arg7: memref<40x250xi32, #tpu.memory_space<vmem>>, %arg8: memref<40x250xi32, #tpu.memory_space<vmem>>, %arg9: memref<250x80xf32, #tpu.memory_space<vmem>>, %arg10: memref<250x80xf32, #tpu.memory_space<vmem>>, %arg11: memref<10000x80xf32, #tpu.memory_space<vmem_shared>>, %arg12: memref<!tpu.dma_semaphore, #tpu.memory_space<semaphore_mem>>, %arg13: memref<!tpu.dma_semaphore, #tpu.memory_space<semaphore_mem>>, %arg14: memref<!tpu.dma_semaphore, #tpu.memory_space<semaphore_mem>>, %arg15: memref<!tpu.dma_semaphore, #tpu.memory_space<semaphore_mem>>, %arg16: memref<!tpu.dma_semaphore, #tpu.memory_space<semaphore_mem>>) attributes {dimension_semantics = [#tpu.dimension_semantics<core_parallel>, #tpu.dimension_semantics<subcore_parallel>], iteration_bounds = array<i64: 2, 16>, scalar_prefetch = 0 : i64, scratch_operands = 10 : i64, tpu.core_type = #tpu.core_type<sc_vector_subcore>, window_params = [{transform_indices = #map}, {transform_indices = #map}, {transform_indices = #map1}, {transform_indices = #map1}, {transform_indices = #map}]} {
    %mul3A = arith.constant 2 : i32
    %mul3A_0 = arith.muli %arg1, %mul3A : i32
    %add3A = arith.addi %mul3A_0, %arg0 : i32
    %lt3A = arith.constant 15 : i32
    %lt3A_1 = arith.cmpi slt, %arg1, %lt3A : i32
    %convert_element_type3A = arith.extui %lt3A_1 : i1 to i32
    %cond3A = arith.constant 0 : i32
    %cond3A_2 = arith.cmpi ne, %convert_element_type3A, %cond3A : i32
    scf.if %cond3A_2 {
      %mul3A_67 = arith.constant 624 : i32
      %mul3A_68 = arith.muli %arg1, %mul3A_67 : i32
      "tpu.region"() ({
        %run_scoped3A = tpu.sem_alloc : memref<!tpu.dma_semaphore, #tpu.memory_space<semaphore_mem>>
        %dma_start3A_69 = arith.constant 0 : i32
        %dma_start3A_70 = tpu.memref_slice %arg11[%mul3A_68, %dma_start3A_69] : memref<10000x80xf32, #tpu.memory_space<vmem_shared>> -> memref<624x80xf32, #tpu.memory_space<vmem_shared>>
        %dma_start3A_71 = arith.constant 0 : i32
        %dma_start3A_72 = arith.constant 0 : i32
        %dma_start3A_73 = tpu.memref_slice %arg5[%dma_start3A_71, %dma_start3A_72] : memref<640x80xf32, #tpu.memory_space<hbm>> -> memref<624x80xf32, #tpu.memory_space<hbm>>
        tpu.enqueue_dma source(%dma_start3A_73 : memref<624x80xf32, #tpu.memory_space<hbm>>) target(%dma_start3A_70 : memref<624x80xf32, #tpu.memory_space<vmem_shared>>) target_semaphore(%run_scoped3A : memref<!tpu.dma_semaphore, #tpu.memory_space<semaphore_mem>>)
        %dma_wait3A_74 = arith.constant 0 : i32
        %dma_wait3A_75 = tpu.memref_slice %arg11[%mul3A_68, %dma_wait3A_74] : memref<10000x80xf32, #tpu.memory_space<vmem_shared>> -> memref<624x80xf32, #tpu.memory_space<vmem_shared>>
        %dma_wait3A_76 = arith.constant 0 : i32
        %dma_wait3A_77 = arith.constant 0 : i32
        %dma_wait3A_78 = tpu.memref_slice %arg5[%dma_wait3A_76, %dma_wait3A_77] : memref<640x80xf32, #tpu.memory_space<hbm>> -> memref<624x80xf32, #tpu.memory_space<hbm>>
        tpu.wait_dma2 semaphore(%run_scoped3A : memref<!tpu.dma_semaphore, #tpu.memory_space<semaphore_mem>>) src(%dma_wait3A_78 : memref<624x80xf32, #tpu.memory_space<hbm>>) dst(%dma_wait3A_75 : memref<624x80xf32, #tpu.memory_space<vmem_shared>>)
        tpu.yield
      }) : () -> ()
    } else {
    }
    %eq3A = arith.constant 15 : i32
    %eq3A_3 = arith.cmpi eq, %arg1, %eq3A : i32
    %convert_element_type3A_4 = arith.extui %eq3A_3 : i1 to i32
    %cond3A_5 = arith.constant 0 : i32
    %cond3A_6 = arith.cmpi ne, %convert_element_type3A_4, %cond3A_5 : i32
    scf.if %cond3A_6 {
      "tpu.region"() ({
        %run_scoped3A = tpu.sem_alloc : memref<!tpu.dma_semaphore, #tpu.memory_space<semaphore_mem>>
        %dma_start3A_67 = arith.constant 9360 : i32
        %dma_start3A_68 = arith.constant 0 : i32
        %dma_start3A_69 = tpu.memref_slice %arg11[%dma_start3A_67, %dma_start3A_68] : memref<10000x80xf32, #tpu.memory_space<vmem_shared>> -> memref<640x80xf32, #tpu.memory_space<vmem_shared>>
        tpu.enqueue_dma source(%arg5 : memref<640x80xf32, #tpu.memory_space<hbm>>) target(%dma_start3A_69 : memref<640x80xf32, #tpu.memory_space<vmem_shared>>) target_semaphore(%run_scoped3A : memref<!tpu.dma_semaphore, #tpu.memory_space<semaphore_mem>>)
        %dma_wait3A_70 = arith.constant 9360 : i32
        %dma_wait3A_71 = arith.constant 0 : i32
        %dma_wait3A_72 = tpu.memref_slice %arg11[%dma_wait3A_70, %dma_wait3A_71] : memref<10000x80xf32, #tpu.memory_space<vmem_shared>> -> memref<640x80xf32, #tpu.memory_space<vmem_shared>>
        tpu.wait_dma2 semaphore(%run_scoped3A : memref<!tpu.dma_semaphore, #tpu.memory_space<semaphore_mem>>) src(%arg5 : memref<640x80xf32, #tpu.memory_space<hbm>>) dst(%dma_wait3A_72 : memref<640x80xf32, #tpu.memory_space<vmem_shared>>)
        tpu.yield
      }) : () -> ()
    } else {
    }
    %dma_start3A = arith.constant 0 : i32
    %dma_start3A_7 = arith.constant 0 : i32
    %dma_start3A_8 = tpu.memref_slice %arg2[%add3A, %dma_start3A, %dma_start3A_7] : memref<32x40x250xi32, #tpu.memory_space<hbm>> -> memref<1x40x250xi32, #tpu.memory_space<hbm>>
    %dma_start3A_9 = tpu.memref_squeeze %dma_start3A_8 : memref<1x40x250xi32, #tpu.memory_space<hbm>> -> memref<40x250xi32, #tpu.memory_space<hbm>>
    %dma_start3A_10 = arith.constant 0 : i32
    %dma_start3A_11 = arith.constant 0 : i32
    %dma_start3A_12 = tpu.memref_slice %arg2[%add3A, %dma_start3A_10, %dma_start3A_11] : memref<32x40x250xi32, #tpu.memory_space<hbm>> -> memref<1x40x250xi32, #tpu.memory_space<hbm>>
    %dma_start3A_13 = tpu.memref_squeeze %dma_start3A_12 : memref<1x40x250xi32, #tpu.memory_space<hbm>> -> memref<40x250xi32, #tpu.memory_space<hbm>>
    tpu.enqueue_dma source(%dma_start3A_13 : memref<40x250xi32, #tpu.memory_space<hbm>>) target(%arg7 : memref<40x250xi32, #tpu.memory_space<vmem>>) target_semaphore(%arg16 : memref<!tpu.dma_semaphore, #tpu.memory_space<semaphore_mem>>)
    %dma_start3A_14 = arith.constant 0 : i32
    %dma_start3A_15 = arith.constant 0 : i32
    %dma_start3A_16 = tpu.memref_slice %arg3[%add3A, %dma_start3A_14, %dma_start3A_15] : memref<32x40x250xi32, #tpu.memory_space<hbm>> -> memref<1x40x250xi32, #tpu.memory_space<hbm>>
    %dma_start3A_17 = tpu.memref_squeeze %dma_start3A_16 : memref<1x40x250xi32, #tpu.memory_space<hbm>> -> memref<40x250xi32, #tpu.memory_space<hbm>>
    %dma_start3A_18 = arith.constant 0 : i32
    %dma_start3A_19 = arith.constant 0 : i32
    %dma_start3A_20 = tpu.memref_slice %arg3[%add3A, %dma_start3A_18, %dma_start3A_19] : memref<32x40x250xi32, #tpu.memory_space<hbm>> -> memref<1x40x250xi32, #tpu.memory_space<hbm>>
    %dma_start3A_21 = tpu.memref_squeeze %dma_start3A_20 : memref<1x40x250xi32, #tpu.memory_space<hbm>> -> memref<40x250xi32, #tpu.memory_space<hbm>>
    tpu.enqueue_dma source(%dma_start3A_21 : memref<40x250xi32, #tpu.memory_space<hbm>>) target(%arg8 : memref<40x250xi32, #tpu.memory_space<vmem>>) target_semaphore(%arg16 : memref<!tpu.dma_semaphore, #tpu.memory_space<semaphore_mem>>)
    %dma_wait3A = arith.constant 0 : i32
    %dma_wait3A_22 = arith.constant 0 : i32
    %dma_wait3A_23 = tpu.memref_slice %arg3[%add3A, %dma_wait3A, %dma_wait3A_22] : memref<32x40x250xi32, #tpu.memory_space<hbm>> -> memref<1x40x250xi32, #tpu.memory_space<hbm>>
    %dma_wait3A_24 = tpu.memref_squeeze %dma_wait3A_23 : memref<1x40x250xi32, #tpu.memory_space<hbm>> -> memref<40x250xi32, #tpu.memory_space<hbm>>
    %dma_wait3A_25 = arith.constant 0 : i32
    %dma_wait3A_26 = arith.constant 0 : i32
    %dma_wait3A_27 = tpu.memref_slice %arg3[%add3A, %dma_wait3A_25, %dma_wait3A_26] : memref<32x40x250xi32, #tpu.memory_space<hbm>> -> memref<1x40x250xi32, #tpu.memory_space<hbm>>
    %dma_wait3A_28 = tpu.memref_squeeze %dma_wait3A_27 : memref<1x40x250xi32, #tpu.memory_space<hbm>> -> memref<40x250xi32, #tpu.memory_space<hbm>>
    tpu.wait_dma2 semaphore(%arg16 : memref<!tpu.dma_semaphore, #tpu.memory_space<semaphore_mem>>) src(%dma_wait3A_28 : memref<40x250xi32, #tpu.memory_space<hbm>>) dst(%arg8 : memref<40x250xi32, #tpu.memory_space<vmem>>)
    %dma_wait3A_29 = arith.constant 0 : i32
    %dma_wait3A_30 = arith.constant 0 : i32
    %dma_wait3A_31 = tpu.memref_slice %arg2[%add3A, %dma_wait3A_29, %dma_wait3A_30] : memref<32x40x250xi32, #tpu.memory_space<hbm>> -> memref<1x40x250xi32, #tpu.memory_space<hbm>>
    %dma_wait3A_32 = tpu.memref_squeeze %dma_wait3A_31 : memref<1x40x250xi32, #tpu.memory_space<hbm>> -> memref<40x250xi32, #tpu.memory_space<hbm>>
    %dma_wait3A_33 = arith.constant 0 : i32
    %dma_wait3A_34 = arith.constant 0 : i32
    %dma_wait3A_35 = tpu.memref_slice %arg2[%add3A, %dma_wait3A_33, %dma_wait3A_34] : memref<32x40x250xi32, #tpu.memory_space<hbm>> -> memref<1x40x250xi32, #tpu.memory_space<hbm>>
    %dma_wait3A_36 = tpu.memref_squeeze %dma_wait3A_35 : memref<1x40x250xi32, #tpu.memory_space<hbm>> -> memref<40x250xi32, #tpu.memory_space<hbm>>
    tpu.wait_dma2 semaphore(%arg16 : memref<!tpu.dma_semaphore, #tpu.memory_space<semaphore_mem>>) src(%dma_wait3A_36 : memref<40x250xi32, #tpu.memory_space<hbm>>) dst(%arg7 : memref<40x250xi32, #tpu.memory_space<vmem>>)
    %barrier3A = arith.constant 0 : index
    tpu.barrier barrier_id(%barrier3A)
    %dma_start3A_37 = arith.constant 0 : i32
    %dma_start3A_38 = arith.constant 0 : i32
    %dma_start3A_39 = tpu.memref_slice %arg7[%dma_start3A_37, %dma_start3A_38] : memref<40x250xi32, #tpu.memory_space<vmem>> -> memref<1x250xi32, #tpu.memory_space<vmem>>
    %dma_start3A_40 = tpu.memref_squeeze %dma_start3A_39 : memref<1x250xi32, #tpu.memory_space<vmem>> -> memref<250xi32, #tpu.memory_space<vmem>>
    %dma_start3A_41 = arith.constant 0 : i32
    %dma_start3A_42 = arith.constant 0 : i32
    %dma_start3A_43 = tpu.memref_slice %arg4[%dma_start3A_41, %dma_start3A_42] : memref<10000x80xf32, #tpu.memory_space<hbm>> -> memref<10000x80xf32, #tpu.memory_space<hbm>>
    tpu.enqueue_indirect_dma source(%dma_start3A_43 : memref<10000x80xf32, #tpu.memory_space<hbm>>) target(%arg9 : memref<250x80xf32, #tpu.memory_space<vmem>>) offsets(%dma_start3A_40 : memref<250xi32, #tpu.memory_space<vmem>>) semaphore(%arg12 : memref<!tpu.dma_semaphore, #tpu.memory_space<semaphore_mem>>)
    %dma_start3A_44 = arith.constant 1 : i32
    %dma_start3A_45 = arith.constant 0 : i32
    %dma_start3A_46 = tpu.memref_slice %arg7[%dma_start3A_44, %dma_start3A_45] : memref<40x250xi32, #tpu.memory_space<vmem>> -> memref<1x250xi32, #tpu.memory_space<vmem>>
    %dma_start3A_47 = tpu.memref_squeeze %dma_start3A_46 : memref<1x250xi32, #tpu.memory_space<vmem>> -> memref<250xi32, #tpu.memory_space<vmem>>
    %dma_start3A_48 = arith.constant 0 : i32
    %dma_start3A_49 = arith.constant 0 : i32
    %dma_start3A_50 = tpu.memref_slice %arg4[%dma_start3A_48, %dma_start3A_49] : memref<10000x80xf32, #tpu.memory_space<hbm>> -> memref<10000x80xf32, #tpu.memory_space<hbm>>
    tpu.enqueue_indirect_dma source(%dma_start3A_50 : memref<10000x80xf32, #tpu.memory_space<hbm>>) target(%arg10 : memref<250x80xf32, #tpu.memory_space<vmem>>) offsets(%dma_start3A_47 : memref<250xi32, #tpu.memory_space<vmem>>) semaphore(%arg13 : memref<!tpu.dma_semaphore, #tpu.memory_space<semaphore_mem>>)
    %scan3A = arith.constant 0 : i32
    %scan3A_51 = arith.constant 0 : i32
    %scan3A_52 = arith.constant 20 : i32
    %scan3A_53 = arith.addi %scan3A_51, %scan3A_52 : i32
    %scan3A_54 = arith.constant 1 : i32
    scf.for %scan3A_67 = %scan3A_51 to %scan3A_53 step %scan3A_54  : i32 {
      %mul3A_68 = arith.constant 2 : i32
      %mul3A_69 = arith.muli %mul3A_68, %scan3A_67 : i32
      %add3A_70 = arith.constant 0 : i32
      %add3A_71 = arith.addi %mul3A_69, %add3A_70 : i32
      %dma_wait3A_72 = arith.constant 0 : i32
      %dma_wait3A_73 = tpu.memref_slice %arg7[%add3A_71, %dma_wait3A_72] : memref<40x250xi32, #tpu.memory_space<vmem>> -> memref<1x250xi32, #tpu.memory_space<vmem>>
      %dma_wait3A_74 = tpu.memref_squeeze %dma_wait3A_73 : memref<1x250xi32, #tpu.memory_space<vmem>> -> memref<250xi32, #tpu.memory_space<vmem>>
      %dma_wait3A_75 = arith.constant 0 : i32
      %dma_wait3A_76 = arith.constant 0 : i32
      %dma_wait3A_77 = tpu.memref_slice %arg4[%dma_wait3A_75, %dma_wait3A_76] : memref<10000x80xf32, #tpu.memory_space<hbm>> -> memref<10000x80xf32, #tpu.memory_space<hbm>>
      tpu.wait_indirect_dma semaphore(%arg12 : memref<!tpu.dma_semaphore, #tpu.memory_space<semaphore_mem>>) src(%dma_wait3A_77 : memref<10000x80xf32, #tpu.memory_space<hbm>>) dst(%arg9 : memref<250x80xf32, #tpu.memory_space<vmem>>)
      %dma_start3A_78 = arith.constant 0 : i32
      %dma_start3A_79 = tpu.memref_slice %arg8[%add3A_71, %dma_start3A_78] : memref<40x250xi32, #tpu.memory_space<vmem>> -> memref<1x250xi32, #tpu.memory_space<vmem>>
      %dma_start3A_80 = tpu.memref_squeeze %dma_start3A_79 : memref<1x250xi32, #tpu.memory_space<vmem>> -> memref<250xi32, #tpu.memory_space<vmem>>
      %dma_start3A_81 = arith.constant 0 : i32
      %dma_start3A_82 = arith.constant 0 : i32
      %dma_start3A_83 = tpu.memref_slice %arg11[%dma_start3A_81, %dma_start3A_82] : memref<10000x80xf32, #tpu.memory_space<vmem_shared>> -> memref<10000x80xf32, #tpu.memory_space<vmem_shared>>
      tpu.enqueue_indirect_dma source(%arg9 : memref<250x80xf32, #tpu.memory_space<vmem>>) target(%dma_start3A_83 : memref<10000x80xf32, #tpu.memory_space<vmem_shared>>) offsets(%dma_start3A_80 : memref<250xi32, #tpu.memory_space<vmem>>) semaphore(%arg14 : memref<!tpu.dma_semaphore, #tpu.memory_space<semaphore_mem>>) {add = true}
      %add3A_84 = arith.constant 1 : i32
      %add3A_85 = arith.addi %mul3A_69, %add3A_84 : i32
      %dma_wait3A_86 = arith.constant 0 : i32
      %dma_wait3A_87 = tpu.memref_slice %arg7[%add3A_85, %dma_wait3A_86] : memref<40x250xi32, #tpu.memory_space<vmem>> -> memref<1x250xi32, #tpu.memory_space<vmem>>
      %dma_wait3A_88 = tpu.memref_squeeze %dma_wait3A_87 : memref<1x250xi32, #tpu.memory_space<vmem>> -> memref<250xi32, #tpu.memory_space<vmem>>
      %dma_wait3A_89 = arith.constant 0 : i32
      %dma_wait3A_90 = arith.constant 0 : i32
      %dma_wait3A_91 = tpu.memref_slice %arg4[%dma_wait3A_89, %dma_wait3A_90] : memref<10000x80xf32, #tpu.memory_space<hbm>> -> memref<10000x80xf32, #tpu.memory_space<hbm>>
      tpu.wait_indirect_dma semaphore(%arg13 : memref<!tpu.dma_semaphore, #tpu.memory_space<semaphore_mem>>) src(%dma_wait3A_91 : memref<10000x80xf32, #tpu.memory_space<hbm>>) dst(%arg10 : memref<250x80xf32, #tpu.memory_space<vmem>>)
      %dma_start3A_92 = arith.constant 0 : i32
      %dma_start3A_93 = tpu.memref_slice %arg8[%add3A_85, %dma_start3A_92] : memref<40x250xi32, #tpu.memory_space<vmem>> -> memref<1x250xi32, #tpu.memory_space<vmem>>
      %dma_start3A_94 = tpu.memref_squeeze %dma_start3A_93 : memref<1x250xi32, #tpu.memory_space<vmem>> -> memref<250xi32, #tpu.memory_space<vmem>>
      %dma_start3A_95 = arith.constant 0 : i32
      %dma_start3A_96 = arith.constant 0 : i32
      %dma_start3A_97 = tpu.memref_slice %arg11[%dma_start3A_95, %dma_start3A_96] : memref<10000x80xf32, #tpu.memory_space<vmem_shared>> -> memref<10000x80xf32, #tpu.memory_space<vmem_shared>>
      tpu.enqueue_indirect_dma source(%arg10 : memref<250x80xf32, #tpu.memory_space<vmem>>) target(%dma_start3A_97 : memref<10000x80xf32, #tpu.memory_space<vmem_shared>>) offsets(%dma_start3A_94 : memref<250xi32, #tpu.memory_space<vmem>>) semaphore(%arg15 : memref<!tpu.dma_semaphore, #tpu.memory_space<semaphore_mem>>) {add = true}
      %add3A_98 = arith.constant 0 : i32
      %add3A_99 = arith.addi %mul3A_69, %add3A_98 : i32
      %dma_wait3A_100 = arith.constant 0 : i32
      %dma_wait3A_101 = tpu.memref_slice %arg8[%add3A_99, %dma_wait3A_100] : memref<40x250xi32, #tpu.memory_space<vmem>> -> memref<1x250xi32, #tpu.memory_space<vmem>>
      %dma_wait3A_102 = tpu.memref_squeeze %dma_wait3A_101 : memref<1x250xi32, #tpu.memory_space<vmem>> -> memref<250xi32, #tpu.memory_space<vmem>>
      %dma_wait3A_103 = arith.constant 0 : i32
      %dma_wait3A_104 = arith.constant 0 : i32
      %dma_wait3A_105 = tpu.memref_slice %arg11[%dma_wait3A_103, %dma_wait3A_104] : memref<10000x80xf32, #tpu.memory_space<vmem_shared>> -> memref<10000x80xf32, #tpu.memory_space<vmem_shared>>
      tpu.wait_indirect_dma semaphore(%arg14 : memref<!tpu.dma_semaphore, #tpu.memory_space<semaphore_mem>>) src(%arg9 : memref<250x80xf32, #tpu.memory_space<vmem>>) dst(%dma_wait3A_105 : memref<10000x80xf32, #tpu.memory_space<vmem_shared>>)
      %add3A_106 = arith.constant 2 : i32
      %add3A_107 = arith.addi %mul3A_69, %add3A_106 : i32
      %add3A_108 = arith.constant 0 : i32
      %add3A_109 = arith.addi %add3A_107, %add3A_108 : i32
      %add3A_110 = arith.constant 2 : i32
      %add3A_111 = arith.addi %mul3A_69, %add3A_110 : i32
      %add3A_112 = arith.constant 0 : i32
      %add3A_113 = arith.addi %add3A_111, %add3A_112 : i32
      %lt3A_114 = arith.constant 40 : i32
      %lt3A_115 = arith.cmpi slt, %add3A_113, %lt3A_114 : i32
      %convert_element_type3A_116 = arith.extui %lt3A_115 : i1 to i32
      %cond3A_117 = arith.constant 0 : i32
      %cond3A_118 = arith.cmpi ne, %convert_element_type3A_116, %cond3A_117 : i32
      scf.if %cond3A_118 {
        %dma_start3A_140 = arith.constant 0 : i32
        %dma_start3A_141 = tpu.memref_slice %arg7[%add3A_109, %dma_start3A_140] : memref<40x250xi32, #tpu.memory_space<vmem>> -> memref<1x250xi32, #tpu.memory_space<vmem>>
        %dma_start3A_142 = tpu.memref_squeeze %dma_start3A_141 : memref<1x250xi32, #tpu.memory_space<vmem>> -> memref<250xi32, #tpu.memory_space<vmem>>
        %dma_start3A_143 = arith.constant 0 : i32
        %dma_start3A_144 = arith.constant 0 : i32
        %dma_start3A_145 = tpu.memref_slice %arg4[%dma_start3A_143, %dma_start3A_144] : memref<10000x80xf32, #tpu.memory_space<hbm>> -> memref<10000x80xf32, #tpu.memory_space<hbm>>
        tpu.enqueue_indirect_dma source(%dma_start3A_145 : memref<10000x80xf32, #tpu.memory_space<hbm>>) target(%arg9 : memref<250x80xf32, #tpu.memory_space<vmem>>) offsets(%dma_start3A_142 : memref<250xi32, #tpu.memory_space<vmem>>) semaphore(%arg12 : memref<!tpu.dma_semaphore, #tpu.memory_space<semaphore_mem>>)
      } else {
      }
      %add3A_119 = arith.constant 1 : i32
      %add3A_120 = arith.addi %mul3A_69, %add3A_119 : i32
      %dma_wait3A_121 = arith.constant 0 : i32
      %dma_wait3A_122 = tpu.memref_slice %arg8[%add3A_120, %dma_wait3A_121] : memref<40x250xi32, #tpu.memory_space<vmem>> -> memref<1x250xi32, #tpu.memory_space<vmem>>
      %dma_wait3A_123 = tpu.memref_squeeze %dma_wait3A_122 : memref<1x250xi32, #tpu.memory_space<vmem>> -> memref<250xi32, #tpu.memory_space<vmem>>
      %dma_wait3A_124 = arith.constant 0 : i32
      %dma_wait3A_125 = arith.constant 0 : i32
      %dma_wait3A_126 = tpu.memref_slice %arg11[%dma_wait3A_124, %dma_wait3A_125] : memref<10000x80xf32, #tpu.memory_space<vmem_shared>> -> memref<10000x80xf32, #tpu.memory_space<vmem_shared>>
      tpu.wait_indirect_dma semaphore(%arg15 : memref<!tpu.dma_semaphore, #tpu.memory_space<semaphore_mem>>) src(%arg10 : memref<250x80xf32, #tpu.memory_space<vmem>>) dst(%dma_wait3A_126 : memref<10000x80xf32, #tpu.memory_space<vmem_shared>>)
      %add3A_127 = arith.constant 2 : i32
      %add3A_128 = arith.addi %mul3A_69, %add3A_127 : i32
      %add3A_129 = arith.constant 1 : i32
      %add3A_130 = arith.addi %add3A_128, %add3A_129 : i32
      %add3A_131 = arith.constant 2 : i32
      %add3A_132 = arith.addi %mul3A_69, %add3A_131 : i32
      %add3A_133 = arith.constant 1 : i32
      %add3A_134 = arith.addi %add3A_132, %add3A_133 : i32
      %lt3A_135 = arith.constant 40 : i32
      %lt3A_136 = arith.cmpi slt, %add3A_134, %lt3A_135 : i32
      %convert_element_type3A_137 = arith.extui %lt3A_136 : i1 to i32
      %cond3A_138 = arith.constant 0 : i32
      %cond3A_139 = arith.cmpi ne, %convert_element_type3A_137, %cond3A_138 : i32
      scf.if %cond3A_139 {
        %dma_start3A_140 = arith.constant 0 : i32
        %dma_start3A_141 = tpu.memref_slice %arg7[%add3A_130, %dma_start3A_140] : memref<40x250xi32, #tpu.memory_space<vmem>> -> memref<1x250xi32, #tpu.memory_space<vmem>>
        %dma_start3A_142 = tpu.memref_squeeze %dma_start3A_141 : memref<1x250xi32, #tpu.memory_space<vmem>> -> memref<250xi32, #tpu.memory_space<vmem>>
        %dma_start3A_143 = arith.constant 0 : i32
        %dma_start3A_144 = arith.constant 0 : i32
        %dma_start3A_145 = tpu.memref_slice %arg4[%dma_start3A_143, %dma_start3A_144] : memref<10000x80xf32, #tpu.memory_space<hbm>> -> memref<10000x80xf32, #tpu.memory_space<hbm>>
        tpu.enqueue_indirect_dma source(%dma_start3A_145 : memref<10000x80xf32, #tpu.memory_space<hbm>>) target(%arg10 : memref<250x80xf32, #tpu.memory_space<vmem>>) offsets(%dma_start3A_142 : memref<250xi32, #tpu.memory_space<vmem>>) semaphore(%arg13 : memref<!tpu.dma_semaphore, #tpu.memory_space<semaphore_mem>>)
      } else {
      }
    }
    %scan3A_55 = arith.constant 20 : i32
    %barrier3A_56 = arith.constant 0 : index
    tpu.barrier barrier_id(%barrier3A_56)
    %lt3A_57 = arith.constant 15 : i32
    %lt3A_58 = arith.cmpi slt, %arg1, %lt3A_57 : i32
    %convert_element_type3A_59 = arith.extui %lt3A_58 : i1 to i32
    %cond3A_60 = arith.constant 0 : i32
    %cond3A_61 = arith.cmpi ne, %convert_element_type3A_59, %cond3A_60 : i32
    scf.if %cond3A_61 {
      %mul3A_67 = arith.constant 624 : i32
      %mul3A_68 = arith.muli %arg1, %mul3A_67 : i32
      %mul3A_69 = arith.constant 624 : i32
      %mul3A_70 = arith.muli %arg1, %mul3A_69 : i32
      "tpu.region"() ({
        %run_scoped3A = tpu.sem_alloc : memref<!tpu.dma_semaphore, #tpu.memory_space<semaphore_mem>>
        %dma_start3A_71 = arith.constant 0 : i32
        %dma_start3A_72 = tpu.memref_slice %arg6[%arg0, %mul3A_70, %dma_start3A_71] : memref<2x10000x80xf32, #tpu.memory_space<hbm>> -> memref<1x624x80xf32, #tpu.memory_space<hbm>>
        %dma_start3A_73 = tpu.memref_squeeze %dma_start3A_72 : memref<1x624x80xf32, #tpu.memory_space<hbm>> -> memref<624x80xf32, #tpu.memory_space<hbm>>
        %dma_start3A_74 = arith.constant 0 : i32
        %dma_start3A_75 = tpu.memref_slice %arg11[%mul3A_68, %dma_start3A_74] : memref<10000x80xf32, #tpu.memory_space<vmem_shared>> -> memref<624x80xf32, #tpu.memory_space<vmem_shared>>
        tpu.enqueue_dma source(%dma_start3A_75 : memref<624x80xf32, #tpu.memory_space<vmem_shared>>) target(%dma_start3A_73 : memref<624x80xf32, #tpu.memory_space<hbm>>) target_semaphore(%run_scoped3A : memref<!tpu.dma_semaphore, #tpu.memory_space<semaphore_mem>>)
        %dma_wait3A_76 = arith.constant 0 : i32
        %dma_wait3A_77 = tpu.memref_slice %arg6[%arg0, %mul3A_70, %dma_wait3A_76] : memref<2x10000x80xf32, #tpu.memory_space<hbm>> -> memref<1x624x80xf32, #tpu.memory_space<hbm>>
        %dma_wait3A_78 = tpu.memref_squeeze %dma_wait3A_77 : memref<1x624x80xf32, #tpu.memory_space<hbm>> -> memref<624x80xf32, #tpu.memory_space<hbm>>
        %dma_wait3A_79 = arith.constant 0 : i32
        %dma_wait3A_80 = tpu.memref_slice %arg11[%mul3A_68, %dma_wait3A_79] : memref<10000x80xf32, #tpu.memory_space<vmem_shared>> -> memref<624x80xf32, #tpu.memory_space<vmem_shared>>
        tpu.wait_dma2 semaphore(%run_scoped3A : memref<!tpu.dma_semaphore, #tpu.memory_space<semaphore_mem>>) src(%dma_wait3A_80 : memref<624x80xf32, #tpu.memory_space<vmem_shared>>) dst(%dma_wait3A_78 : memref<624x80xf32, #tpu.memory_space<hbm>>)
        tpu.yield
      }) : () -> ()
    } else {
    }
    %eq3A_62 = arith.constant 15 : i32
    %eq3A_63 = arith.cmpi eq, %arg1, %eq3A_62 : i32
    %convert_element_type3A_64 = arith.extui %eq3A_63 : i1 to i32
    %cond3A_65 = arith.constant 0 : i32
    %cond3A_66 = arith.cmpi ne, %convert_element_type3A_64, %cond3A_65 : i32
    scf.if %cond3A_66 {
      "tpu.region"() ({
        %run_scoped3A = tpu.sem_alloc : memref<!tpu.dma_semaphore, #tpu.memory_space<semaphore_mem>>
        %dma_start3A_67 = arith.constant 9360 : i32
        %dma_start3A_68 = arith.constant 0 : i32
        %dma_start3A_69 = tpu.memref_slice %arg6[%arg0, %dma_start3A_67, %dma_start3A_68] : memref<2x10000x80xf32, #tpu.memory_space<hbm>> -> memref<1x640x80xf32, #tpu.memory_space<hbm>>
        %dma_start3A_70 = tpu.memref_squeeze %dma_start3A_69 : memref<1x640x80xf32, #tpu.memory_space<hbm>> -> memref<640x80xf32, #tpu.memory_space<hbm>>
        %dma_start3A_71 = arith.constant 9360 : i32
        %dma_start3A_72 = arith.constant 0 : i32
        %dma_start3A_73 = tpu.memref_slice %arg11[%dma_start3A_71, %dma_start3A_72] : memref<10000x80xf32, #tpu.memory_space<vmem_shared>> -> memref<640x80xf32, #tpu.memory_space<vmem_shared>>
        tpu.enqueue_dma source(%dma_start3A_73 : memref<640x80xf32, #tpu.memory_space<vmem_shared>>) target(%dma_start3A_70 : memref<640x80xf32, #tpu.memory_space<hbm>>) target_semaphore(%run_scoped3A : memref<!tpu.dma_semaphore, #tpu.memory_space<semaphore_mem>>)
        %dma_wait3A_74 = arith.constant 9360 : i32
        %dma_wait3A_75 = arith.constant 0 : i32
        %dma_wait3A_76 = tpu.memref_slice %arg6[%arg0, %dma_wait3A_74, %dma_wait3A_75] : memref<2x10000x80xf32, #tpu.memory_space<hbm>> -> memref<1x640x80xf32, #tpu.memory_space<hbm>>
        %dma_wait3A_77 = tpu.memref_squeeze %dma_wait3A_76 : memref<1x640x80xf32, #tpu.memory_space<hbm>> -> memref<640x80xf32, #tpu.memory_space<hbm>>
        %dma_wait3A_78 = arith.constant 9360 : i32
        %dma_wait3A_79 = arith.constant 0 : i32
        %dma_wait3A_80 = tpu.memref_slice %arg11[%dma_wait3A_78, %dma_wait3A_79] : memref<10000x80xf32, #tpu.memory_space<vmem_shared>> -> memref<640x80xf32, #tpu.memory_space<vmem_shared>>
        tpu.wait_dma2 semaphore(%run_scoped3A : memref<!tpu.dma_semaphore, #tpu.memory_space<semaphore_mem>>) src(%dma_wait3A_80 : memref<640x80xf32, #tpu.memory_space<vmem_shared>>) dst(%dma_wait3A_77 : memref<640x80xf32, #tpu.memory_space<hbm>>)
        tpu.yield
      }) : () -> ()
    } else {
    }
    return
  }
}

#map = affine_map<(d0, d1) -> (0, 0, 0)>
#map1 = affine_map<(d0, d1) -> (0, 0)>
module attributes {stable_mosaic.version = 14 : i64} {
  func.func @segsum(%arg0: i32, %arg1: i32, %arg2: memref<32x40x250xi32, #tpu.memory_space<hbm>>, %arg3: memref<32x40x250xi32, #tpu.memory_space<hbm>>, %arg4: memref<10000x64xf32, #tpu.memory_space<hbm>>, %arg5: memref<640x64xf32, #tpu.memory_space<hbm>>, %arg6: memref<2x10000x64xf32, #tpu.memory_space<hbm>>, %arg7: memref<40x250xi32, #tpu.memory_space<vmem>>, %arg8: memref<40x250xi32, #tpu.memory_space<vmem>>, %arg9: memref<250x64xf32, #tpu.memory_space<vmem>>, %arg10: memref<250x64xf32, #tpu.memory_space<vmem>>, %arg11: memref<10000x64xf32, #tpu.memory_space<vmem_shared>>, %arg12: memref<!tpu.dma_semaphore, #tpu.memory_space<semaphore_mem>>, %arg13: memref<!tpu.dma_semaphore, #tpu.memory_space<semaphore_mem>>, %arg14: memref<!tpu.dma_semaphore, #tpu.memory_space<semaphore_mem>>, %arg15: memref<!tpu.dma_semaphore, #tpu.memory_space<semaphore_mem>>, %arg16: memref<!tpu.dma_semaphore, #tpu.memory_space<semaphore_mem>>) attributes {dimension_semantics = [#tpu.dimension_semantics<core_parallel>, #tpu.dimension_semantics<subcore_parallel>], iteration_bounds = array<i64: 2, 16>, scalar_prefetch = 0 : i64, scratch_operands = 10 : i64, tpu.core_type = #tpu.core_type<sc_vector_subcore>, window_params = [{transform_indices = #map}, {transform_indices = #map}, {transform_indices = #map1}, {transform_indices = #map1}, {transform_indices = #map}]} {
    %mul3A = arith.constant 2 : i32
    %mul3A_0 = arith.muli %arg1, %mul3A : i32
    %add3A = arith.addi %mul3A_0, %arg0 : i32
    %lt3A = arith.constant 15 : i32
    %lt3A_1 = arith.cmpi slt, %arg1, %lt3A : i32
    %convert_element_type3A = arith.extui %lt3A_1 : i1 to i32
    %cond3A = arith.constant 0 : i32
    %cond3A_2 = arith.cmpi ne, %convert_element_type3A, %cond3A : i32
    scf.if %cond3A_2 {
      %mul3A_67 = arith.constant 624 : i32
      %mul3A_68 = arith.muli %arg1, %mul3A_67 : i32
      "tpu.region"() ({
        %run_scoped3A = tpu.sem_alloc : memref<!tpu.dma_semaphore, #tpu.memory_space<semaphore_mem>>
        %dma_start3A_69 = arith.constant 0 : i32
        %dma_start3A_70 = tpu.memref_slice %arg11[%mul3A_68, %dma_start3A_69] : memref<10000x64xf32, #tpu.memory_space<vmem_shared>> -> memref<624x64xf32, #tpu.memory_space<vmem_shared>>
        %dma_start3A_71 = arith.constant 0 : i32
        %dma_start3A_72 = arith.constant 0 : i32
        %dma_start3A_73 = tpu.memref_slice %arg5[%dma_start3A_71, %dma_start3A_72] : memref<640x64xf32, #tpu.memory_space<hbm>> -> memref<624x64xf32, #tpu.memory_space<hbm>>
        tpu.enqueue_dma source(%dma_start3A_73 : memref<624x64xf32, #tpu.memory_space<hbm>>) target(%dma_start3A_70 : memref<624x64xf32, #tpu.memory_space<vmem_shared>>) target_semaphore(%run_scoped3A : memref<!tpu.dma_semaphore, #tpu.memory_space<semaphore_mem>>)
        %dma_wait3A_74 = arith.constant 0 : i32
        %dma_wait3A_75 = tpu.memref_slice %arg11[%mul3A_68, %dma_wait3A_74] : memref<10000x64xf32, #tpu.memory_space<vmem_shared>> -> memref<624x64xf32, #tpu.memory_space<vmem_shared>>
        %dma_wait3A_76 = arith.constant 0 : i32
        %dma_wait3A_77 = arith.constant 0 : i32
        %dma_wait3A_78 = tpu.memref_slice %arg5[%dma_wait3A_76, %dma_wait3A_77] : memref<640x64xf32, #tpu.memory_space<hbm>> -> memref<624x64xf32, #tpu.memory_space<hbm>>
        tpu.wait_dma2 semaphore(%run_scoped3A : memref<!tpu.dma_semaphore, #tpu.memory_space<semaphore_mem>>) src(%dma_wait3A_78 : memref<624x64xf32, #tpu.memory_space<hbm>>) dst(%dma_wait3A_75 : memref<624x64xf32, #tpu.memory_space<vmem_shared>>)
        tpu.yield
      }) : () -> ()
    } else {
    }
    %eq3A = arith.constant 15 : i32
    %eq3A_3 = arith.cmpi eq, %arg1, %eq3A : i32
    %convert_element_type3A_4 = arith.extui %eq3A_3 : i1 to i32
    %cond3A_5 = arith.constant 0 : i32
    %cond3A_6 = arith.cmpi ne, %convert_element_type3A_4, %cond3A_5 : i32
    scf.if %cond3A_6 {
      "tpu.region"() ({
        %run_scoped3A = tpu.sem_alloc : memref<!tpu.dma_semaphore, #tpu.memory_space<semaphore_mem>>
        %dma_start3A_67 = arith.constant 9360 : i32
        %dma_start3A_68 = arith.constant 0 : i32
        %dma_start3A_69 = tpu.memref_slice %arg11[%dma_start3A_67, %dma_start3A_68] : memref<10000x64xf32, #tpu.memory_space<vmem_shared>> -> memref<640x64xf32, #tpu.memory_space<vmem_shared>>
        tpu.enqueue_dma source(%arg5 : memref<640x64xf32, #tpu.memory_space<hbm>>) target(%dma_start3A_69 : memref<640x64xf32, #tpu.memory_space<vmem_shared>>) target_semaphore(%run_scoped3A : memref<!tpu.dma_semaphore, #tpu.memory_space<semaphore_mem>>)
        %dma_wait3A_70 = arith.constant 9360 : i32
        %dma_wait3A_71 = arith.constant 0 : i32
        %dma_wait3A_72 = tpu.memref_slice %arg11[%dma_wait3A_70, %dma_wait3A_71] : memref<10000x64xf32, #tpu.memory_space<vmem_shared>> -> memref<640x64xf32, #tpu.memory_space<vmem_shared>>
        tpu.wait_dma2 semaphore(%run_scoped3A : memref<!tpu.dma_semaphore, #tpu.memory_space<semaphore_mem>>) src(%arg5 : memref<640x64xf32, #tpu.memory_space<hbm>>) dst(%dma_wait3A_72 : memref<640x64xf32, #tpu.memory_space<vmem_shared>>)
        tpu.yield
      }) : () -> ()
    } else {
    }
    %dma_start3A = arith.constant 0 : i32
    %dma_start3A_7 = arith.constant 0 : i32
    %dma_start3A_8 = tpu.memref_slice %arg2[%add3A, %dma_start3A, %dma_start3A_7] : memref<32x40x250xi32, #tpu.memory_space<hbm>> -> memref<1x40x250xi32, #tpu.memory_space<hbm>>
    %dma_start3A_9 = tpu.memref_squeeze %dma_start3A_8 : memref<1x40x250xi32, #tpu.memory_space<hbm>> -> memref<40x250xi32, #tpu.memory_space<hbm>>
    %dma_start3A_10 = arith.constant 0 : i32
    %dma_start3A_11 = arith.constant 0 : i32
    %dma_start3A_12 = tpu.memref_slice %arg2[%add3A, %dma_start3A_10, %dma_start3A_11] : memref<32x40x250xi32, #tpu.memory_space<hbm>> -> memref<1x40x250xi32, #tpu.memory_space<hbm>>
    %dma_start3A_13 = tpu.memref_squeeze %dma_start3A_12 : memref<1x40x250xi32, #tpu.memory_space<hbm>> -> memref<40x250xi32, #tpu.memory_space<hbm>>
    tpu.enqueue_dma source(%dma_start3A_13 : memref<40x250xi32, #tpu.memory_space<hbm>>) target(%arg7 : memref<40x250xi32, #tpu.memory_space<vmem>>) target_semaphore(%arg16 : memref<!tpu.dma_semaphore, #tpu.memory_space<semaphore_mem>>)
    %dma_start3A_14 = arith.constant 0 : i32
    %dma_start3A_15 = arith.constant 0 : i32
    %dma_start3A_16 = tpu.memref_slice %arg3[%add3A, %dma_start3A_14, %dma_start3A_15] : memref<32x40x250xi32, #tpu.memory_space<hbm>> -> memref<1x40x250xi32, #tpu.memory_space<hbm>>
    %dma_start3A_17 = tpu.memref_squeeze %dma_start3A_16 : memref<1x40x250xi32, #tpu.memory_space<hbm>> -> memref<40x250xi32, #tpu.memory_space<hbm>>
    %dma_start3A_18 = arith.constant 0 : i32
    %dma_start3A_19 = arith.constant 0 : i32
    %dma_start3A_20 = tpu.memref_slice %arg3[%add3A, %dma_start3A_18, %dma_start3A_19] : memref<32x40x250xi32, #tpu.memory_space<hbm>> -> memref<1x40x250xi32, #tpu.memory_space<hbm>>
    %dma_start3A_21 = tpu.memref_squeeze %dma_start3A_20 : memref<1x40x250xi32, #tpu.memory_space<hbm>> -> memref<40x250xi32, #tpu.memory_space<hbm>>
    tpu.enqueue_dma source(%dma_start3A_21 : memref<40x250xi32, #tpu.memory_space<hbm>>) target(%arg8 : memref<40x250xi32, #tpu.memory_space<vmem>>) target_semaphore(%arg16 : memref<!tpu.dma_semaphore, #tpu.memory_space<semaphore_mem>>)
    %dma_wait3A = arith.constant 0 : i32
    %dma_wait3A_22 = arith.constant 0 : i32
    %dma_wait3A_23 = tpu.memref_slice %arg3[%add3A, %dma_wait3A, %dma_wait3A_22] : memref<32x40x250xi32, #tpu.memory_space<hbm>> -> memref<1x40x250xi32, #tpu.memory_space<hbm>>
    %dma_wait3A_24 = tpu.memref_squeeze %dma_wait3A_23 : memref<1x40x250xi32, #tpu.memory_space<hbm>> -> memref<40x250xi32, #tpu.memory_space<hbm>>
    %dma_wait3A_25 = arith.constant 0 : i32
    %dma_wait3A_26 = arith.constant 0 : i32
    %dma_wait3A_27 = tpu.memref_slice %arg3[%add3A, %dma_wait3A_25, %dma_wait3A_26] : memref<32x40x250xi32, #tpu.memory_space<hbm>> -> memref<1x40x250xi32, #tpu.memory_space<hbm>>
    %dma_wait3A_28 = tpu.memref_squeeze %dma_wait3A_27 : memref<1x40x250xi32, #tpu.memory_space<hbm>> -> memref<40x250xi32, #tpu.memory_space<hbm>>
    tpu.wait_dma2 semaphore(%arg16 : memref<!tpu.dma_semaphore, #tpu.memory_space<semaphore_mem>>) src(%dma_wait3A_28 : memref<40x250xi32, #tpu.memory_space<hbm>>) dst(%arg8 : memref<40x250xi32, #tpu.memory_space<vmem>>)
    %dma_wait3A_29 = arith.constant 0 : i32
    %dma_wait3A_30 = arith.constant 0 : i32
    %dma_wait3A_31 = tpu.memref_slice %arg2[%add3A, %dma_wait3A_29, %dma_wait3A_30] : memref<32x40x250xi32, #tpu.memory_space<hbm>> -> memref<1x40x250xi32, #tpu.memory_space<hbm>>
    %dma_wait3A_32 = tpu.memref_squeeze %dma_wait3A_31 : memref<1x40x250xi32, #tpu.memory_space<hbm>> -> memref<40x250xi32, #tpu.memory_space<hbm>>
    %dma_wait3A_33 = arith.constant 0 : i32
    %dma_wait3A_34 = arith.constant 0 : i32
    %dma_wait3A_35 = tpu.memref_slice %arg2[%add3A, %dma_wait3A_33, %dma_wait3A_34] : memref<32x40x250xi32, #tpu.memory_space<hbm>> -> memref<1x40x250xi32, #tpu.memory_space<hbm>>
    %dma_wait3A_36 = tpu.memref_squeeze %dma_wait3A_35 : memref<1x40x250xi32, #tpu.memory_space<hbm>> -> memref<40x250xi32, #tpu.memory_space<hbm>>
    tpu.wait_dma2 semaphore(%arg16 : memref<!tpu.dma_semaphore, #tpu.memory_space<semaphore_mem>>) src(%dma_wait3A_36 : memref<40x250xi32, #tpu.memory_space<hbm>>) dst(%arg7 : memref<40x250xi32, #tpu.memory_space<vmem>>)
    %barrier3A = arith.constant 0 : index
    tpu.barrier barrier_id(%barrier3A)
    %dma_start3A_37 = arith.constant 0 : i32
    %dma_start3A_38 = arith.constant 0 : i32
    %dma_start3A_39 = tpu.memref_slice %arg7[%dma_start3A_37, %dma_start3A_38] : memref<40x250xi32, #tpu.memory_space<vmem>> -> memref<1x250xi32, #tpu.memory_space<vmem>>
    %dma_start3A_40 = tpu.memref_squeeze %dma_start3A_39 : memref<1x250xi32, #tpu.memory_space<vmem>> -> memref<250xi32, #tpu.memory_space<vmem>>
    %dma_start3A_41 = arith.constant 0 : i32
    %dma_start3A_42 = arith.constant 0 : i32
    %dma_start3A_43 = tpu.memref_slice %arg4[%dma_start3A_41, %dma_start3A_42] : memref<10000x64xf32, #tpu.memory_space<hbm>> -> memref<10000x64xf32, #tpu.memory_space<hbm>>
    tpu.enqueue_indirect_dma source(%dma_start3A_43 : memref<10000x64xf32, #tpu.memory_space<hbm>>) target(%arg9 : memref<250x64xf32, #tpu.memory_space<vmem>>) offsets(%dma_start3A_40 : memref<250xi32, #tpu.memory_space<vmem>>) semaphore(%arg12 : memref<!tpu.dma_semaphore, #tpu.memory_space<semaphore_mem>>)
    %dma_start3A_44 = arith.constant 1 : i32
    %dma_start3A_45 = arith.constant 0 : i32
    %dma_start3A_46 = tpu.memref_slice %arg7[%dma_start3A_44, %dma_start3A_45] : memref<40x250xi32, #tpu.memory_space<vmem>> -> memref<1x250xi32, #tpu.memory_space<vmem>>
    %dma_start3A_47 = tpu.memref_squeeze %dma_start3A_46 : memref<1x250xi32, #tpu.memory_space<vmem>> -> memref<250xi32, #tpu.memory_space<vmem>>
    %dma_start3A_48 = arith.constant 0 : i32
    %dma_start3A_49 = arith.constant 0 : i32
    %dma_start3A_50 = tpu.memref_slice %arg4[%dma_start3A_48, %dma_start3A_49] : memref<10000x64xf32, #tpu.memory_space<hbm>> -> memref<10000x64xf32, #tpu.memory_space<hbm>>
    tpu.enqueue_indirect_dma source(%dma_start3A_50 : memref<10000x64xf32, #tpu.memory_space<hbm>>) target(%arg10 : memref<250x64xf32, #tpu.memory_space<vmem>>) offsets(%dma_start3A_47 : memref<250xi32, #tpu.memory_space<vmem>>) semaphore(%arg13 : memref<!tpu.dma_semaphore, #tpu.memory_space<semaphore_mem>>)
    %scan3A = arith.constant 0 : i32
    %scan3A_51 = arith.constant 0 : i32
    %scan3A_52 = arith.constant 20 : i32
    %scan3A_53 = arith.addi %scan3A_51, %scan3A_52 : i32
    %scan3A_54 = arith.constant 1 : i32
    scf.for %scan3A_67 = %scan3A_51 to %scan3A_53 step %scan3A_54  : i32 {
      %mul3A_68 = arith.constant 2 : i32
      %mul3A_69 = arith.muli %mul3A_68, %scan3A_67 : i32
      %add3A_70 = arith.constant 0 : i32
      %add3A_71 = arith.addi %mul3A_69, %add3A_70 : i32
      %dma_wait3A_72 = arith.constant 0 : i32
      %dma_wait3A_73 = tpu.memref_slice %arg7[%add3A_71, %dma_wait3A_72] : memref<40x250xi32, #tpu.memory_space<vmem>> -> memref<1x250xi32, #tpu.memory_space<vmem>>
      %dma_wait3A_74 = tpu.memref_squeeze %dma_wait3A_73 : memref<1x250xi32, #tpu.memory_space<vmem>> -> memref<250xi32, #tpu.memory_space<vmem>>
      %dma_wait3A_75 = arith.constant 0 : i32
      %dma_wait3A_76 = arith.constant 0 : i32
      %dma_wait3A_77 = tpu.memref_slice %arg4[%dma_wait3A_75, %dma_wait3A_76] : memref<10000x64xf32, #tpu.memory_space<hbm>> -> memref<10000x64xf32, #tpu.memory_space<hbm>>
      tpu.wait_indirect_dma semaphore(%arg12 : memref<!tpu.dma_semaphore, #tpu.memory_space<semaphore_mem>>) src(%dma_wait3A_77 : memref<10000x64xf32, #tpu.memory_space<hbm>>) dst(%arg9 : memref<250x64xf32, #tpu.memory_space<vmem>>)
      %dma_start3A_78 = arith.constant 0 : i32
      %dma_start3A_79 = tpu.memref_slice %arg8[%add3A_71, %dma_start3A_78] : memref<40x250xi32, #tpu.memory_space<vmem>> -> memref<1x250xi32, #tpu.memory_space<vmem>>
      %dma_start3A_80 = tpu.memref_squeeze %dma_start3A_79 : memref<1x250xi32, #tpu.memory_space<vmem>> -> memref<250xi32, #tpu.memory_space<vmem>>
      %dma_start3A_81 = arith.constant 0 : i32
      %dma_start3A_82 = arith.constant 0 : i32
      %dma_start3A_83 = tpu.memref_slice %arg11[%dma_start3A_81, %dma_start3A_82] : memref<10000x64xf32, #tpu.memory_space<vmem_shared>> -> memref<10000x64xf32, #tpu.memory_space<vmem_shared>>
      tpu.enqueue_indirect_dma source(%arg9 : memref<250x64xf32, #tpu.memory_space<vmem>>) target(%dma_start3A_83 : memref<10000x64xf32, #tpu.memory_space<vmem_shared>>) offsets(%dma_start3A_80 : memref<250xi32, #tpu.memory_space<vmem>>) semaphore(%arg14 : memref<!tpu.dma_semaphore, #tpu.memory_space<semaphore_mem>>) {add = true}
      %add3A_84 = arith.constant 1 : i32
      %add3A_85 = arith.addi %mul3A_69, %add3A_84 : i32
      %dma_wait3A_86 = arith.constant 0 : i32
      %dma_wait3A_87 = tpu.memref_slice %arg7[%add3A_85, %dma_wait3A_86] : memref<40x250xi32, #tpu.memory_space<vmem>> -> memref<1x250xi32, #tpu.memory_space<vmem>>
      %dma_wait3A_88 = tpu.memref_squeeze %dma_wait3A_87 : memref<1x250xi32, #tpu.memory_space<vmem>> -> memref<250xi32, #tpu.memory_space<vmem>>
      %dma_wait3A_89 = arith.constant 0 : i32
      %dma_wait3A_90 = arith.constant 0 : i32
      %dma_wait3A_91 = tpu.memref_slice %arg4[%dma_wait3A_89, %dma_wait3A_90] : memref<10000x64xf32, #tpu.memory_space<hbm>> -> memref<10000x64xf32, #tpu.memory_space<hbm>>
      tpu.wait_indirect_dma semaphore(%arg13 : memref<!tpu.dma_semaphore, #tpu.memory_space<semaphore_mem>>) src(%dma_wait3A_91 : memref<10000x64xf32, #tpu.memory_space<hbm>>) dst(%arg10 : memref<250x64xf32, #tpu.memory_space<vmem>>)
      %dma_start3A_92 = arith.constant 0 : i32
      %dma_start3A_93 = tpu.memref_slice %arg8[%add3A_85, %dma_start3A_92] : memref<40x250xi32, #tpu.memory_space<vmem>> -> memref<1x250xi32, #tpu.memory_space<vmem>>
      %dma_start3A_94 = tpu.memref_squeeze %dma_start3A_93 : memref<1x250xi32, #tpu.memory_space<vmem>> -> memref<250xi32, #tpu.memory_space<vmem>>
      %dma_start3A_95 = arith.constant 0 : i32
      %dma_start3A_96 = arith.constant 0 : i32
      %dma_start3A_97 = tpu.memref_slice %arg11[%dma_start3A_95, %dma_start3A_96] : memref<10000x64xf32, #tpu.memory_space<vmem_shared>> -> memref<10000x64xf32, #tpu.memory_space<vmem_shared>>
      tpu.enqueue_indirect_dma source(%arg10 : memref<250x64xf32, #tpu.memory_space<vmem>>) target(%dma_start3A_97 : memref<10000x64xf32, #tpu.memory_space<vmem_shared>>) offsets(%dma_start3A_94 : memref<250xi32, #tpu.memory_space<vmem>>) semaphore(%arg15 : memref<!tpu.dma_semaphore, #tpu.memory_space<semaphore_mem>>) {add = true}
      %add3A_98 = arith.constant 0 : i32
      %add3A_99 = arith.addi %mul3A_69, %add3A_98 : i32
      %dma_wait3A_100 = arith.constant 0 : i32
      %dma_wait3A_101 = tpu.memref_slice %arg8[%add3A_99, %dma_wait3A_100] : memref<40x250xi32, #tpu.memory_space<vmem>> -> memref<1x250xi32, #tpu.memory_space<vmem>>
      %dma_wait3A_102 = tpu.memref_squeeze %dma_wait3A_101 : memref<1x250xi32, #tpu.memory_space<vmem>> -> memref<250xi32, #tpu.memory_space<vmem>>
      %dma_wait3A_103 = arith.constant 0 : i32
      %dma_wait3A_104 = arith.constant 0 : i32
      %dma_wait3A_105 = tpu.memref_slice %arg11[%dma_wait3A_103, %dma_wait3A_104] : memref<10000x64xf32, #tpu.memory_space<vmem_shared>> -> memref<10000x64xf32, #tpu.memory_space<vmem_shared>>
      tpu.wait_indirect_dma semaphore(%arg14 : memref<!tpu.dma_semaphore, #tpu.memory_space<semaphore_mem>>) src(%arg9 : memref<250x64xf32, #tpu.memory_space<vmem>>) dst(%dma_wait3A_105 : memref<10000x64xf32, #tpu.memory_space<vmem_shared>>)
      %add3A_106 = arith.constant 2 : i32
      %add3A_107 = arith.addi %mul3A_69, %add3A_106 : i32
      %add3A_108 = arith.constant 0 : i32
      %add3A_109 = arith.addi %add3A_107, %add3A_108 : i32
      %add3A_110 = arith.constant 2 : i32
      %add3A_111 = arith.addi %mul3A_69, %add3A_110 : i32
      %add3A_112 = arith.constant 0 : i32
      %add3A_113 = arith.addi %add3A_111, %add3A_112 : i32
      %lt3A_114 = arith.constant 40 : i32
      %lt3A_115 = arith.cmpi slt, %add3A_113, %lt3A_114 : i32
      %convert_element_type3A_116 = arith.extui %lt3A_115 : i1 to i32
      %cond3A_117 = arith.constant 0 : i32
      %cond3A_118 = arith.cmpi ne, %convert_element_type3A_116, %cond3A_117 : i32
      scf.if %cond3A_118 {
        %dma_start3A_140 = arith.constant 0 : i32
        %dma_start3A_141 = tpu.memref_slice %arg7[%add3A_109, %dma_start3A_140] : memref<40x250xi32, #tpu.memory_space<vmem>> -> memref<1x250xi32, #tpu.memory_space<vmem>>
        %dma_start3A_142 = tpu.memref_squeeze %dma_start3A_141 : memref<1x250xi32, #tpu.memory_space<vmem>> -> memref<250xi32, #tpu.memory_space<vmem>>
        %dma_start3A_143 = arith.constant 0 : i32
        %dma_start3A_144 = arith.constant 0 : i32
        %dma_start3A_145 = tpu.memref_slice %arg4[%dma_start3A_143, %dma_start3A_144] : memref<10000x64xf32, #tpu.memory_space<hbm>> -> memref<10000x64xf32, #tpu.memory_space<hbm>>
        tpu.enqueue_indirect_dma source(%dma_start3A_145 : memref<10000x64xf32, #tpu.memory_space<hbm>>) target(%arg9 : memref<250x64xf32, #tpu.memory_space<vmem>>) offsets(%dma_start3A_142 : memref<250xi32, #tpu.memory_space<vmem>>) semaphore(%arg12 : memref<!tpu.dma_semaphore, #tpu.memory_space<semaphore_mem>>)
      } else {
      }
      %add3A_119 = arith.constant 1 : i32
      %add3A_120 = arith.addi %mul3A_69, %add3A_119 : i32
      %dma_wait3A_121 = arith.constant 0 : i32
      %dma_wait3A_122 = tpu.memref_slice %arg8[%add3A_120, %dma_wait3A_121] : memref<40x250xi32, #tpu.memory_space<vmem>> -> memref<1x250xi32, #tpu.memory_space<vmem>>
      %dma_wait3A_123 = tpu.memref_squeeze %dma_wait3A_122 : memref<1x250xi32, #tpu.memory_space<vmem>> -> memref<250xi32, #tpu.memory_space<vmem>>
      %dma_wait3A_124 = arith.constant 0 : i32
      %dma_wait3A_125 = arith.constant 0 : i32
      %dma_wait3A_126 = tpu.memref_slice %arg11[%dma_wait3A_124, %dma_wait3A_125] : memref<10000x64xf32, #tpu.memory_space<vmem_shared>> -> memref<10000x64xf32, #tpu.memory_space<vmem_shared>>
      tpu.wait_indirect_dma semaphore(%arg15 : memref<!tpu.dma_semaphore, #tpu.memory_space<semaphore_mem>>) src(%arg10 : memref<250x64xf32, #tpu.memory_space<vmem>>) dst(%dma_wait3A_126 : memref<10000x64xf32, #tpu.memory_space<vmem_shared>>)
      %add3A_127 = arith.constant 2 : i32
      %add3A_128 = arith.addi %mul3A_69, %add3A_127 : i32
      %add3A_129 = arith.constant 1 : i32
      %add3A_130 = arith.addi %add3A_128, %add3A_129 : i32
      %add3A_131 = arith.constant 2 : i32
      %add3A_132 = arith.addi %mul3A_69, %add3A_131 : i32
      %add3A_133 = arith.constant 1 : i32
      %add3A_134 = arith.addi %add3A_132, %add3A_133 : i32
      %lt3A_135 = arith.constant 40 : i32
      %lt3A_136 = arith.cmpi slt, %add3A_134, %lt3A_135 : i32
      %convert_element_type3A_137 = arith.extui %lt3A_136 : i1 to i32
      %cond3A_138 = arith.constant 0 : i32
      %cond3A_139 = arith.cmpi ne, %convert_element_type3A_137, %cond3A_138 : i32
      scf.if %cond3A_139 {
        %dma_start3A_140 = arith.constant 0 : i32
        %dma_start3A_141 = tpu.memref_slice %arg7[%add3A_130, %dma_start3A_140] : memref<40x250xi32, #tpu.memory_space<vmem>> -> memref<1x250xi32, #tpu.memory_space<vmem>>
        %dma_start3A_142 = tpu.memref_squeeze %dma_start3A_141 : memref<1x250xi32, #tpu.memory_space<vmem>> -> memref<250xi32, #tpu.memory_space<vmem>>
        %dma_start3A_143 = arith.constant 0 : i32
        %dma_start3A_144 = arith.constant 0 : i32
        %dma_start3A_145 = tpu.memref_slice %arg4[%dma_start3A_143, %dma_start3A_144] : memref<10000x64xf32, #tpu.memory_space<hbm>> -> memref<10000x64xf32, #tpu.memory_space<hbm>>
        tpu.enqueue_indirect_dma source(%dma_start3A_145 : memref<10000x64xf32, #tpu.memory_space<hbm>>) target(%arg10 : memref<250x64xf32, #tpu.memory_space<vmem>>) offsets(%dma_start3A_142 : memref<250xi32, #tpu.memory_space<vmem>>) semaphore(%arg13 : memref<!tpu.dma_semaphore, #tpu.memory_space<semaphore_mem>>)
      } else {
      }
    }
    %scan3A_55 = arith.constant 20 : i32
    %barrier3A_56 = arith.constant 0 : index
    tpu.barrier barrier_id(%barrier3A_56)
    %lt3A_57 = arith.constant 15 : i32
    %lt3A_58 = arith.cmpi slt, %arg1, %lt3A_57 : i32
    %convert_element_type3A_59 = arith.extui %lt3A_58 : i1 to i32
    %cond3A_60 = arith.constant 0 : i32
    %cond3A_61 = arith.cmpi ne, %convert_element_type3A_59, %cond3A_60 : i32
    scf.if %cond3A_61 {
      %mul3A_67 = arith.constant 624 : i32
      %mul3A_68 = arith.muli %arg1, %mul3A_67 : i32
      %mul3A_69 = arith.constant 624 : i32
      %mul3A_70 = arith.muli %arg1, %mul3A_69 : i32
      "tpu.region"() ({
        %run_scoped3A = tpu.sem_alloc : memref<!tpu.dma_semaphore, #tpu.memory_space<semaphore_mem>>
        %dma_start3A_71 = arith.constant 0 : i32
        %dma_start3A_72 = tpu.memref_slice %arg6[%arg0, %mul3A_70, %dma_start3A_71] : memref<2x10000x64xf32, #tpu.memory_space<hbm>> -> memref<1x624x64xf32, #tpu.memory_space<hbm>>
        %dma_start3A_73 = tpu.memref_squeeze %dma_start3A_72 : memref<1x624x64xf32, #tpu.memory_space<hbm>> -> memref<624x64xf32, #tpu.memory_space<hbm>>
        %dma_start3A_74 = arith.constant 0 : i32
        %dma_start3A_75 = tpu.memref_slice %arg11[%mul3A_68, %dma_start3A_74] : memref<10000x64xf32, #tpu.memory_space<vmem_shared>> -> memref<624x64xf32, #tpu.memory_space<vmem_shared>>
        tpu.enqueue_dma source(%dma_start3A_75 : memref<624x64xf32, #tpu.memory_space<vmem_shared>>) target(%dma_start3A_73 : memref<624x64xf32, #tpu.memory_space<hbm>>) target_semaphore(%run_scoped3A : memref<!tpu.dma_semaphore, #tpu.memory_space<semaphore_mem>>)
        %dma_wait3A_76 = arith.constant 0 : i32
        %dma_wait3A_77 = tpu.memref_slice %arg6[%arg0, %mul3A_70, %dma_wait3A_76] : memref<2x10000x64xf32, #tpu.memory_space<hbm>> -> memref<1x624x64xf32, #tpu.memory_space<hbm>>
        %dma_wait3A_78 = tpu.memref_squeeze %dma_wait3A_77 : memref<1x624x64xf32, #tpu.memory_space<hbm>> -> memref<624x64xf32, #tpu.memory_space<hbm>>
        %dma_wait3A_79 = arith.constant 0 : i32
        %dma_wait3A_80 = tpu.memref_slice %arg11[%mul3A_68, %dma_wait3A_79] : memref<10000x64xf32, #tpu.memory_space<vmem_shared>> -> memref<624x64xf32, #tpu.memory_space<vmem_shared>>
        tpu.wait_dma2 semaphore(%run_scoped3A : memref<!tpu.dma_semaphore, #tpu.memory_space<semaphore_mem>>) src(%dma_wait3A_80 : memref<624x64xf32, #tpu.memory_space<vmem_shared>>) dst(%dma_wait3A_78 : memref<624x64xf32, #tpu.memory_space<hbm>>)
        tpu.yield
      }) : () -> ()
    } else {
    }
    %eq3A_62 = arith.constant 15 : i32
    %eq3A_63 = arith.cmpi eq, %arg1, %eq3A_62 : i32
    %convert_element_type3A_64 = arith.extui %eq3A_63 : i1 to i32
    %cond3A_65 = arith.constant 0 : i32
    %cond3A_66 = arith.cmpi ne, %convert_element_type3A_64, %cond3A_65 : i32
    scf.if %cond3A_66 {
      "tpu.region"() ({
        %run_scoped3A = tpu.sem_alloc : memref<!tpu.dma_semaphore, #tpu.memory_space<semaphore_mem>>
        %dma_start3A_67 = arith.constant 9360 : i32
        %dma_start3A_68 = arith.constant 0 : i32
        %dma_start3A_69 = tpu.memref_slice %arg6[%arg0, %dma_start3A_67, %dma_start3A_68] : memref<2x10000x64xf32, #tpu.memory_space<hbm>> -> memref<1x640x64xf32, #tpu.memory_space<hbm>>
        %dma_start3A_70 = tpu.memref_squeeze %dma_start3A_69 : memref<1x640x64xf32, #tpu.memory_space<hbm>> -> memref<640x64xf32, #tpu.memory_space<hbm>>
        %dma_start3A_71 = arith.constant 9360 : i32
        %dma_start3A_72 = arith.constant 0 : i32
        %dma_start3A_73 = tpu.memref_slice %arg11[%dma_start3A_71, %dma_start3A_72] : memref<10000x64xf32, #tpu.memory_space<vmem_shared>> -> memref<640x64xf32, #tpu.memory_space<vmem_shared>>
        tpu.enqueue_dma source(%dma_start3A_73 : memref<640x64xf32, #tpu.memory_space<vmem_shared>>) target(%dma_start3A_70 : memref<640x64xf32, #tpu.memory_space<hbm>>) target_semaphore(%run_scoped3A : memref<!tpu.dma_semaphore, #tpu.memory_space<semaphore_mem>>)
        %dma_wait3A_74 = arith.constant 9360 : i32
        %dma_wait3A_75 = arith.constant 0 : i32
        %dma_wait3A_76 = tpu.memref_slice %arg6[%arg0, %dma_wait3A_74, %dma_wait3A_75] : memref<2x10000x64xf32, #tpu.memory_space<hbm>> -> memref<1x640x64xf32, #tpu.memory_space<hbm>>
        %dma_wait3A_77 = tpu.memref_squeeze %dma_wait3A_76 : memref<1x640x64xf32, #tpu.memory_space<hbm>> -> memref<640x64xf32, #tpu.memory_space<hbm>>
        %dma_wait3A_78 = arith.constant 9360 : i32
        %dma_wait3A_79 = arith.constant 0 : i32
        %dma_wait3A_80 = tpu.memref_slice %arg11[%dma_wait3A_78, %dma_wait3A_79] : memref<10000x64xf32, #tpu.memory_space<vmem_shared>> -> memref<640x64xf32, #tpu.memory_space<vmem_shared>>
        tpu.wait_dma2 semaphore(%run_scoped3A : memref<!tpu.dma_semaphore, #tpu.memory_space<semaphore_mem>>) src(%dma_wait3A_80 : memref<640x64xf32, #tpu.memory_space<vmem_shared>>) dst(%dma_wait3A_77 : memref<640x64xf32, #tpu.memory_space<hbm>>)
        tpu.yield
      }) : () -> ()
    } else {
    }
    return
  }
}

module attributes {stable_mosaic.version = 14 : i64} {
  func.func @_tc2_body(%arg0: i32, %arg1: memref<1000x128xf32, #tpu.memory_space<vmem>>, %arg2: memref<128x96xf32, #tpu.memory_space<vmem>>, %arg3: memref<1x96xf32, #tpu.memory_space<vmem>>, %arg4: memref<2x1000x64xf32, #tpu.memory_space<vmem>>, %arg5: memref<2x1000x64xf32, #tpu.memory_space<vmem>>, %arg6: memref<128x64xf32, #tpu.memory_space<vmem>>, %arg7: memref<1x64xf32, #tpu.memory_space<vmem>>, %arg8: memref<1000x64xf32, #tpu.memory_space<vmem>>, %arg9: memref<1000x80xf32, #tpu.memory_space<vmem>>) attributes {dimension_semantics = [#tpu.dimension_semantics<arbitrary>], iteration_bounds = array<i64: 10>, scalar_prefetch = 0 : i64, scratch_operands = 0 : i64, tpu.core_type = #tpu.core_type<tc>, window_params = [{transform_indices = @transform_0, window_bounds = array<i64: 1000, 128>}, {pipeline_mode = #tpu.pipeline_mode<synchronous>, transform_indices = @transform_1, window_bounds = array<i64: 128, 96>}, {pipeline_mode = #tpu.pipeline_mode<synchronous>, transform_indices = @transform_2, window_bounds = array<i64: 1, 96>}, {transform_indices = @transform_3, window_bounds = array<i64: 2, 1000, 64>}, {transform_indices = @transform_4, window_bounds = array<i64: 2, 1000, 64>}, {pipeline_mode = #tpu.pipeline_mode<synchronous>, transform_indices = @transform_5, window_bounds = array<i64: 128, 64>}, {pipeline_mode = #tpu.pipeline_mode<synchronous>, transform_indices = @transform_6, window_bounds = array<i64: 1, 64>}, {transform_indices = @transform_7, window_bounds = array<i64: 1000, 64>}, {transform_indices = @transform_8, window_bounds = array<i64: 1000, 80>}]} {
    %get3A = arith.constant 0 : index
    %get3A_0 = arith.constant 0 : index
    %get3A_1 = vector.load %arg1[%get3A, %get3A_0] : memref<1000x128xf32, #tpu.memory_space<vmem>>, vector<1000x128xf32>
    %get3A_2 = arith.constant 0 : index
    %get3A_3 = arith.constant 0 : index
    %get3A_4 = vector.load %arg2[%get3A_2, %get3A_3] : memref<128x96xf32, #tpu.memory_space<vmem>>, vector<128x96xf32>
    %dot_general3A = arith.constant dense<0.000000e+00> : vector<1000x96xf32>
    %dot_general3A_5 = tpu.matmul %get3A_1, %get3A_4, %dot_general3A {dimension_numbers = #tpu.dot_dimension_numbers<[1], [0], [0], [1], [0, 0, 1, 1], [], []>, transpose_lhs_hint = false} : vector<1000x128xf32>, vector<128x96xf32>, vector<1000x96xf32> -> vector<1000x96xf32>
    %get3A_6 = arith.constant 0 : index
    %get3A_7 = arith.constant 0 : index
    %get3A_8 = vector.load %arg3[%get3A_6, %get3A_7] : memref<1x96xf32, #tpu.memory_space<vmem>>, vector<1x96xf32>
    %add3A = vector.broadcast %get3A_8 : vector<1x96xf32> to vector<1000x96xf32>
    %add3A_9 = arith.addf %dot_general3A_5, %add3A : vector<1000x96xf32>
    %slice3A = vector.extract_strided_slice %add3A_9 {offsets = [0, 0], sizes = [1000, 64], strides = [1, 1]} : vector<1000x96xf32> to vector<1000x64xf32>
    %max3A = arith.constant 0.000000e+00 : f32
    %max3A_10 = vector.broadcast %max3A : f32 to vector<1000x64xf32>
    %max3A_11 = arith.maximumf %slice3A, %max3A_10 : vector<1000x64xf32>
    %slice3A_12 = vector.extract_strided_slice %add3A_9 {offsets = [0, 64], sizes = [1000, 16], strides = [1, 1]} : vector<1000x96xf32> to vector<1000x16xf32>
    %max3A_13 = arith.constant 0.000000e+00 : f32
    %max3A_14 = vector.broadcast %max3A_13 : f32 to vector<1000x16xf32>
    %max3A_15 = arith.maximumf %slice3A_12, %max3A_14 : vector<1000x16xf32>
    %slice3A_16 = vector.extract_strided_slice %add3A_9 {offsets = [0, 80], sizes = [1000, 16], strides = [1, 1]} : vector<1000x96xf32> to vector<1000x16xf32>
    %max3A_17 = arith.constant 0.000000e+00 : f32
    %max3A_18 = vector.broadcast %max3A_17 : f32 to vector<1000x16xf32>
    %max3A_19 = arith.maximumf %slice3A_16, %max3A_18 : vector<1000x16xf32>
    %mul3A = arith.mulf %max3A_15, %max3A_19 : vector<1000x16xf32>
    %get3A_20 = arith.constant 0 : index
    %get3A_21 = arith.constant 0 : index
    %get3A_22 = arith.constant 0 : index
    %get3A_23 = vector.load %arg4[%get3A_20, %get3A_21, %get3A_22] : memref<2x1000x64xf32, #tpu.memory_space<vmem>>, vector<1x1000x64xf32>
    %get3A_24 = vector.shape_cast %get3A_23 : vector<1x1000x64xf32> to vector<1000x64xf32>
    %get3A_25 = arith.constant 1 : index
    %get3A_26 = arith.constant 0 : index
    %get3A_27 = arith.constant 0 : index
    %get3A_28 = vector.load %arg4[%get3A_25, %get3A_26, %get3A_27] : memref<2x1000x64xf32, #tpu.memory_space<vmem>>, vector<1x1000x64xf32>
    %get3A_29 = vector.shape_cast %get3A_28 : vector<1x1000x64xf32> to vector<1000x64xf32>
    %add3A_30 = arith.addf %get3A_24, %get3A_29 : vector<1000x64xf32>
    %get3A_31 = arith.constant 0 : index
    %get3A_32 = arith.constant 0 : index
    %get3A_33 = arith.constant 0 : index
    %get3A_34 = vector.load %arg5[%get3A_31, %get3A_32, %get3A_33] : memref<2x1000x64xf32, #tpu.memory_space<vmem>>, vector<1x1000x64xf32>
    %get3A_35 = vector.shape_cast %get3A_34 : vector<1x1000x64xf32> to vector<1000x64xf32>
    %get3A_36 = arith.constant 1 : index
    %get3A_37 = arith.constant 0 : index
    %get3A_38 = arith.constant 0 : index
    %get3A_39 = vector.load %arg5[%get3A_36, %get3A_37, %get3A_38] : memref<2x1000x64xf32, #tpu.memory_space<vmem>>, vector<1x1000x64xf32>
    %get3A_40 = vector.shape_cast %get3A_39 : vector<1x1000x64xf32> to vector<1000x64xf32>
    %add3A_41 = arith.addf %get3A_35, %get3A_40 : vector<1000x64xf32>
    %concatenate3A = tpu.concatenate %add3A_30, %add3A_41 in 1 : vector<1000x64xf32>, vector<1000x64xf32> -> vector<1000x128xf32>
    %get3A_42 = arith.constant 0 : index
    %get3A_43 = arith.constant 0 : index
    %get3A_44 = vector.load %arg6[%get3A_42, %get3A_43] : memref<128x64xf32, #tpu.memory_space<vmem>>, vector<128x64xf32>
    %dot_general3A_45 = arith.constant dense<0.000000e+00> : vector<1000x64xf32>
    %dot_general3A_46 = tpu.matmul %concatenate3A, %get3A_44, %dot_general3A_45 {dimension_numbers = #tpu.dot_dimension_numbers<[1], [0], [0], [1], [0, 0, 1, 1], [], []>, transpose_lhs_hint = false} : vector<1000x128xf32>, vector<128x64xf32>, vector<1000x64xf32> -> vector<1000x64xf32>
    %get3A_47 = arith.constant 0 : index
    %get3A_48 = arith.constant 0 : index
    %get3A_49 = vector.load %arg7[%get3A_47, %get3A_48] : memref<1x64xf32, #tpu.memory_space<vmem>>, vector<1x64xf32>
    %add3A_50 = vector.broadcast %get3A_49 : vector<1x64xf32> to vector<1000x64xf32>
    %add3A_51 = arith.addf %dot_general3A_46, %add3A_50 : vector<1000x64xf32>
    %max3A_52 = arith.constant 0.000000e+00 : f32
    %max3A_53 = vector.broadcast %max3A_52 : f32 to vector<1000x64xf32>
    %max3A_54 = arith.maximumf %add3A_51, %max3A_53 : vector<1000x64xf32>
    %swap3A = arith.constant 0 : index
    %swap3A_55 = arith.constant 0 : index
    %swap3A_56 = vector.load %arg8[%swap3A, %swap3A_55] : memref<1000x64xf32, #tpu.memory_space<vmem>>, vector<1000x64xf32>
    tpu.vector_store %arg8[%swap3A, %swap3A_55], %max3A_11 {strides = array<i32>} : memref<1000x64xf32, #tpu.memory_space<vmem>>, vector<1000x64xf32>,
    %concatenate3A_57 = tpu.concatenate %max3A_54, %mul3A in 1 : vector<1000x64xf32>, vector<1000x16xf32> -> vector<1000x80xf32>
    %swap3A_58 = arith.constant 0 : index
    %swap3A_59 = arith.constant 0 : index
    %swap3A_60 = vector.load %arg9[%swap3A_58, %swap3A_59] : memref<1000x80xf32, #tpu.memory_space<vmem>>, vector<1000x80xf32>
    tpu.vector_store %arg9[%swap3A_58, %swap3A_59], %concatenate3A_57 {strides = array<i32>} : memref<1000x80xf32, #tpu.memory_space<vmem>>, vector<1000x80xf32>,
    return
  }
  func.func @transform_0(%arg0: i32) -> (i32, i32) {
    %c0_i32 = arith.constant 0 : i32
    %c0_i32_0 = arith.constant 0 : i32
    return %arg0, %c0_i32 : i32, i32
  }
  func.func @transform_1(%arg0: i32) -> (i32, i32) {
    %c0_i32 = arith.constant 0 : i32
    %c0_i32_0 = arith.constant 0 : i32
    %c0_i32_1 = arith.constant 0 : i32
    return %c0_i32, %c0_i32_0 : i32, i32
  }
  func.func @transform_2(%arg0: i32) -> (i32, i32) {
    %c0_i32 = arith.constant 0 : i32
    %c0_i32_0 = arith.constant 0 : i32
    %c0_i32_1 = arith.constant 0 : i32
    return %c0_i32, %c0_i32_0 : i32, i32
  }
  func.func @transform_3(%arg0: i32) -> (i32, i32, i32) {
    %c0_i32 = arith.constant 0 : i32
    %c0_i32_0 = arith.constant 0 : i32
    %c0_i32_1 = arith.constant 0 : i32
    return %c0_i32, %arg0, %c0_i32_0 : i32, i32, i32
  }
  func.func @transform_4(%arg0: i32) -> (i32, i32, i32) {
    %c0_i32 = arith.constant 0 : i32
    %c0_i32_0 = arith.constant 0 : i32
    %c0_i32_1 = arith.constant 0 : i32
    return %c0_i32, %arg0, %c0_i32_0 : i32, i32, i32
  }
  func.func @transform_5(%arg0: i32) -> (i32, i32) {
    %c0_i32 = arith.constant 0 : i32
    %c0_i32_0 = arith.constant 0 : i32
    %c0_i32_1 = arith.constant 0 : i32
    return %c0_i32, %c0_i32_0 : i32, i32
  }
  func.func @transform_6(%arg0: i32) -> (i32, i32) {
    %c0_i32 = arith.constant 0 : i32
    %c0_i32_0 = arith.constant 0 : i32
    %c0_i32_1 = arith.constant 0 : i32
    return %c0_i32, %c0_i32_0 : i32, i32
  }
  func.func @transform_7(%arg0: i32) -> (i32, i32) {
    %c0_i32 = arith.constant 0 : i32
    %c0_i32_0 = arith.constant 0 : i32
    return %arg0, %c0_i32 : i32, i32
  }
  func.func @transform_8(%arg0: i32) -> (i32, i32) {
    %c0_i32 = arith.constant 0 : i32
    %c0_i32_0 = arith.constant 0 : i32
    return %arg0, %c0_i32 : i32, i32
  }
}

module attributes {stable_mosaic.version = 14 : i64} {
  func.func @_tc3_body(%arg0: i32, %arg1: memref<1000x64xf32, #tpu.memory_space<vmem>>, %arg2: memref<1000x80xf32, #tpu.memory_space<vmem>>, %arg3: memref<2x1000x64xf32, #tpu.memory_space<vmem>>, %arg4: memref<2x1000x80xf32, #tpu.memory_space<vmem>>, %arg5: memref<144x96xf32, #tpu.memory_space<vmem>>, %arg6: memref<1x96xf32, #tpu.memory_space<vmem>>, %arg7: memref<144x64xf32, #tpu.memory_space<vmem>>, %arg8: memref<1x64xf32, #tpu.memory_space<vmem>>, %arg9: memref<1x1x1000xi32, #tpu.memory_space<vmem>>, %arg10: memref<288x2xf32, #tpu.memory_space<vmem>>, %arg11: memref<1x2xf32, #tpu.memory_space<vmem>>, %arg12: memref<64x2xf32, #tpu.memory_space<vmem>>, %arg13: memref<64x144xf32, #tpu.memory_space<vmem>>, %arg14: memref<64x144xf32, #tpu.memory_space<vmem>>, %arg15: memref<64x144xf32, #tpu.memory_space<vmem>>) attributes {dimension_semantics = [#tpu.dimension_semantics<arbitrary>], iteration_bounds = array<i64: 10>, scalar_prefetch = 0 : i64, scratch_operands = 3 : i64, tpu.core_type = #tpu.core_type<tc>, window_params = [{transform_indices = @transform_0, window_bounds = array<i64: 1000, 64>}, {transform_indices = @transform_1, window_bounds = array<i64: 1000, 80>}, {transform_indices = @transform_2, window_bounds = array<i64: 2, 1000, 64>}, {transform_indices = @transform_3, window_bounds = array<i64: 2, 1000, 80>}, {pipeline_mode = #tpu.pipeline_mode<synchronous>, transform_indices = @transform_4, window_bounds = array<i64: 144, 96>}, {pipeline_mode = #tpu.pipeline_mode<synchronous>, transform_indices = @transform_5, window_bounds = array<i64: 1, 96>}, {pipeline_mode = #tpu.pipeline_mode<synchronous>, transform_indices = @transform_6, window_bounds = array<i64: 144, 64>}, {pipeline_mode = #tpu.pipeline_mode<synchronous>, transform_indices = @transform_7, window_bounds = array<i64: 1, 64>}, {transform_indices = @transform_8, window_bounds = array<i64: 1, 1, 1000>}, {pipeline_mode = #tpu.pipeline_mode<synchronous>, transform_indices = @transform_9, window_bounds = array<i64: 288, 2>}, {pipeline_mode = #tpu.pipeline_mode<synchronous>, transform_indices = @transform_10, window_bounds = array<i64: 1, 2>}, {pipeline_mode = #tpu.pipeline_mode<synchronous>, transform_indices = @transform_11, window_bounds = array<i64: 64, 2>}]} {
    %eq3A = arith.constant 0 : i32
    %eq3A_0 = arith.cmpi eq, %arg0, %eq3A : i32
    %convert_element_type3A = arith.extui %eq3A_0 : i1 to i32
    %cond3A = arith.constant 0 : i32
    %cond3A_1 = arith.cmpi ne, %convert_element_type3A, %cond3A : i32
    scf.if %cond3A_1 {
      %broadcast_in_dim3A = arith.constant 0.000000e+00 : f32
      %broadcast_in_dim3A_92 = vector.broadcast %broadcast_in_dim3A : f32 to vector<64x144xf32>
      %swap3A = arith.constant 0 : index
      %swap3A_93 = arith.constant 0 : index
      %swap3A_94 = vector.load %arg13[%swap3A, %swap3A_93] : memref<64x144xf32, #tpu.memory_space<vmem>>, vector<64x144xf32>
      tpu.vector_store %arg13[%swap3A, %swap3A_93], %broadcast_in_dim3A_92 {strides = array<i32>} : memref<64x144xf32, #tpu.memory_space<vmem>>, vector<64x144xf32>,
      %broadcast_in_dim3A_95 = arith.constant 0.000000e+00 : f32
      %broadcast_in_dim3A_96 = vector.broadcast %broadcast_in_dim3A_95 : f32 to vector<64x144xf32>
      %swap3A_97 = arith.constant 0 : index
      %swap3A_98 = arith.constant 0 : index
      %swap3A_99 = vector.load %arg14[%swap3A_97, %swap3A_98] : memref<64x144xf32, #tpu.memory_space<vmem>>, vector<64x144xf32>
      tpu.vector_store %arg14[%swap3A_97, %swap3A_98], %broadcast_in_dim3A_96 {strides = array<i32>} : memref<64x144xf32, #tpu.memory_space<vmem>>, vector<64x144xf32>,
      %broadcast_in_dim3A_100 = arith.constant 0.000000e+00 : f32
      %broadcast_in_dim3A_101 = vector.broadcast %broadcast_in_dim3A_100 : f32 to vector<64x144xf32>
      %swap3A_102 = arith.constant 0 : index
      %swap3A_103 = arith.constant 0 : index
      %swap3A_104 = vector.load %arg15[%swap3A_102, %swap3A_103] : memref<64x144xf32, #tpu.memory_space<vmem>>, vector<64x144xf32>
      tpu.vector_store %arg15[%swap3A_102, %swap3A_103], %broadcast_in_dim3A_101 {strides = array<i32>} : memref<64x144xf32, #tpu.memory_space<vmem>>, vector<64x144xf32>,
    } else {
    }
    %get3A = arith.constant 0 : index
    %get3A_2 = arith.constant 0 : index
    %get3A_3 = arith.constant 0 : index
    %get3A_4 = vector.load %arg3[%get3A, %get3A_2, %get3A_3] : memref<2x1000x64xf32, #tpu.memory_space<vmem>>, vector<1x1000x64xf32>
    %get3A_5 = vector.shape_cast %get3A_4 : vector<1x1000x64xf32> to vector<1000x64xf32>
    %get3A_6 = arith.constant 1 : index
    %get3A_7 = arith.constant 0 : index
    %get3A_8 = arith.constant 0 : index
    %get3A_9 = vector.load %arg3[%get3A_6, %get3A_7, %get3A_8] : memref<2x1000x64xf32, #tpu.memory_space<vmem>>, vector<1x1000x64xf32>
    %get3A_10 = vector.shape_cast %get3A_9 : vector<1x1000x64xf32> to vector<1000x64xf32>
    %add3A = arith.addf %get3A_5, %get3A_10 : vector<1000x64xf32>
    %get3A_11 = arith.constant 0 : index
    %get3A_12 = arith.constant 0 : index
    %get3A_13 = arith.constant 0 : index
    %get3A_14 = vector.load %arg4[%get3A_11, %get3A_12, %get3A_13] : memref<2x1000x80xf32, #tpu.memory_space<vmem>>, vector<1x1000x80xf32>
    %get3A_15 = vector.shape_cast %get3A_14 : vector<1x1000x80xf32> to vector<1000x80xf32>
    %get3A_16 = arith.constant 1 : index
    %get3A_17 = arith.constant 0 : index
    %get3A_18 = arith.constant 0 : index
    %get3A_19 = vector.load %arg4[%get3A_16, %get3A_17, %get3A_18] : memref<2x1000x80xf32, #tpu.memory_space<vmem>>, vector<1x1000x80xf32>
    %get3A_20 = vector.shape_cast %get3A_19 : vector<1x1000x80xf32> to vector<1000x80xf32>
    %add3A_21 = arith.addf %get3A_15, %get3A_20 : vector<1000x80xf32>
    %concatenate3A = tpu.concatenate %add3A, %add3A_21 in 1 : vector<1000x64xf32>, vector<1000x80xf32> -> vector<1000x144xf32>
    %get3A_22 = arith.constant 0 : index
    %get3A_23 = arith.constant 0 : index
    %get3A_24 = vector.load %arg7[%get3A_22, %get3A_23] : memref<144x64xf32, #tpu.memory_space<vmem>>, vector<144x64xf32>
    %dot_general3A = arith.constant dense<0.000000e+00> : vector<1000x64xf32>
    %dot_general3A_25 = tpu.matmul %concatenate3A, %get3A_24, %dot_general3A {dimension_numbers = #tpu.dot_dimension_numbers<[1], [0], [0], [1], [0, 0, 1, 1], [], []>, transpose_lhs_hint = false} : vector<1000x144xf32>, vector<144x64xf32>, vector<1000x64xf32> -> vector<1000x64xf32>
    %get3A_26 = arith.constant 0 : index
    %get3A_27 = arith.constant 0 : index
    %get3A_28 = vector.load %arg8[%get3A_26, %get3A_27] : memref<1x64xf32, #tpu.memory_space<vmem>>, vector<1x64xf32>
    %add3A_29 = vector.broadcast %get3A_28 : vector<1x64xf32> to vector<1000x64xf32>
    %add3A_30 = arith.addf %dot_general3A_25, %add3A_29 : vector<1000x64xf32>
    %max3A = arith.constant 0.000000e+00 : f32
    %max3A_31 = vector.broadcast %max3A : f32 to vector<1000x64xf32>
    %max3A_32 = arith.maximumf %add3A_30, %max3A_31 : vector<1000x64xf32>
    %get3A_33 = arith.constant 0 : index
    %get3A_34 = arith.constant 0 : index
    %get3A_35 = vector.load %arg1[%get3A_33, %get3A_34] : memref<1000x64xf32, #tpu.memory_space<vmem>>, vector<1000x64xf32>
    %get3A_36 = arith.constant 0 : index
    %get3A_37 = arith.constant 0 : index
    %get3A_38 = vector.load %arg2[%get3A_36, %get3A_37] : memref<1000x80xf32, #tpu.memory_space<vmem>>, vector<1000x80xf32>
    %concatenate3A_39 = tpu.concatenate %get3A_35, %get3A_38 in 1 : vector<1000x64xf32>, vector<1000x80xf32> -> vector<1000x144xf32>
    %get3A_40 = arith.constant 0 : index
    %get3A_41 = arith.constant 0 : index
    %get3A_42 = vector.load %arg5[%get3A_40, %get3A_41] : memref<144x96xf32, #tpu.memory_space<vmem>>, vector<144x96xf32>
    %dot_general3A_43 = arith.constant dense<0.000000e+00> : vector<1000x96xf32>
    %dot_general3A_44 = tpu.matmul %concatenate3A_39, %get3A_42, %dot_general3A_43 {dimension_numbers = #tpu.dot_dimension_numbers<[1], [0], [0], [1], [0, 0, 1, 1], [], []>, transpose_lhs_hint = false} : vector<1000x144xf32>, vector<144x96xf32>, vector<1000x96xf32> -> vector<1000x96xf32>
    %get3A_45 = arith.constant 0 : index
    %get3A_46 = arith.constant 0 : index
    %get3A_47 = vector.load %arg6[%get3A_45, %get3A_46] : memref<1x96xf32, #tpu.memory_space<vmem>>, vector<1x96xf32>
    %add3A_48 = vector.broadcast %get3A_47 : vector<1x96xf32> to vector<1000x96xf32>
    %add3A_49 = arith.addf %dot_general3A_44, %add3A_48 : vector<1000x96xf32>
    %slice3A = vector.extract_strided_slice %add3A_49 {offsets = [0, 0], sizes = [1000, 64], strides = [1, 1]} : vector<1000x96xf32> to vector<1000x64xf32>
    %max3A_50 = arith.constant 0.000000e+00 : f32
    %max3A_51 = vector.broadcast %max3A_50 : f32 to vector<1000x64xf32>
    %max3A_52 = arith.maximumf %slice3A, %max3A_51 : vector<1000x64xf32>
    %slice3A_53 = vector.extract_strided_slice %add3A_49 {offsets = [0, 64], sizes = [1000, 16], strides = [1, 1]} : vector<1000x96xf32> to vector<1000x16xf32>
    %max3A_54 = arith.constant 0.000000e+00 : f32
    %max3A_55 = vector.broadcast %max3A_54 : f32 to vector<1000x16xf32>
    %max3A_56 = arith.maximumf %slice3A_53, %max3A_55 : vector<1000x16xf32>
    %slice3A_57 = vector.extract_strided_slice %add3A_49 {offsets = [0, 80], sizes = [1000, 16], strides = [1, 1]} : vector<1000x96xf32> to vector<1000x16xf32>
    %max3A_58 = arith.constant 0.000000e+00 : f32
    %max3A_59 = vector.broadcast %max3A_58 : f32 to vector<1000x16xf32>
    %max3A_60 = arith.maximumf %slice3A_57, %max3A_59 : vector<1000x16xf32>
    %mul3A = arith.mulf %max3A_56, %max3A_60 : vector<1000x16xf32>
    %concatenate3A_61 = tpu.concatenate %max3A_52, %max3A_32, %mul3A in 1 : vector<1000x64xf32>, vector<1000x64xf32>, vector<1000x16xf32> -> vector<1000x144xf32>
    %get3A_62 = arith.constant 0 : index
    %get3A_63 = arith.constant 0 : index
    %get3A_64 = arith.constant 0 : index
    %get3A_65 = vector.load %arg9[%get3A_62, %get3A_63, %get3A_64] : memref<1x1x1000xi32, #tpu.memory_space<vmem>>, vector<1x1x1000xi32>
    %get3A_66 = vector.shape_cast %get3A_65 : vector<1x1x1000xi32> to vector<1000xi32>
    %reshape3A = vector.shape_cast %get3A_66 : vector<1000xi32> to vector<1000x1xi32>
    %get3A_67 = arith.constant 0 : index
    %get3A_68 = arith.constant 0 : index
    %get3A_69 = arith.constant 0 : index
    %get3A_70 = vector.load %arg9[%get3A_67, %get3A_68, %get3A_69] : memref<1x1x1000xi32, #tpu.memory_space<vmem>>, vector<1x1x1xi32>
    %get3A_71 = vector.extract %get3A_70[0, 0, 0] : i32 from vector<1x1x1xi32>
    %get3A_72 = arith.constant 0 : index
    %get3A_73 = arith.constant 0 : index
    %get3A_74 = arith.constant 999 : index
    %get3A_75 = vector.load %arg9[%get3A_72, %get3A_73, %get3A_74] : memref<1x1x1000xi32, #tpu.memory_space<vmem>>, vector<1x1x1xi32>
    %get3A_76 = vector.extract %get3A_75[0, 0, 0] : i32 from vector<1x1x1xi32>
    %add3A_77 = arith.constant 1 : i32
    %add3A_78 = arith.addi %get3A_76, %add3A_77 : i32
    %while3A = arith.constant 0 : i32
    %while3A_79 = arith.subi %add3A_78, %get3A_71 : i32
    %while3A_80 = arith.addi %get3A_71, %while3A_79 : i32
    %while3A_81 = arith.constant 1 : i32
    %while3A_82 = arith.divsi %while3A_79, %while3A_81 : i32
    %while3A_83 = arith.muli %while3A_82, %while3A_81 : i32
    %while3A_84 = arith.addi %get3A_71, %while3A_83 : i32
    %while3A_85 = arith.constant 1 : i32
    scf.for %while3A_92 = %get3A_71 to %while3A_84 step %while3A_85  : i32 {
      %eq3A_93 = vector.broadcast %while3A_92 : i32 to vector<1000x1xi32>
      %eq3A_94 = arith.cmpi eq, %reshape3A, %eq3A_93 : vector<1000x1xi32>
      %convert_element_type3A_95 = arith.extui %eq3A_94 : vector<1000x1xi1> to vector<1000x1xi32>
      %convert_element_type3A_96 = arith.sitofp %convert_element_type3A_95 : vector<1000x1xi32> to vector<1000x1xf32>
      %mul3A_97 = vector.broadcast %convert_element_type3A_96 : vector<1000x1xf32> to vector<1000x144xf32>
      %mul3A_98 = arith.mulf %concatenate3A_61, %mul3A_97 : vector<1000x144xf32>
      %reduce_sum3A = arith.constant dense<0.000000e+00> : vector<144xf32>
      %reduce_sum3A_99 = vector.multi_reduction <add>, %mul3A_98, %reduce_sum3A [0] : vector<1000x144xf32> to vector<144xf32>
      %broadcast_in_dim3A = vector.shape_cast %reduce_sum3A_99 : vector<144xf32> to vector<1x144xf32>
      %reduce_max3A = arith.constant dense<0xFF800000> : vector<144xf32>
      %reduce_max3A_100 = vector.multi_reduction <maximumf>, %mul3A_98, %reduce_max3A [0] : vector<1000x144xf32> to vector<144xf32>
      %broadcast_in_dim3A_101 = vector.shape_cast %reduce_max3A_100 : vector<144xf32> to vector<1x144xf32>
      %reduce_sum3A_102 = vector.shape_cast %convert_element_type3A_96 : vector<1000x1xf32> to vector<1x1000x1xf32>
      %reduce_sum3A_103 = arith.constant dense<0.000000e+00> : vector<1xf32>
      %reduce_sum3A_104 = vector.multi_reduction <add>, %reduce_sum3A_102, %reduce_sum3A_103 [1, 2] : vector<1x1000x1xf32> to vector<1xf32>
      %reduce_sum3A_105 = vector.shape_cast %reduce_sum3A_104 : vector<1xf32> to vector<1x1x1xf32>
      %reduce_sum3A_106 = vector.extract %reduce_sum3A_105[0, 0, 0] : f32 from vector<1x1x1xf32>
      %get3A_107 = arith.index_cast %while3A_92 : i32 to index
      %get3A_108 = arith.constant 0 : index
      %get3A_109 = vector.load %arg13[%get3A_107, %get3A_108] : memref<64x144xf32, #tpu.memory_space<vmem>>, vector<1x144xf32>
      %add3A_110 = arith.addf %get3A_109, %broadcast_in_dim3A : vector<1x144xf32>
      %swap3A = arith.index_cast %while3A_92 : i32 to index
      %swap3A_111 = arith.constant 0 : index
      %swap3A_112 = vector.load %arg13[%swap3A, %swap3A_111] : memref<64x144xf32, #tpu.memory_space<vmem>>, vector<1x144xf32>
      tpu.vector_store %arg13[%swap3A, %swap3A_111], %add3A_110 {strides = array<i32>} : memref<64x144xf32, #tpu.memory_space<vmem>>, vector<1x144xf32>,
      %get3A_113 = arith.index_cast %while3A_92 : i32 to index
      %get3A_114 = arith.constant 0 : index
      %get3A_115 = vector.load %arg14[%get3A_113, %get3A_114] : memref<64x144xf32, #tpu.memory_space<vmem>>, vector<1x144xf32>
      %max3A_116 = arith.maximumf %get3A_115, %broadcast_in_dim3A_101 : vector<1x144xf32>
      %swap3A_117 = arith.index_cast %while3A_92 : i32 to index
      %swap3A_118 = arith.constant 0 : index
      %swap3A_119 = vector.load %arg14[%swap3A_117, %swap3A_118] : memref<64x144xf32, #tpu.memory_space<vmem>>, vector<1x144xf32>
      tpu.vector_store %arg14[%swap3A_117, %swap3A_118], %max3A_116 {strides = array<i32>} : memref<64x144xf32, #tpu.memory_space<vmem>>, vector<1x144xf32>,
      %get3A_120 = arith.index_cast %while3A_92 : i32 to index
      %get3A_121 = arith.constant 0 : index
      %get3A_122 = vector.load %arg15[%get3A_120, %get3A_121] : memref<64x144xf32, #tpu.memory_space<vmem>>, vector<1x144xf32>
      %add3A_123 = vector.broadcast %reduce_sum3A_106 : f32 to vector<1x144xf32>
      %add3A_124 = arith.addf %get3A_122, %add3A_123 : vector<1x144xf32>
      %swap3A_125 = arith.index_cast %while3A_92 : i32 to index
      %swap3A_126 = arith.constant 0 : index
      %swap3A_127 = vector.load %arg15[%swap3A_125, %swap3A_126] : memref<64x144xf32, #tpu.memory_space<vmem>>, vector<1x144xf32>
      tpu.vector_store %arg15[%swap3A_125, %swap3A_126], %add3A_124 {strides = array<i32>} : memref<64x144xf32, #tpu.memory_space<vmem>>, vector<1x144xf32>,
    }
    %while3A_86 = arith.constant 1 : i32
    scf.for %while3A_92 = %while3A_84 to %while3A_80 step %while3A_86  : i32 {
      %eq3A_93 = vector.broadcast %while3A_92 : i32 to vector<1000x1xi32>
      %eq3A_94 = arith.cmpi eq, %reshape3A, %eq3A_93 : vector<1000x1xi32>
      %convert_element_type3A_95 = arith.extui %eq3A_94 : vector<1000x1xi1> to vector<1000x1xi32>
      %convert_element_type3A_96 = arith.sitofp %convert_element_type3A_95 : vector<1000x1xi32> to vector<1000x1xf32>
      %mul3A_97 = vector.broadcast %convert_element_type3A_96 : vector<1000x1xf32> to vector<1000x144xf32>
      %mul3A_98 = arith.mulf %concatenate3A_61, %mul3A_97 : vector<1000x144xf32>
      %reduce_sum3A = arith.constant dense<0.000000e+00> : vector<144xf32>
      %reduce_sum3A_99 = vector.multi_reduction <add>, %mul3A_98, %reduce_sum3A [0] : vector<1000x144xf32> to vector<144xf32>
      %broadcast_in_dim3A = vector.shape_cast %reduce_sum3A_99 : vector<144xf32> to vector<1x144xf32>
      %reduce_max3A = arith.constant dense<0xFF800000> : vector<144xf32>
      %reduce_max3A_100 = vector.multi_reduction <maximumf>, %mul3A_98, %reduce_max3A [0] : vector<1000x144xf32> to vector<144xf32>
      %broadcast_in_dim3A_101 = vector.shape_cast %reduce_max3A_100 : vector<144xf32> to vector<1x144xf32>
      %reduce_sum3A_102 = vector.shape_cast %convert_element_type3A_96 : vector<1000x1xf32> to vector<1x1000x1xf32>
      %reduce_sum3A_103 = arith.constant dense<0.000000e+00> : vector<1xf32>
      %reduce_sum3A_104 = vector.multi_reduction <add>, %reduce_sum3A_102, %reduce_sum3A_103 [1, 2] : vector<1x1000x1xf32> to vector<1xf32>
      %reduce_sum3A_105 = vector.shape_cast %reduce_sum3A_104 : vector<1xf32> to vector<1x1x1xf32>
      %reduce_sum3A_106 = vector.extract %reduce_sum3A_105[0, 0, 0] : f32 from vector<1x1x1xf32>
      %get3A_107 = arith.index_cast %while3A_92 : i32 to index
      %get3A_108 = arith.constant 0 : index
      %get3A_109 = vector.load %arg13[%get3A_107, %get3A_108] : memref<64x144xf32, #tpu.memory_space<vmem>>, vector<1x144xf32>
      %add3A_110 = arith.addf %get3A_109, %broadcast_in_dim3A : vector<1x144xf32>
      %swap3A = arith.index_cast %while3A_92 : i32 to index
      %swap3A_111 = arith.constant 0 : index
      %swap3A_112 = vector.load %arg13[%swap3A, %swap3A_111] : memref<64x144xf32, #tpu.memory_space<vmem>>, vector<1x144xf32>
      tpu.vector_store %arg13[%swap3A, %swap3A_111], %add3A_110 {strides = array<i32>} : memref<64x144xf32, #tpu.memory_space<vmem>>, vector<1x144xf32>,
      %get3A_113 = arith.index_cast %while3A_92 : i32 to index
      %get3A_114 = arith.constant 0 : index
      %get3A_115 = vector.load %arg14[%get3A_113, %get3A_114] : memref<64x144xf32, #tpu.memory_space<vmem>>, vector<1x144xf32>
      %max3A_116 = arith.maximumf %get3A_115, %broadcast_in_dim3A_101 : vector<1x144xf32>
      %swap3A_117 = arith.index_cast %while3A_92 : i32 to index
      %swap3A_118 = arith.constant 0 : index
      %swap3A_119 = vector.load %arg14[%swap3A_117, %swap3A_118] : memref<64x144xf32, #tpu.memory_space<vmem>>, vector<1x144xf32>
      tpu.vector_store %arg14[%swap3A_117, %swap3A_118], %max3A_116 {strides = array<i32>} : memref<64x144xf32, #tpu.memory_space<vmem>>, vector<1x144xf32>,
      %get3A_120 = arith.index_cast %while3A_92 : i32 to index
      %get3A_121 = arith.constant 0 : index
      %get3A_122 = vector.load %arg15[%get3A_120, %get3A_121] : memref<64x144xf32, #tpu.memory_space<vmem>>, vector<1x144xf32>
      %add3A_123 = vector.broadcast %reduce_sum3A_106 : f32 to vector<1x144xf32>
      %add3A_124 = arith.addf %get3A_122, %add3A_123 : vector<1x144xf32>
      %swap3A_125 = arith.index_cast %while3A_92 : i32 to index
      %swap3A_126 = arith.constant 0 : index
      %swap3A_127 = vector.load %arg15[%swap3A_125, %swap3A_126] : memref<64x144xf32, #tpu.memory_space<vmem>>, vector<1x144xf32>
      tpu.vector_store %arg15[%swap3A_125, %swap3A_126], %add3A_124 {strides = array<i32>} : memref<64x144xf32, #tpu.memory_space<vmem>>, vector<1x144xf32>,
    }
    %eq3A_87 = arith.constant 9 : i32
    %eq3A_88 = arith.cmpi eq, %arg0, %eq3A_87 : i32
    %convert_element_type3A_89 = arith.extui %eq3A_88 : i1 to i32
    %cond3A_90 = arith.constant 0 : i32
    %cond3A_91 = arith.cmpi ne, %convert_element_type3A_89, %cond3A_90 : i32
    scf.if %cond3A_91 {
      %get3A_92 = arith.constant 0 : index
      %get3A_93 = arith.constant 0 : index
      %get3A_94 = vector.load %arg13[%get3A_92, %get3A_93] : memref<64x144xf32, #tpu.memory_space<vmem>>, vector<64x144xf32>
      %get3A_95 = arith.constant 0 : index
      %get3A_96 = arith.constant 0 : index
      %get3A_97 = vector.load %arg15[%get3A_95, %get3A_96] : memref<64x144xf32, #tpu.memory_space<vmem>>, vector<64x144xf32>
      %max3A_98 = arith.constant 1.000000e+00 : f32
      %max3A_99 = vector.broadcast %max3A_98 : f32 to vector<64x144xf32>
      %max3A_100 = arith.maximumf %get3A_97, %max3A_99 : vector<64x144xf32>
      %div3A = arith.divf %get3A_94, %max3A_100 : vector<64x144xf32>
      %get3A_101 = arith.constant 0 : index
      %get3A_102 = arith.constant 0 : index
      %get3A_103 = vector.load %arg14[%get3A_101, %get3A_102] : memref<64x144xf32, #tpu.memory_space<vmem>>, vector<64x144xf32>
      %concatenate3A_104 = tpu.concatenate %div3A, %get3A_103 in 1 : vector<64x144xf32>, vector<64x144xf32> -> vector<64x288xf32>
      %get3A_105 = arith.constant 0 : index
      %get3A_106 = arith.constant 0 : index
      %get3A_107 = vector.load %arg10[%get3A_105, %get3A_106] : memref<288x2xf32, #tpu.memory_space<vmem>>, vector<288x2xf32>
      %dot_general3A_108 = arith.constant dense<0.000000e+00> : vector<64x2xf32>
      %dot_general3A_109 = tpu.matmul %concatenate3A_104, %get3A_107, %dot_general3A_108 {dimension_numbers = #tpu.dot_dimension_numbers<[1], [0], [0], [1], [0, 0, 1, 1], [], []>, transpose_lhs_hint = false} : vector<64x288xf32>, vector<288x2xf32>, vector<64x2xf32> -> vector<64x2xf32>
      %get3A_110 = arith.constant 0 : index
      %get3A_111 = arith.constant 0 : index
      %get3A_112 = vector.load %arg11[%get3A_110, %get3A_111] : memref<1x2xf32, #tpu.memory_space<vmem>>, vector<1x2xf32>
      %add3A_113 = vector.broadcast %get3A_112 : vector<1x2xf32> to vector<64x2xf32>
      %add3A_114 = arith.addf %dot_general3A_109, %add3A_113 : vector<64x2xf32>
      %reduce_max3A = arith.constant dense<0xFF800000> : vector<64xf32>
      %reduce_max3A_115 = vector.multi_reduction <maximumf>, %add3A_114, %reduce_max3A [1] : vector<64x2xf32> to vector<64xf32>
      %broadcast_in_dim3A = vector.shape_cast %reduce_max3A_115 : vector<64xf32> to vector<64x1xf32>
      %sub3A = vector.broadcast %broadcast_in_dim3A : vector<64x1xf32> to vector<64x2xf32>
      %sub3A_116 = arith.subf %add3A_114, %sub3A : vector<64x2xf32>
      %exp3A = math.exp %sub3A_116 : vector<64x2xf32>
      %reduce_sum3A = arith.constant dense<0.000000e+00> : vector<64xf32>
      %reduce_sum3A_117 = vector.multi_reduction <add>, %exp3A, %reduce_sum3A [1] : vector<64x2xf32> to vector<64xf32>
      %broadcast_in_dim3A_118 = vector.shape_cast %reduce_sum3A_117 : vector<64xf32> to vector<64x1xf32>
      %log3A = math.log %broadcast_in_dim3A_118 : vector<64x1xf32>
      %add3A_119 = arith.addf %broadcast_in_dim3A, %log3A : vector<64x1xf32>
      %sub3A_120 = vector.broadcast %add3A_119 : vector<64x1xf32> to vector<64x2xf32>
      %sub3A_121 = arith.subf %add3A_114, %sub3A_120 : vector<64x2xf32>
      %swap3A = arith.constant 0 : index
      %swap3A_122 = arith.constant 0 : index
      %swap3A_123 = vector.load %arg12[%swap3A, %swap3A_122] : memref<64x2xf32, #tpu.memory_space<vmem>>, vector<64x2xf32>
      tpu.vector_store %arg12[%swap3A, %swap3A_122], %sub3A_121 {strides = array<i32>} : memref<64x2xf32, #tpu.memory_space<vmem>>, vector<64x2xf32>,
    } else {
    }
    return
  }
  func.func @transform_0(%arg0: i32) -> (i32, i32) {
    %c0_i32 = arith.constant 0 : i32
    %c0_i32_0 = arith.constant 0 : i32
    return %arg0, %c0_i32 : i32, i32
  }
  func.func @transform_1(%arg0: i32) -> (i32, i32) {
    %c0_i32 = arith.constant 0 : i32
    %c0_i32_0 = arith.constant 0 : i32
    return %arg0, %c0_i32 : i32, i32
  }
  func.func @transform_2(%arg0: i32) -> (i32, i32, i32) {
    %c0_i32 = arith.constant 0 : i32
    %c0_i32_0 = arith.constant 0 : i32
    %c0_i32_1 = arith.constant 0 : i32
    return %c0_i32, %arg0, %c0_i32_0 : i32, i32, i32
  }
  func.func @transform_3(%arg0: i32) -> (i32, i32, i32) {
    %c0_i32 = arith.constant 0 : i32
    %c0_i32_0 = arith.constant 0 : i32
    %c0_i32_1 = arith.constant 0 : i32
    return %c0_i32, %arg0, %c0_i32_0 : i32, i32, i32
  }
  func.func @transform_4(%arg0: i32) -> (i32, i32) {
    %c0_i32 = arith.constant 0 : i32
    %c0_i32_0 = arith.constant 0 : i32
    %c0_i32_1 = arith.constant 0 : i32
    return %c0_i32, %c0_i32_0 : i32, i32
  }
  func.func @transform_5(%arg0: i32) -> (i32, i32) {
    %c0_i32 = arith.constant 0 : i32
    %c0_i32_0 = arith.constant 0 : i32
    %c0_i32_1 = arith.constant 0 : i32
    return %c0_i32, %c0_i32_0 : i32, i32
  }
  func.func @transform_6(%arg0: i32) -> (i32, i32) {
    %c0_i32 = arith.constant 0 : i32
    %c0_i32_0 = arith.constant 0 : i32
    %c0_i32_1 = arith.constant 0 : i32
    return %c0_i32, %c0_i32_0 : i32, i32
  }
  func.func @transform_7(%arg0: i32) -> (i32, i32) {
    %c0_i32 = arith.constant 0 : i32
    %c0_i32_0 = arith.constant 0 : i32
    %c0_i32_1 = arith.constant 0 : i32
    return %c0_i32, %c0_i32_0 : i32, i32
  }
  func.func @transform_8(%arg0: i32) -> (i32, i32, i32) {
    %c0_i32 = arith.constant 0 : i32
    %c0_i32_0 = arith.constant 0 : i32
    %c0_i32_1 = arith.constant 0 : i32
    return %arg0, %c0_i32, %c0_i32_0 : i32, i32, i32
  }
  func.func @transform_9(%arg0: i32) -> (i32, i32) {
    %c0_i32 = arith.constant 0 : i32
    %c0_i32_0 = arith.constant 0 : i32
    %c0_i32_1 = arith.constant 0 : i32
    return %c0_i32, %c0_i32_0 : i32, i32
  }
  func.func @transform_10(%arg0: i32) -> (i32, i32) {
    %c0_i32 = arith.constant 0 : i32
    %c0_i32_0 = arith.constant 0 : i32
    %c0_i32_1 = arith.constant 0 : i32
    return %c0_i32, %c0_i32_0 : i32, i32
  }
  func.func @transform_11(%arg0: i32) -> (i32, i32) {
    %c0_i32 = arith.constant 0 : i32
    %c0_i32_0 = arith.constant 0 : i32
    %c0_i32_1 = arith.constant 0 : i32
    return %c0_i32, %c0_i32_0 : i32, i32
  }
}

</mosaic_0001>

<sc_bundles>
// kernel: kernel.11.cloned.1.call-start
scs
__scs_entry_jumppad:
0x0: {  	(pc) =	sbr.rel $0x88, $3  }
0x1: {  	(tag) =	ssettag $0x0;
	lr =	simm.s32 $0x1  }
0x2: {  	[smem:$0x3F8C] =	sst lr;
	_ =	strace $0xD0000000  }
0x3: {  	_ = 	snop  }
0x4: {  	_ = 	snop  }
0x5: {  	_ = 	snop  }
0x6: {  	_ = 	snop  }
0x7: {  	_ = 	snop  }
__scs_overlays_trampoline_lowered:
0x8: {  	[smem:$0x3F9B] =	sst s0  }
0x9: {  	[smem:$0x3F9C] =	sst s1  }
0xa: {  	[smem:$0x3F9D] =	sst s2  }
0xb: {  	[smem:$0x3F9E] =	sst s3  }
0xc: {  	[smem:$0x3F9F] =	sst s4  }
0xd: {  	[smem:$0x3FA0] =	sst s5  }
0xe: {  	[smem:$0x3FA1] =	sst s6  }
0xf: {  	[smem:$0x3FA2] =	sst s7  }
0x10: {  	[smem:$0x3FA3] =	sst s8  }
0x11: {  	[smem:$0x3FA4] =	sst s9;
	s0 =	simm.s32 @!p0 $0x0  }
0x12: {  	s1 =	sld [smem:$0x3F8A];
	s0 =	simm.s32 @p0 $0x1  }
0x13: {  	[smem:$0x3FA5] =	sst s0;
	s0 =	simm.s32 @!p1 $0x0  }
0x14: {  	s2 =	sld [smem:$0x3F89];
	s0 =	simm.s32 @p1 $0x1  }
0x15: {  	[smem:$0x3FA6] =	sst s0;
	s0 =	simm.s32 @!p2 $0x0  }
0x16: {  	s3 =	sld [smem:$0x3FDB];
	s0 =	simm.s32 @p2 $0x1  }
0x17: {  	s4 =	simm.s32 $0x1BF5;
	[smem:$0x3FA8] =	sst s0  }
0x18: {  	s0 =	sld [smem:$0x3F8B];
	_ =	swait.ge [sflag:s4], $0x0  }
0x19: {  	s7 =	sld [smem:$0x3F8C]  }
0x1a: {  	s8 =	sadd.s32 $0xFFFFE003, lr  }
0x1b: {  	s9 =	sadd.s32 $0xFFFFFEF7, lr;
	s5 =	simm.s32 $0xFFFFFFFF;
	p2 =	slt.u32 s8, $0xFFFFF086  }
0x1c: {  	p1 =	slt.u32 s9, $0xF7A;
	s5 =	simm.s32 @!p2 $0x0  }
0x1d: {  	s5 =	simm.s32 @p1 $0x1;
	p0 =	seq.s32 s7, s2  }
0x1e: {  	s7 =	smul.u32 @!p0 $0xF7A, s2;
	p2 =	seq.s32 @!p0 s5, $0x0  }
0x1f: {  	s9 =	smul.u32 $0xF7A, s1;
	s8 =	simm.s32 @!p0 $0x1BF5;
	p2 =	por !p2, p0  }
0x20: {  	[sflag:s8] =	ssyncset.s32 @!p0 $0xFFFFF086;
	s6 =	sadd.s32 @!p0 s3, s7;
	s7 =	simm.s32 @!p0 $0x108  }
0x21: {  	s3 =	sadd.s32 s3, s9;
	s6 =	sadd.s32 @!p0 $0x88, s6;
	s7 =	simm.s32 @p2 $0x1082  }
0x22: {  	[simem:s7], [sflag:s8] =	dma.local @!p0 [hbm:s6], $0xF7A  }
0x23: {  	s9 =	sor.u32 $0xD0000000, s2;
	s6 =	simm.s32 $0x108;
	_ =	swait.ge @!p0 [sflag:s8], $0x0  }
0x24: {  	s3 =	sadd.s32 $0x88, s3;
	s6 =	simm.s32 @!p1 $0x1082;
	[sflag:s4] =	ssyncset.s32 $0xFFFFF086  }
0x25: {  	[simem:s6], [sflag:s4] =	dma.local [hbm:s3], $0xF7A  }
0x26: {  	[smem:$0x3F8C] =	sst s1;
	(tag) =	ssettag s2;
	_ =	strace s9  }
0x27: {  	s1 =	sld [smem:$0x3F9C]  }
0x28: {  	s2 =	sld [smem:$0x3F9D]  }
0x29: {  	s4 =	sld [smem:$0x3F9F]  }
0x2a: {  	p0 =	seq.s32 s5, $0x0;
	s5 =	sld [smem:$0x3FA0]  }
0x2b: {  	s6 =	sld [smem:$0x3FA1]  }
0x2c: {  	s7 =	sld [smem:$0x3FA2]  }
0x2d: {  	s3 =	simm.s32 $0x108;
	s8 =	sld [smem:$0x3FA3]  }
0x2e: {  	s3 =	simm.s32 @!p0 $0x1082;
	s9 =	sld [smem:$0x3FA4]  }
0x2f: {  	lr =	sadd.s32 s0, s3;
	s0 =	sld [smem:$0x3F9B]  }
0x30: {  	s3 =	sld [smem:$0x3F9E]  }
0x31: {  	[smem:$0x3FA7] =	sst s10  }
0x32: {  	s10 =	sld [smem:$0x3FA5];
	_ =	sdelay $0x3  }
0x33: {  	p0 =	seq.s32 s10, $0x1;
	s10 =	sld [smem:$0x3FA7];
	_ =	sdelay $0x3  }
0x34: {  	[smem:$0x3FA7] =	sst s10  }
0x35: {  	s10 =	sld [smem:$0x3FA6];
	_ =	sdelay $0x3  }
0x36: {  	p1 =	seq.s32 s10, $0x1;
	s10 =	sld [smem:$0x3FA7];
	_ =	sdelay $0x3  }
0x37: {  	[smem:$0x3FA7] =	sst s10  }
0x38: {  	s10 =	sld [smem:$0x3FA8]  }
0x39: {  	_ = 	snop;
	(pc) =	sbr.ind lr, $3  }
0x3a: {  	_ = 	snop  }
0x3b: {  	_ = 	snop  }
0x3c: {  	p2 =	seq.s32 s10, $0x1;
	s10 =	sld [smem:$0x3FA7]  }
0x3d: {  	_ =	shalt  }
0x3e: {  	_ =	shalt  }
0x3f: {  	_ =	shalt  }
0x40: {  	_ =	shalt  }
0x41: {  	_ =	shalt  }
0x42: {  	_ =	shalt  }
0x43: {  	_ =	shalt  }
0x44: {  	_ =	shalt  }
0x45: {  	_ =	shalt  }
0x46: {  	_ =	shalt  }
0x47: {  	_ =	shalt  }
0x48: {  	_ =	shalt  }
0x49: {  	_ =	shalt  }
0x4a: {  	_ =	shalt  }
0x4b: {  	_ =	shalt  }
0x4c: {  	_ =	shalt  }
0x4d: {  	_ =	shalt  }
0x4e: {  	_ =	shalt  }
0x4f: {  	_ =	shalt  }
0x50: {  	_ =	shalt  }
0x51: {  	_ =	shalt  }
0x52: {  	_ =	shalt  }
0x53: {  	_ =	shalt  }
0x54: {  	_ =	shalt  }
0x55: {  	_ =	shalt  }
0x56: {  	_ =	shalt  }
0x57: {  	_ =	shalt  }
0x58: {  	_ =	shalt  }
0x59: {  	_ =	shalt  }
0x5a: {  	_ =	shalt  }
0x5b: {  	_ =	shalt  }
0x5c: {  	_ =	shalt  }
0x5d: {  	_ =	shalt  }
0x5e: {  	_ =	shalt  }
0x5f: {  	_ =	shalt  }
0x60: {  	_ =	shalt  }
0x61: {  	_ =	shalt  }
0x62: {  	_ =	shalt  }
0x63: {  	_ =	shalt  }
0x64: {  	_ =	shalt  }
0x65: {  	_ =	shalt  }
0x66: {  	_ =	shalt  }
0x67: {  	_ =	shalt  }
0x68: {  	_ =	shalt  }
0x69: {  	_ =	shalt  }
0x6a: {  	_ =	shalt  }
0x6b: {  	_ =	shalt  }
0x6c: {  	_ =	shalt  }
0x6d: {  	_ =	shalt  }
0x6e: {  	_ =	shalt  }
0x6f: {  	_ =	shalt  }
0x70: {  	_ =	shalt  }
0x71: {  	_ =	shalt  }
0x72: {  	_ =	shalt  }
0x73: {  	_ =	shalt  }
0x74: {  	_ =	shalt  }
0x75: {  	_ =	shalt  }
0x76: {  	_ =	shalt  }
0x77: {  	_ =	shalt  }
0x78: {  	_ =	shalt  }
0x79: {  	_ =	shalt  }
0x7a: {  	_ =	shalt  }
0x7b: {  	_ =	shalt  }
0x7c: {  	_ =	shalt  }
0x7d: {  	_ =	shalt  }
0x7e: {  	_ =	shalt  }
0x7f: {  	_ =	shalt  }
0x80: {  	_ =	shalt  }
0x81: {  	_ =	shalt  }
0x82: {  	_ =	shalt  }
0x83: {  	_ =	shalt  }
0x84: {  	_ =	shalt  }
0x85: {  	_ =	shalt  }
0x86: {  	_ =	shalt  }
0x87: {  	_ =	shalt  }
.Lfunc_end0:
.L_simem_size_0:
called_computation.1_lowered:
.L_overlay_start_0:
0x88: {  	s2 =	sld [smem:$0x3FD9]  }
0x89: {  	s3 =	sld [smem:$0x3FFE];
	_ =	sdelay $0x1  }
0x8a: {  	s1 =	srdreg.scid  }
0x8b: {  	s0 =	sand.u32 $0x1, s1  }
0x8c: {  	s16 =	sshll.u32 s0, $0xA;
	s2 =	sadd.s32 s3, s2  }
0x8d: {  	s2 =	sadd.s32 s2, s16  }
0x8e: {  	[smem:$0x3FB3] =	sst s2  }
0x8f: {  	_ = 	snop  }
0x90: {  	(tm) =	ssettm $0x1  }
0x91: {  	s17 =	sld [smem:$0x3FFB];
	_ =	sdelay $0x3  }
0x92: {  	_ =	strace s17  }
0x93: {  	s2 =	sld [smem:$0x3FFC];
	_ =	sdelay $0x3  }
0x94: {  	_ =	strace s2  }
0x95: {  	s2 =	sld [smem:$0x3FFD];
	_ =	sdelay $0x3  }
0x96: {  	_ =	strace s2  }
0x97: {  	_ =	strace $0x8FFFFFFF  }
0x98: {  	s18 =	sld [smem:$0x3FDB];
	_ =	sdelay $0x1  }
0x99: {  	s19 =	simm.s32 $_scs_section_size  }
0x9a: {  	s4 =	simm.s32 $_size__tile_overlayer_lowered;
	s5 =	simm.s32 $_tile_overlayer_lowered  }
0x9b: {  	s22 =	simm.s32 $0x1BFF;
	s21 =	sshll.u32 s5, $0x1;
	s2 =	sadd.s32 s19, s18  }
0x9c: {  	s6 =	simm.s32 $0x0;
	s20 =	sshll.u32 s4, $0x1;
	s4 =	sadd.s32 s21, s2  }
0x9d: {  	[timem:s6], [sflag:s22] =	dma.local [hbm:s4], s20  }
0x9e: {  	_ =	swait.ge [sflag:s22], s20  }
0x9f: {  	s3 =	ssub.s32 $0x0, s20;
	[sflag:s22] =	ssyncset.done $0x0  }
0xa0: {  	[sflag:s22] =	ssyncadd.s32 s3;
	_ =	sdelay $0x1  }
0xa1: {  	s23 =	simm.s32 $0x1B8B  }
0xa2: {  	_ =	swait.ge [sflag:s23], $0x1  }
0xa3: {  	[sflag:s23] =	ssyncset.done $0x0  }
0xa4: {  	s25 =	simm.s32 $0x1B8E;
	s24 =	sld [smem:$0x3FFE];
	[sflag:s23] =	ssyncadd.s32 $0xFFFFFFFF  }
0xa5: {  	s26 =	simm.s32 $execute0_lowered;
	[smem:$0x3FD2] =	sst s25  }
0xa6: {  	s4 =	sshll.u32 s26, $0x1;
	_ =	strace $0x80000046;
	[dreg:$0x1] =	wrdreg $0xFFFFFFFF  }
0xa7: {  	s28 =	simm.s32 $_size_execute0_lowered;
	s2 =	sadd.s32 s2, s4;
	[dreg:$0x0] =	wrdreg $0x0  }
0xa8: {  	s4 =	sshll.u32 s28, $0x1;
	[dreg:$0x2] =	wrdreg s2  }
0xa9: {  	[dreg:$0x3] =	wrdreg s4  }
0xaa: {  	[dreg:$0x4] =	wrdreg $0xC0  }
0xab: {  	_ =	task [dreg:s6], $0x5FFFF  }
0xac: {  	[dreg:$0x1] =	wrdreg $0xFFFFFFFF  }
0xad: {  	[dreg:$0x0] =	wrdreg $0x60  }
0xae: {  	[dreg:$0x2] =	wrdreg s24  }
0xaf: {  	[dreg:$0x3] =	wrdreg $0xCD000  }
0xb0: {  	[dreg:$0x4] =	wrdreg $0xA  }
0xb1: {  	_ =	task.clear_ibuf [dreg:s6], $0x5FFFF;
	_ =	strace $0x90000046  }
0xb2: {  	s29 =	simm.s32 $0xA;
	_ =	strace $0x80000048  }
0xb3: {  	_ =	swait.ge [sflag:s29], $0x1  }
0xb4: {  	[sflag:s29] =	ssyncadd.s32 $0xFFFFFFFF  }
0xb5: {  	_ =	strace $0x90000048  }
0xb6: {  	_ =	sfence  }
0xb7: {  	s30 =	sld [smem:$0x0];
	_ =	sdelay $0x2  }
0xb8: {  	s31 =	sshll.u32 s1, $0xD;
	s1 =	sshrl.u32 s1, $0x2  }
0xb9: {  	s3 =	sand.u32 $0x4000, s31;
	s1 =	sadd.s32 s1, s30  }
0xba: {  	s0 =	sor.u32 s3, s0;
	s1 =	sshll.u32 s1, $0x11  }
0xbb: {  	s0 =	sor.u32 s1, s0  }
0xbc: {  	s0 =	sadd.s32 $0x8F2B, s0  }
0xbd: {  	[sflag:s0] =	ssyncadd.remote.s32 $0x1  }
0xbe: {  	_ =	sfence.sel $0xFFFF  }
0xbf: {  	[dreg:$0x0] =	wrdreg $0xFFFFFFFF;
	(pc) =	sbr.abs _section_cstart, $3  }
0xc0: {  	[dreg:$0x1] =	wrdreg $0xFFFFFFFF  }
0xc1: {  	_ =	task.clear_ibuf [dreg:s6], $0x2FFFF;
	_ =	strace $0x9FFFFFFF  }
0xc2: {  	(tm) =	ssettm $0x7FFFFFFF  }
0xc3: {  	_ =	shalt  }
tec
execute0_lowered:
.L_overlay_start_1:
0x0: {  	(tag) =	ssettag $0x1  }
0x1: {  	s6 =	rddreg [dreg:$0x0]  }
0x2: {  	s1 =	srdreg.scid;
	s0 =	stileid.u32  }
0x3: {  	s2 =	rddreg [dreg:$0x1];
	s3 =	simm.s32 $0x0;
	s16 =	simm.s32 $0xFA  }
0x4: {  	s17 =	simm.s32 $0x5000;
	s18 =	simm.s32 $0x100;
	s19 =	simm.s32 $0x8E80  }
0x5: {  	s20 =	simm.s32 $0x1;
	s21 =	simm.s32 $0x2;
	s22 =	simm.s32 $0x3  }
0x6: {  	s23 =	simm.s32 $0x4;
	s24 =	simm.s32 $0x4E00;
	s28 =	simm.s32 $0x0  }
0x7: {  	s7 =	sand.u32 $0x1, s1;
	s4 =	sshll.u32 s0, $0x1;
	s1 =	rddreg [dreg:$0x2]  }
0x8: {  	[smem:$0x7FF] =	sst s3;
	s9 =	smul.u32 $0x27000, s0;
	s5 =	sadd.s32 $0x2B400, s6  }
0x9: {  	s12 =	smul.u32 $0x9C00, s0;
	s13 =	sadd.s32 $0x2C800, s6;
	s15 =	sadd.s32 $0x92400, s2  }
0xa: {  	p0 =	seq.s32 s0, $0xF;
	s4 =	sor.u32 s7, s4;
	s11 =	smul.u32 $0x9C400, s7  }
0xb: {  	_ =	strace $0x80000047;
	s10 =	ssub.s32 $0x2, s7;
	s4 =	smul.u32 $0x500, s4  }
0xc: {  	s26 =	sshrl.u32 s10, $0x1;
	s9 =	sshrl.u32 s9, $0x2;
	s25 =	sadd.s32 s12, s2  }
0xd: {  	s10 =	ssub.s32 s10, s26;
	s14 =	sadd.s32 s9, s2;
	s29 =	sadd.s32 s12, s11  }
0xe: {  	s31 =	sshrl.u32 s11, $0x3;
	s12 =	sshll.u32 @!p0 s0, $0x6;
	s11 =	sshrl.u32 @p0 s15, $0x3  }
0xf: {  	s15 =	simm.s32 $0x5;
	s25 =	sshrl.u32 @!p0 s25, $0x3;
	s26 =	simm.s32 $0x4F00  }
0x10: {  	s8 =	sadd.s32 s4, s6;
	s4 =	sadd.s32 $0x17A00, s6;
	s30 =	sshrl.u32 s29, $0x3  }
0x11: {  	s9 =	sadd.s32 s13, s31;
	s10 =	smax.u32 s10, $0x1;
	s12 =	sor.u32 @!p0 $0x1C06, s12  }
0x12: {  	s6 =	sadd.s32 $0xDA00, s8;
	s7 =	sadd.s32 $0x3A00, s8;
	s8 =	sadd.s32 s13, s30  }
0x13: {  	s9 =	sadd.s32 $0x12480, s9;
	s13 =	sshrl.u32 @!p0 s14, $0x3;
	s14 =	simm.s32 $0x2800  }
.LBB2_1:
0x14: {  	s29 =	simm.s32 @p0 $0x1FC6  }
0x15: {  	[spmem:s11], [sflag:s29] =	dma.local @p0 [hbm:s5], $0x1400  }
0x16: {  	s29 =	simm.s32 @p0 $0x6  }
0x17: {  	_ =	swait.ge @p0 [sflag:s29], $0x1400  }
0x18: {  	[sflag:s29] =	ssyncset.done @p0 $0x0  }
0x19: {  	[sflag:s29] =	ssyncadd.s32 @p0 $0xFFFFEC00;
	s29 =	simm.s32 @!p0 $0x6  }
0x1a: {  	[spmem:s13], [sflag:s12] =	dma.local @!p0 [hbm:s5], $0x1380  }
0x1b: {  	_ =	swait.ge @!p0 [sflag:s29], $0x1380  }
0x1c: {  	[sflag:s29] =	ssyncset.done @!p0 $0x0  }
0x1d: {  	[sflag:s29] =	ssyncadd.s32 @!p0 $0xFFFFEC80  }
0x1e: {  	[tilespmem:s3], [sflag:$0x5] =	stream.linear.gather [hbm4b:s6+s3], $0x2800, $0x38;
	[tilespmem:$0x16940] =	vst v63  }
0x1f: {  	_ = 	snop  }
0x20: {  	[tilespmem:s14], [sflag:$0x5] =	stream.linear.gather [hbm4b:s7+s3], $0x2800, $0x38;
	[tilespmem:$0x16940] =	vst v63  }
0x21: {  	_ =	swait.ge [sflag:s15], $0x2800  }
0x22: {  	[sflag:s15] =	ssyncset.done $0x0  }
0x23: {  	[sflag:s15] =	ssyncadd.s32 $0xFFFFD800  }
0x24: {  	_ =	swait.ge [sflag:s15], $0x2800  }
0x25: {  	[sflag:s15] =	ssyncset.done $0x0  }
0x26: {  	[sflag:s15] =	ssyncadd.s32 $0xFFFFD800  }
0x27: {  	[bflag:$0x0] =	sbarrier.arrive $0xFFFF  }
0x28: {  	[tilespmem:s17], [sflag:$0x1] =	stream.indirect.gather [hbm4b:s4+s16], $0x40, s3, s16, $0xb8;
	[tilespmem:$0x16940] =	vst v63  }
0x29: {  	_ = 	snop  }
0x2a: {  	[tilespmem:s19], [sflag:$0x2] =	stream.indirect.gather [hbm4b:s4+s16], $0x40, s18, s16, $0xb8;
	[tilespmem:$0x16940] =	vst v63  }
0x2b: {  	_ =	swait.ge [sflag:s20], $0x3E80  }
0x2c: {  	[sflag:s20] =	ssyncset.done $0x0  }
0x2d: {  	s29 =	simm.s32 $0x2800;
	[sflag:s20] =	ssyncadd.s32 $0xFFFFC180  }
0x2e: {  	[spmem:s2] =	stream.indirect.scatter.add.f32 [tilespmem:s17], [sflag:$0x3], $0x40, s29, s16, $0xb8;
	[tilespmem:$0x16940] =	vst v63  }
0x2f: {  	_ =	swait.ge [sflag:s21], $0x3E80  }
0x30: {  	[sflag:s21] =	ssyncset.done $0x0  }
0x31: {  	s29 =	simm.s32 $0x2900;
	[sflag:s21] =	ssyncadd.s32 $0xFFFFC180  }
0x32: {  	[spmem:s2] =	stream.indirect.scatter.add.f32 [tilespmem:s19], [sflag:$0x4], $0x40, s29, s16, $0xb8;
	[tilespmem:$0x16940] =	vst v63  }
0x33: {  	_ =	swait.ge [sflag:s22], $0x3E80  }
0x34: {  	[sflag:s22] =	ssyncset.done $0x0  }
0x35: {  	s29 =	simm.s32 $0x200;
	[sflag:s22] =	ssyncadd.s32 $0xFFFFC180  }
0x36: {  	[tilespmem:s17], [sflag:$0x1] =	stream.indirect.gather [hbm4b:s4+s16], $0x40, s29, s16, $0xb8;
	[tilespmem:$0x16940] =	vst v63  }
0x37: {  	_ =	swait.ge [sflag:s23], $0x3E80  }
0x38: {  	[sflag:s23] =	ssyncset.done $0x0  }
0x39: {  	s30 =	simm.s32 $0x300;
	s29 =	simm.s32 $0x800;
	[sflag:s23] =	ssyncadd.s32 $0xFFFFC180  }
.LBB2_2:
0x3a: {  	[tilespmem:s19], [sflag:$0x2] =	stream.indirect.gather [hbm4b:s4+s16], $0x40, s30, s16, $0xb8;
	[tilespmem:$0x16940] =	vst v63  }
0x3b: {  	s30 =	smov.u32 s29  }
0x3c: {  	p1 =	sne.s32 s29, $0x9000;
	s29 =	sadd.s32 $0x800, s29;
	_ =	swait.ge [sflag:s20], $0x3E80  }
0x3d: {  	s30 =	sshra.s32 s30, $0x2;
	[sflag:s20] =	ssyncset.done $0x0  }
0x3e: {  	s31 =	sadd.s32 $0x2800, s30;
	[sflag:s20] =	ssyncadd.s32 $0xFFFFC180  }
0x3f: {  	[spmem:s2] =	stream.indirect.scatter.add.f32 [tilespmem:s17], [sflag:$0x3], $0x40, s31, s16, $0xb8;
	[tilespmem:$0x16940] =	vst v63  }
0x40: {  	_ =	swait.ge [sflag:s21], $0x3E80  }
0x41: {  	[sflag:s21] =	ssyncset.done $0x0  }
0x42: {  	s31 =	sadd.s32 $0x2900, s30;
	[sflag:s21] =	ssyncadd.s32 $0xFFFFC180  }
0x43: {  	[spmem:s2] =	stream.indirect.scatter.add.f32 [tilespmem:s19], [sflag:$0x4], $0x40, s31, s16, $0xb8;
	[tilespmem:$0x16940] =	vst v63  }
0x44: {  	_ =	swait.ge [sflag:s22], $0x3E80  }
0x45: {  	[sflag:s22] =	ssyncset.done $0x0  }
.Ltmp0:
0x46: {  	s31 =	sadd.s32 $0x200, s30;
	[sflag:s22] =	ssyncadd.s32 $0xFFFFC180;
	(pc) =	sbr.rel @p1 .LBB2_2-.Ltmp0, $4  }
0x47: {  	[tilespmem:s17], [sflag:$0x1] =	stream.indirect.gather [hbm4b:s4+s16], $0x40, s31, s16, $0xb8;
	[tilespmem:$0x16940] =	vst v63  }
0x48: {  	_ =	swait.ge [sflag:s23], $0x3E80  }
0x49: {  	[sflag:s23] =	ssyncset.done $0x0  }
0x4a: {  	s30 =	sadd.s32 $0x300, s30;
	[sflag:s23] =	ssyncadd.s32 $0xFFFFC180  }
0x4b: {  	[tilespmem:s19], [sflag:$0x2] =	stream.indirect.gather [hbm4b:s4+s16], $0x40, s30, s16, $0xb8;
	[tilespmem:$0x16940] =	vst v63  }
0x4c: {  	_ =	swait.ge [sflag:s20], $0x3E80  }
0x4d: {  	[sflag:s20] =	ssyncset.done $0x0  }
0x4e: {  	[sflag:s20] =	ssyncadd.s32 $0xFFFFC180  }
0x4f: {  	[spmem:s2] =	stream.indirect.scatter.add.f32 [tilespmem:s17], [sflag:$0x3], $0x40, s24, s16, $0xb8;
	[tilespmem:$0x16940] =	vst v63  }
0x50: {  	_ =	swait.ge [sflag:s21], $0x3E80  }
0x51: {  	[sflag:s21] =	ssyncset.done $0x0  }
0x52: {  	[sflag:s21] =	ssyncadd.s32 $0xFFFFC180  }
0x53: {  	[spmem:s2] =	stream.indirect.scatter.add.f32 [tilespmem:s19], [sflag:$0x4], $0x40, s26, s16, $0xb8;
	[tilespmem:$0x16940] =	vst v63  }
0x54: {  	_ =	swait.ge [sflag:s22], $0x3E80  }
0x55: {  	[sflag:s22] =	ssyncset.done $0x0  }
0x56: {  	[sflag:s22] =	ssyncadd.s32 $0xFFFFC180  }
0x57: {  	_ =	swait.ge [sflag:s23], $0x3E80  }
0x58: {  	[sflag:s23] =	ssyncset.done $0x0  }
0x59: {  	[sflag:s23] =	ssyncadd.s32 $0xFFFFC180  }
0x5a: {  	s29 =	simm.s32 @p0 $0x1FC6;
	[bflag:$0x0] =	sbarrier.arrive $0xFFFF  }
0x5b: {  	[hbm:s9], [sflag:s29] =	dma.local @p0 [spmem:s11], $0x1400  }
0x5c: {  	s29 =	simm.s32 @p0 $0x6  }
0x5d: {  	s28 =	sadd.s32 $0x1, s28;
	_ =	swait.ge @p0 [sflag:s29], $0x1400  }
0x5e: {  	p1 =	sne.s32 s28, s10;
	[sflag:s29] =	ssyncset.done @p0 $0x0  }
.Ltmp1:
0x5f: {  	[sflag:s29] =	ssyncadd.s32 @p0 $0xFFFFEC00;
	s29 =	simm.s32 @!p0 $0x6;
	(pc) =	sbr.rel @p1 .LBB2_1-.Ltmp1, $4  }
0x60: {  	[hbm:s8], [sflag:s12] =	dma.local @!p0 [spmem:s25], $0x1380  }
0x61: {  	_ =	swait.ge @!p0 [sflag:s29], $0x1380  }
0x62: {  	[sflag:s29] =	ssyncset.done @!p0 $0x0  }
0x63: {  	[sflag:s29] =	ssyncadd.s32 @!p0 $0xFFFFEC80  }
0x64: {  	_ =	sfence.sel $0x180000  }
0x65: {  	[bflag:$0x0] =	sbarrier.arrive $0xFFFF  }
0x66: {  	p0 =	sne.s32 s0, $0x0;
	_ =	strace $0x90000047  }
0x67: {  	s0 =	sadd.s32 @!p0 $0x100000, s1;
	[bflag:$0x2] =	sbarrier.arrive $0xFFFF  }
0x68: {  	[sflag:s0] =	ssyncadd.tile.s32 @!p0 $0x1;
	_ =	shalt  }
.Lfunc_end2:
_tile_overlayer_lowered:
.L_overlay_start_2:
0x69: {  	(tag) =	ssettag $0x2  }
0x6a: {  	s0 =	rddreg [dreg:$0x0];
	s2 =	stileid.u32  }
0x6b: {  	s1 =	rddreg [dreg:$0x1];
	p0 =	sne.s32 s2, $0x0  }
0x6c: {  	s3 =	rddreg [dreg:$0x2];
	[bflag:$0x3] =	sbarrier.arrive $0xFFFF;
	s2 =	simm.s32 @!p0 $0x1C06  }
0x6d: {  	[timem:s3], [sflag:s2] =	dma.local @!p0 [hbm:s0], s1  }
0x6e: {  	s0 =	simm.s32 @!p0 $0x6  }
0x6f: {  	_ =	swait.ge @!p0 [sflag:s0], s1  }
0x70: {  	s1 =	ssub.s32 @!p0 $0x0, s1;
	[sflag:s0] =	ssyncset.done @!p0 $0x0  }
0x71: {  	[sflag:s0] =	ssyncadd.s32 @!p0 s1  }
0x72: {  	[bflag:$0x3] =	sbarrier.arrive $0xFFFF  }
0x73: {  	_ =	shalt  }

// kernel: kernel.14.cloned.1.call-start
scs
__scs_entry_jumppad:
0x0: {  	(pc) =	sbr.rel $0x88, $3  }
0x1: {  	(tag) =	ssettag $0x0;
	lr =	simm.s32 $0x1  }
0x2: {  	[smem:$0x3F8C] =	sst lr;
	_ =	strace $0xD0000000  }
0x3: {  	_ = 	snop  }
0x4: {  	_ = 	snop  }
0x5: {  	_ = 	snop  }
0x6: {  	_ = 	snop  }
0x7: {  	_ = 	snop  }
__scs_overlays_trampoline_lowered:
0x8: {  	[smem:$0x3F9B] =	sst s0  }
0x9: {  	[smem:$0x3F9C] =	sst s1  }
0xa: {  	[smem:$0x3F9D] =	sst s2  }
0xb: {  	[smem:$0x3F9E] =	sst s3  }
0xc: {  	[smem:$0x3F9F] =	sst s4  }
0xd: {  	[smem:$0x3FA0] =	sst s5  }
0xe: {  	[smem:$0x3FA1] =	sst s6  }
0xf: {  	[smem:$0x3FA2] =	sst s7  }
0x10: {  	[smem:$0x3FA3] =	sst s8  }
0x11: {  	[smem:$0x3FA4] =	sst s9;
	s0 =	simm.s32 @!p0 $0x0  }
0x12: {  	s1 =	sld [smem:$0x3F8A];
	s0 =	simm.s32 @p0 $0x1  }
0x13: {  	[smem:$0x3FA5] =	sst s0;
	s0 =	simm.s32 @!p1 $0x0  }
0x14: {  	s2 =	sld [smem:$0x3F89];
	s0 =	simm.s32 @p1 $0x1  }
0x15: {  	[smem:$0x3FA6] =	sst s0;
	s0 =	simm.s32 @!p2 $0x0  }
0x16: {  	s3 =	sld [smem:$0x3FDB];
	s0 =	simm.s32 @p2 $0x1  }
0x17: {  	s4 =	simm.s32 $0x1BF5;
	[smem:$0x3FA8] =	sst s0  }
0x18: {  	s0 =	sld [smem:$0x3F8B];
	_ =	swait.ge [sflag:s4], $0x0  }
0x19: {  	s7 =	sld [smem:$0x3F8C]  }
0x1a: {  	s8 =	sadd.s32 $0xFFFFE003, lr  }
0x1b: {  	s9 =	sadd.s32 $0xFFFFFEF7, lr;
	s5 =	simm.s32 $0xFFFFFFFF;
	p2 =	slt.u32 s8, $0xFFFFF086  }
0x1c: {  	p1 =	slt.u32 s9, $0xF7A;
	s5 =	simm.s32 @!p2 $0x0  }
0x1d: {  	s5 =	simm.s32 @p1 $0x1;
	p0 =	seq.s32 s7, s2  }
0x1e: {  	s7 =	smul.u32 @!p0 $0xF7A, s2;
	p2 =	seq.s32 @!p0 s5, $0x0  }
0x1f: {  	s9 =	smul.u32 $0xF7A, s1;
	s8 =	simm.s32 @!p0 $0x1BF5;
	p2 =	por !p2, p0  }
0x20: {  	[sflag:s8] =	ssyncset.s32 @!p0 $0xFFFFF086;
	s6 =	sadd.s32 @!p0 s3, s7;
	s7 =	simm.s32 @!p0 $0x108  }
0x21: {  	s3 =	sadd.s32 s3, s9;
	s6 =	sadd.s32 @!p0 $0x88, s6;
	s7 =	simm.s32 @p2 $0x1082  }
0x22: {  	[simem:s7], [sflag:s8] =	dma.local @!p0 [hbm:s6], $0xF7A  }
0x23: {  	s9 =	sor.u32 $0xD0000000, s2;
	s6 =	simm.s32 $0x108;
	_ =	swait.ge @!p0 [sflag:s8], $0x0  }
0x24: {  	s3 =	sadd.s32 $0x88, s3;
	s6 =	simm.s32 @!p1 $0x1082;
	[sflag:s4] =	ssyncset.s32 $0xFFFFF086  }
0x25: {  	[simem:s6], [sflag:s4] =	dma.local [hbm:s3], $0xF7A  }
0x26: {  	[smem:$0x3F8C] =	sst s1;
	(tag) =	ssettag s2;
	_ =	strace s9  }
0x27: {  	s1 =	sld [smem:$0x3F9C]  }
0x28: {  	s2 =	sld [smem:$0x3F9D]  }
0x29: {  	s4 =	sld [smem:$0x3F9F]  }
0x2a: {  	p0 =	seq.s32 s5, $0x0;
	s5 =	sld [smem:$0x3FA0]  }
0x2b: {  	s6 =	sld [smem:$0x3FA1]  }
0x2c: {  	s7 =	sld [smem:$0x3FA2]  }
0x2d: {  	s3 =	simm.s32 $0x108;
	s8 =	sld [smem:$0x3FA3]  }
0x2e: {  	s3 =	simm.s32 @!p0 $0x1082;
	s9 =	sld [smem:$0x3FA4]  }
0x2f: {  	lr =	sadd.s32 s0, s3;
	s0 =	sld [smem:$0x3F9B]  }
0x30: {  	s3 =	sld [smem:$0x3F9E]  }
0x31: {  	[smem:$0x3FA7] =	sst s10  }
0x32: {  	s10 =	sld [smem:$0x3FA5];
	_ =	sdelay $0x3  }
0x33: {  	p0 =	seq.s32 s10, $0x1;
	s10 =	sld [smem:$0x3FA7];
	_ =	sdelay $0x3  }
0x34: {  	[smem:$0x3FA7] =	sst s10  }
0x35: {  	s10 =	sld [smem:$0x3FA6];
	_ =	sdelay $0x3  }
0x36: {  	p1 =	seq.s32 s10, $0x1;
	s10 =	sld [smem:$0x3FA7];
	_ =	sdelay $0x3  }
0x37: {  	[smem:$0x3FA7] =	sst s10  }
0x38: {  	s10 =	sld [smem:$0x3FA8]  }
0x39: {  	_ = 	snop;
	(pc) =	sbr.ind lr, $3  }
0x3a: {  	_ = 	snop  }
0x3b: {  	_ = 	snop  }
0x3c: {  	p2 =	seq.s32 s10, $0x1;
	s10 =	sld [smem:$0x3FA7]  }
0x3d: {  	_ =	shalt  }
0x3e: {  	_ =	shalt  }
0x3f: {  	_ =	shalt  }
0x40: {  	_ =	shalt  }
0x41: {  	_ =	shalt  }
0x42: {  	_ =	shalt  }
0x43: {  	_ =	shalt  }
0x44: {  	_ =	shalt  }
0x45: {  	_ =	shalt  }
0x46: {  	_ =	shalt  }
0x47: {  	_ =	shalt  }
0x48: {  	_ =	shalt  }
0x49: {  	_ =	shalt  }
0x4a: {  	_ =	shalt  }
0x4b: {  	_ =	shalt  }
0x4c: {  	_ =	shalt  }
0x4d: {  	_ =	shalt  }
0x4e: {  	_ =	shalt  }
0x4f: {  	_ =	shalt  }
0x50: {  	_ =	shalt  }
0x51: {  	_ =	shalt  }
0x52: {  	_ =	shalt  }
0x53: {  	_ =	shalt  }
0x54: {  	_ =	shalt  }
0x55: {  	_ =	shalt  }
0x56: {  	_ =	shalt  }
0x57: {  	_ =	shalt  }
0x58: {  	_ =	shalt  }
0x59: {  	_ =	shalt  }
0x5a: {  	_ =	shalt  }
0x5b: {  	_ =	shalt  }
0x5c: {  	_ =	shalt  }
0x5d: {  	_ =	shalt  }
0x5e: {  	_ =	shalt  }
0x5f: {  	_ =	shalt  }
0x60: {  	_ =	shalt  }
0x61: {  	_ =	shalt  }
0x62: {  	_ =	shalt  }
0x63: {  	_ =	shalt  }
0x64: {  	_ =	shalt  }
0x65: {  	_ =	shalt  }
0x66: {  	_ =	shalt  }
0x67: {  	_ =	shalt  }
0x68: {  	_ =	shalt  }
0x69: {  	_ =	shalt  }
0x6a: {  	_ =	shalt  }
0x6b: {  	_ =	shalt  }
0x6c: {  	_ =	shalt  }
0x6d: {  	_ =	shalt  }
0x6e: {  	_ =	shalt  }
0x6f: {  	_ =	shalt  }
0x70: {  	_ =	shalt  }
0x71: {  	_ =	shalt  }
0x72: {  	_ =	shalt  }
0x73: {  	_ =	shalt  }
0x74: {  	_ =	shalt  }
0x75: {  	_ =	shalt  }
0x76: {  	_ =	shalt  }
0x77: {  	_ =	shalt  }
0x78: {  	_ =	shalt  }
0x79: {  	_ =	shalt  }
0x7a: {  	_ =	shalt  }
0x7b: {  	_ =	shalt  }
0x7c: {  	_ =	shalt  }
0x7d: {  	_ =	shalt  }
0x7e: {  	_ =	shalt  }
0x7f: {  	_ =	shalt  }
0x80: {  	_ =	shalt  }
0x81: {  	_ =	shalt  }
0x82: {  	_ =	shalt  }
0x83: {  	_ =	shalt  }
0x84: {  	_ =	shalt  }
0x85: {  	_ =	shalt  }
0x86: {  	_ =	shalt  }
0x87: {  	_ =	shalt  }
.Lfunc_end0:
.L_simem_size_0:
called_computation.2_lowered:
.L_overlay_start_0:
0x88: {  	s2 =	sld [smem:$0x3FD9]  }
0x89: {  	s3 =	sld [smem:$0x3FFE];
	_ =	sdelay $0x1  }
0x8a: {  	s1 =	srdreg.scid  }
0x8b: {  	s0 =	sand.u32 $0x1, s1  }
0x8c: {  	s16 =	sshll.u32 s0, $0xA;
	s2 =	sadd.s32 s3, s2  }
0x8d: {  	s2 =	sadd.s32 s2, s16  }
0x8e: {  	[smem:$0x3FB3] =	sst s2  }
0x8f: {  	_ = 	snop  }
0x90: {  	(tm) =	ssettm $0x1  }
0x91: {  	s17 =	sld [smem:$0x3FFB];
	_ =	sdelay $0x3  }
0x92: {  	_ =	strace s17  }
0x93: {  	s2 =	sld [smem:$0x3FFC];
	_ =	sdelay $0x3  }
0x94: {  	_ =	strace s2  }
0x95: {  	s2 =	sld [smem:$0x3FFD];
	_ =	sdelay $0x3  }
0x96: {  	_ =	strace s2  }
0x97: {  	_ =	strace $0x8FFFFFFF  }
0x98: {  	s18 =	sld [smem:$0x3FDB];
	_ =	sdelay $0x1  }
0x99: {  	s19 =	simm.s32 $_scs_section_size  }
0x9a: {  	s4 =	simm.s32 $_size__tile_overlayer_lowered;
	s5 =	simm.s32 $_tile_overlayer_lowered  }
0x9b: {  	s22 =	simm.s32 $0x1BFF;
	s21 =	sshll.u32 s5, $0x1;
	s2 =	sadd.s32 s19, s18  }
0x9c: {  	s6 =	simm.s32 $0x0;
	s20 =	sshll.u32 s4, $0x1;
	s4 =	sadd.s32 s21, s2  }
0x9d: {  	[timem:s6], [sflag:s22] =	dma.local [hbm:s4], s20  }
0x9e: {  	_ =	swait.ge [sflag:s22], s20  }
0x9f: {  	s3 =	ssub.s32 $0x0, s20;
	[sflag:s22] =	ssyncset.done $0x0  }
0xa0: {  	[sflag:s22] =	ssyncadd.s32 s3;
	_ =	sdelay $0x1  }
0xa1: {  	s23 =	simm.s32 $0x1B8B  }
0xa2: {  	_ =	swait.ge [sflag:s23], $0x1  }
0xa3: {  	[sflag:s23] =	ssyncset.done $0x0  }
0xa4: {  	s25 =	simm.s32 $0x1B8E;
	s24 =	sld [smem:$0x3FFE];
	[sflag:s23] =	ssyncadd.s32 $0xFFFFFFFF  }
0xa5: {  	s26 =	simm.s32 $execute0_lowered;
	[smem:$0x3FD2] =	sst s25  }
0xa6: {  	s4 =	sshll.u32 s26, $0x1;
	_ =	strace $0x8000004C;
	[dreg:$0x1] =	wrdreg $0xFFFFFFFF  }
0xa7: {  	s28 =	simm.s32 $_size_execute0_lowered;
	s2 =	sadd.s32 s2, s4;
	[dreg:$0x0] =	wrdreg $0x0  }
0xa8: {  	s4 =	sshll.u32 s28, $0x1;
	[dreg:$0x2] =	wrdreg s2  }
0xa9: {  	[dreg:$0x3] =	wrdreg s4  }
0xaa: {  	[dreg:$0x4] =	wrdreg $0xC0  }
0xab: {  	_ =	task [dreg:s6], $0x5FFFF  }
0xac: {  	[dreg:$0x1] =	wrdreg $0xFFFFFFFF  }
0xad: {  	[dreg:$0x0] =	wrdreg $0x60  }
0xae: {  	[dreg:$0x2] =	wrdreg s24  }
0xaf: {  	[dreg:$0x3] =	wrdreg $0xCD000  }
0xb0: {  	[dreg:$0x4] =	wrdreg $0x9  }
0xb1: {  	_ =	task.clear_ibuf [dreg:s6], $0x5FFFF;
	_ =	strace $0x9000004C  }
0xb2: {  	s29 =	simm.s32 $0x9;
	_ =	strace $0x8000004E  }
0xb3: {  	_ =	swait.ge [sflag:s29], $0x1  }
0xb4: {  	[sflag:s29] =	ssyncadd.s32 $0xFFFFFFFF  }
0xb5: {  	_ =	strace $0x9000004E  }
0xb6: {  	_ =	sfence  }
0xb7: {  	s30 =	sld [smem:$0x0];
	_ =	sdelay $0x2  }
0xb8: {  	s31 =	sshll.u32 s1, $0xD;
	s1 =	sshrl.u32 s1, $0x2  }
0xb9: {  	s3 =	sand.u32 $0x4000, s31;
	s1 =	sadd.s32 s1, s30  }
0xba: {  	s0 =	sor.u32 s3, s0;
	s1 =	sshll.u32 s1, $0x11  }
0xbb: {  	s0 =	sor.u32 s1, s0  }
0xbc: {  	s0 =	sadd.s32 $0x8F2B, s0  }
0xbd: {  	[sflag:s0] =	ssyncadd.remote.s32 $0x1  }
0xbe: {  	_ =	sfence.sel $0xFFFF  }
0xbf: {  	[dreg:$0x0] =	wrdreg $0xFFFFFFFF;
	(pc) =	sbr.abs _section_cstart, $3  }
0xc0: {  	[dreg:$0x1] =	wrdreg $0xFFFFFFFF  }
0xc1: {  	_ =	task.clear_ibuf [dreg:s6], $0x2FFFF;
	_ =	strace $0x9FFFFFFF  }
0xc2: {  	(tm) =	ssettm $0x7FFFFFFF  }
0xc3: {  	_ =	shalt  }
tec
execute0_lowered:
.L_overlay_start_1:
0x0: {  	(tag) =	ssettag $0x1  }
0x1: {  	s6 =	rddreg [dreg:$0x0]  }
0x2: {  	s1 =	srdreg.scid;
	s0 =	stileid.u32  }
0x3: {  	s2 =	rddreg [dreg:$0x1];
	s3 =	simm.s32 $0x0;
	s16 =	simm.s32 $0xFA  }
0x4: {  	s17 =	simm.s32 $0x5000;
	s18 =	simm.s32 $0x100;
	s19 =	simm.s32 $0x8E80  }
0x5: {  	s20 =	simm.s32 $0x1;
	s21 =	simm.s32 $0x2;
	s22 =	simm.s32 $0x3  }
0x6: {  	s23 =	simm.s32 $0x4;
	s24 =	simm.s32 $0x4E00;
	s28 =	simm.s32 $0x0  }
0x7: {  	s7 =	sand.u32 $0x1, s1;
	s4 =	sshll.u32 s0, $0x1;
	s1 =	rddreg [dreg:$0x2]  }
0x8: {  	[smem:$0x7FF] =	sst s3;
	s9 =	smul.u32 $0x27000, s0;
	s5 =	sadd.s32 $0x2B400, s6  }
0x9: {  	s12 =	smul.u32 $0x9C00, s0;
	s13 =	sadd.s32 $0x2C800, s6;
	s15 =	sadd.s32 $0x92400, s2  }
0xa: {  	p0 =	seq.s32 s0, $0xF;
	s4 =	sor.u32 s7, s4;
	s11 =	smul.u32 $0x9C400, s7  }
0xb: {  	_ =	strace $0x8000004D;
	s10 =	ssub.s32 $0x2, s7;
	s4 =	smul.u32 $0x500, s4  }
0xc: {  	s26 =	sshrl.u32 s10, $0x1;
	s9 =	sshrl.u32 s9, $0x2;
	s25 =	sadd.s32 s12, s2  }
0xd: {  	s10 =	ssub.s32 s10, s26;
	s14 =	sadd.s32 s9, s2;
	s29 =	sadd.s32 s12, s11  }
0xe: {  	s31 =	sshrl.u32 s11, $0x3;
	s12 =	sshll.u32 @!p0 s0, $0x6;
	s11 =	sshrl.u32 @p0 s15, $0x3  }
0xf: {  	s15 =	simm.s32 $0x5;
	s25 =	sshrl.u32 @!p0 s25, $0x3;
	s26 =	simm.s32 $0x4F00  }
0x10: {  	s8 =	sadd.s32 s4, s6;
	s4 =	sadd.s32 $0x17A00, s6;
	s30 =	sshrl.u32 s29, $0x3  }
0x11: {  	s9 =	sadd.s32 s13, s31;
	s10 =	smax.u32 s10, $0x1;
	s12 =	sor.u32 @!p0 $0x1C06, s12  }
0x12: {  	s6 =	sadd.s32 $0xDA00, s8;
	s7 =	sadd.s32 $0x3A00, s8;
	s8 =	sadd.s32 s13, s30  }
0x13: {  	s9 =	sadd.s32 $0x12480, s9;
	s13 =	sshrl.u32 @!p0 s14, $0x3;
	s14 =	simm.s32 $0x2800  }
.LBB2_1:
0x14: {  	s29 =	simm.s32 @p0 $0x1FC6  }
0x15: {  	[spmem:s11], [sflag:s29] =	dma.local @p0 [hbm:s5], $0x1400  }
0x16: {  	s29 =	simm.s32 @p0 $0x6  }
0x17: {  	_ =	swait.ge @p0 [sflag:s29], $0x1400  }
0x18: {  	[sflag:s29] =	ssyncset.done @p0 $0x0  }
0x19: {  	[sflag:s29] =	ssyncadd.s32 @p0 $0xFFFFEC00;
	s29 =	simm.s32 @!p0 $0x6  }
0x1a: {  	[spmem:s13], [sflag:s12] =	dma.local @!p0 [hbm:s5], $0x1380  }
0x1b: {  	_ =	swait.ge @!p0 [sflag:s29], $0x1380  }
0x1c: {  	[sflag:s29] =	ssyncset.done @!p0 $0x0  }
0x1d: {  	[sflag:s29] =	ssyncadd.s32 @!p0 $0xFFFFEC80  }
0x1e: {  	[tilespmem:s3], [sflag:$0x5] =	stream.linear.gather [hbm4b:s6+s3], $0x2800, $0x38;
	[tilespmem:$0x16940] =	vst v63  }
0x1f: {  	_ = 	snop  }
0x20: {  	[tilespmem:s14], [sflag:$0x5] =	stream.linear.gather [hbm4b:s7+s3], $0x2800, $0x38;
	[tilespmem:$0x16940] =	vst v63  }
0x21: {  	_ =	swait.ge [sflag:s15], $0x2800  }
0x22: {  	[sflag:s15] =	ssyncset.done $0x0  }
0x23: {  	[sflag:s15] =	ssyncadd.s32 $0xFFFFD800  }
0x24: {  	_ =	swait.ge [sflag:s15], $0x2800  }
0x25: {  	[sflag:s15] =	ssyncset.done $0x0  }
0x26: {  	[sflag:s15] =	ssyncadd.s32 $0xFFFFD800  }
0x27: {  	[bflag:$0x0] =	sbarrier.arrive $0xFFFF  }
0x28: {  	[tilespmem:s17], [sflag:$0x1] =	stream.indirect.gather [hbm4b:s4+s16], $0x40, s3, s16, $0xb8;
	[tilespmem:$0x16940] =	vst v63  }
0x29: {  	_ = 	snop  }
0x2a: {  	[tilespmem:s19], [sflag:$0x2] =	stream.indirect.gather [hbm4b:s4+s16], $0x40, s18, s16, $0xb8;
	[tilespmem:$0x16940] =	vst v63  }
0x2b: {  	_ =	swait.ge [sflag:s20], $0x3E80  }
0x2c: {  	[sflag:s20] =	ssyncset.done $0x0  }
0x2d: {  	s29 =	simm.s32 $0x2800;
	[sflag:s20] =	ssyncadd.s32 $0xFFFFC180  }
0x2e: {  	[spmem:s2] =	stream.indirect.scatter.add.f32 [tilespmem:s17], [sflag:$0x3], $0x40, s29, s16, $0xb8;
	[tilespmem:$0x16940] =	vst v63  }
0x2f: {  	_ =	swait.ge [sflag:s21], $0x3E80  }
0x30: {  	[sflag:s21] =	ssyncset.done $0x0  }
0x31: {  	s29 =	simm.s32 $0x2900;
	[sflag:s21] =	ssyncadd.s32 $0xFFFFC180  }
0x32: {  	[spmem:s2] =	stream.indirect.scatter.add.f32 [tilespmem:s19], [sflag:$0x4], $0x40, s29, s16, $0xb8;
	[tilespmem:$0x16940] =	vst v63  }
0x33: {  	_ =	swait.ge [sflag:s22], $0x3E80  }
0x34: {  	[sflag:s22] =	ssyncset.done $0x0  }
0x35: {  	s29 =	simm.s32 $0x200;
	[sflag:s22] =	ssyncadd.s32 $0xFFFFC180  }
0x36: {  	[tilespmem:s17], [sflag:$0x1] =	stream.indirect.gather [hbm4b:s4+s16], $0x40, s29, s16, $0xb8;
	[tilespmem:$0x16940] =	vst v63  }
0x37: {  	_ =	swait.ge [sflag:s23], $0x3E80  }
0x38: {  	[sflag:s23] =	ssyncset.done $0x0  }
0x39: {  	s30 =	simm.s32 $0x300;
	s29 =	simm.s32 $0x800;
	[sflag:s23] =	ssyncadd.s32 $0xFFFFC180  }
.LBB2_2:
0x3a: {  	[tilespmem:s19], [sflag:$0x2] =	stream.indirect.gather [hbm4b:s4+s16], $0x40, s30, s16, $0xb8;
	[tilespmem:$0x16940] =	vst v63  }
0x3b: {  	s30 =	smov.u32 s29  }
0x3c: {  	p1 =	sne.s32 s29, $0x9000;
	s29 =	sadd.s32 $0x800, s29;
	_ =	swait.ge [sflag:s20], $0x3E80  }
0x3d: {  	s30 =	sshra.s32 s30, $0x2;
	[sflag:s20] =	ssyncset.done $0x0  }
0x3e: {  	s31 =	sadd.s32 $0x2800, s30;
	[sflag:s20] =	ssyncadd.s32 $0xFFFFC180  }
0x3f: {  	[spmem:s2] =	stream.indirect.scatter.add.f32 [tilespmem:s17], [sflag:$0x3], $0x40, s31, s16, $0xb8;
	[tilespmem:$0x16940] =	vst v63  }
0x40: {  	_ =	swait.ge [sflag:s21], $0x3E80  }
0x41: {  	[sflag:s21] =	ssyncset.done $0x0  }
0x42: {  	s31 =	sadd.s32 $0x2900, s30;
	[sflag:s21] =	ssyncadd.s32 $0xFFFFC180  }
0x43: {  	[spmem:s2] =	stream.indirect.scatter.add.f32 [tilespmem:s19], [sflag:$0x4], $0x40, s31, s16, $0xb8;
	[tilespmem:$0x16940] =	vst v63  }
0x44: {  	_ =	swait.ge [sflag:s22], $0x3E80  }
0x45: {  	[sflag:s22] =	ssyncset.done $0x0  }
.Ltmp0:
0x46: {  	s31 =	sadd.s32 $0x200, s30;
	[sflag:s22] =	ssyncadd.s32 $0xFFFFC180;
	(pc) =	sbr.rel @p1 .LBB2_2-.Ltmp0, $4  }
0x47: {  	[tilespmem:s17], [sflag:$0x1] =	stream.indirect.gather [hbm4b:s4+s16], $0x40, s31, s16, $0xb8;
	[tilespmem:$0x16940] =	vst v63  }
0x48: {  	_ =	swait.ge [sflag:s23], $0x3E80  }
0x49: {  	[sflag:s23] =	ssyncset.done $0x0  }
0x4a: {  	s30 =	sadd.s32 $0x300, s30;
	[sflag:s23] =	ssyncadd.s32 $0xFFFFC180  }
0x4b: {  	[tilespmem:s19], [sflag:$0x2] =	stream.indirect.gather [hbm4b:s4+s16], $0x40, s30, s16, $0xb8;
	[tilespmem:$0x16940] =	vst v63  }
0x4c: {  	_ =	swait.ge [sflag:s20], $0x3E80  }
0x4d: {  	[sflag:s20] =	ssyncset.done $0x0  }
0x4e: {  	[sflag:s20] =	ssyncadd.s32 $0xFFFFC180  }
0x4f: {  	[spmem:s2] =	stream.indirect.scatter.add.f32 [tilespmem:s17], [sflag:$0x3], $0x40, s24, s16, $0xb8;
	[tilespmem:$0x16940] =	vst v63  }
0x50: {  	_ =	swait.ge [sflag:s21], $0x3E80  }
0x51: {  	[sflag:s21] =	ssyncset.done $0x0  }
0x52: {  	[sflag:s21] =	ssyncadd.s32 $0xFFFFC180  }
0x53: {  	[spmem:s2] =	stream.indirect.scatter.add.f32 [tilespmem:s19], [sflag:$0x4], $0x40, s26, s16, $0xb8;
	[tilespmem:$0x16940] =	vst v63  }
0x54: {  	_ =	swait.ge [sflag:s22], $0x3E80  }
0x55: {  	[sflag:s22] =	ssyncset.done $0x0  }
0x56: {  	[sflag:s22] =	ssyncadd.s32 $0xFFFFC180  }
0x57: {  	_ =	swait.ge [sflag:s23], $0x3E80  }
0x58: {  	[sflag:s23] =	ssyncset.done $0x0  }
0x59: {  	[sflag:s23] =	ssyncadd.s32 $0xFFFFC180  }
0x5a: {  	s29 =	simm.s32 @p0 $0x1FC6;
	[bflag:$0x0] =	sbarrier.arrive $0xFFFF  }
0x5b: {  	[hbm:s9], [sflag:s29] =	dma.local @p0 [spmem:s11], $0x1400  }
0x5c: {  	s29 =	simm.s32 @p0 $0x6  }
0x5d: {  	s28 =	sadd.s32 $0x1, s28;
	_ =	swait.ge @p0 [sflag:s29], $0x1400  }
0x5e: {  	p1 =	sne.s32 s28, s10;
	[sflag:s29] =	ssyncset.done @p0 $0x0  }
.Ltmp1:
0x5f: {  	[sflag:s29] =	ssyncadd.s32 @p0 $0xFFFFEC00;
	s29 =	simm.s32 @!p0 $0x6;
	(pc) =	sbr.rel @p1 .LBB2_1-.Ltmp1, $4  }
0x60: {  	[hbm:s8], [sflag:s12] =	dma.local @!p0 [spmem:s25], $0x1380  }
0x61: {  	_ =	swait.ge @!p0 [sflag:s29], $0x1380  }
0x62: {  	[sflag:s29] =	ssyncset.done @!p0 $0x0  }
0x63: {  	[sflag:s29] =	ssyncadd.s32 @!p0 $0xFFFFEC80  }
0x64: {  	_ =	sfence.sel $0x180000  }
0x65: {  	[bflag:$0x0] =	sbarrier.arrive $0xFFFF  }
0x66: {  	p0 =	sne.s32 s0, $0x0;
	_ =	strace $0x9000004D  }
0x67: {  	s0 =	sadd.s32 @!p0 $0x100000, s1;
	[bflag:$0x2] =	sbarrier.arrive $0xFFFF  }
0x68: {  	[sflag:s0] =	ssyncadd.tile.s32 @!p0 $0x1;
	_ =	shalt  }
.Lfunc_end2:
_tile_overlayer_lowered:
.L_overlay_start_2:
0x69: {  	(tag) =	ssettag $0x2  }
0x6a: {  	s0 =	rddreg [dreg:$0x0];
	s2 =	stileid.u32  }
0x6b: {  	s1 =	rddreg [dreg:$0x1];
	p0 =	sne.s32 s2, $0x0  }
0x6c: {  	s3 =	rddreg [dreg:$0x2];
	[bflag:$0x3] =	sbarrier.arrive $0xFFFF;
	s2 =	simm.s32 @!p0 $0x1C06  }
0x6d: {  	[timem:s3], [sflag:s2] =	dma.local @!p0 [hbm:s0], s1  }
0x6e: {  	s0 =	simm.s32 @!p0 $0x6  }
0x6f: {  	_ =	swait.ge @!p0 [sflag:s0], s1  }
0x70: {  	s1 =	ssub.s32 @!p0 $0x0, s1;
	[sflag:s0] =	ssyncset.done @!p0 $0x0  }
0x71: {  	[sflag:s0] =	ssyncadd.s32 @!p0 s1  }
0x72: {  	[bflag:$0x3] =	sbarrier.arrive $0xFFFF  }
0x73: {  	_ =	shalt  }

// kernel: kernel.17.cloned.1.call-start
scs
__scs_entry_jumppad:
0x0: {  	(pc) =	sbr.rel $0x88, $3  }
0x1: {  	(tag) =	ssettag $0x0;
	lr =	simm.s32 $0x1  }
0x2: {  	[smem:$0x3F8C] =	sst lr;
	_ =	strace $0xD0000000  }
0x3: {  	_ = 	snop  }
0x4: {  	_ = 	snop  }
0x5: {  	_ = 	snop  }
0x6: {  	_ = 	snop  }
0x7: {  	_ = 	snop  }
__scs_overlays_trampoline_lowered:
0x8: {  	[smem:$0x3F9B] =	sst s0  }
0x9: {  	[smem:$0x3F9C] =	sst s1  }
0xa: {  	[smem:$0x3F9D] =	sst s2  }
0xb: {  	[smem:$0x3F9E] =	sst s3  }
0xc: {  	[smem:$0x3F9F] =	sst s4  }
0xd: {  	[smem:$0x3FA0] =	sst s5  }
0xe: {  	[smem:$0x3FA1] =	sst s6  }
0xf: {  	[smem:$0x3FA2] =	sst s7  }
0x10: {  	[smem:$0x3FA3] =	sst s8  }
0x11: {  	[smem:$0x3FA4] =	sst s9;
	s0 =	simm.s32 @!p0 $0x0  }
0x12: {  	s1 =	sld [smem:$0x3F8A];
	s0 =	simm.s32 @p0 $0x1  }
0x13: {  	[smem:$0x3FA5] =	sst s0;
	s0 =	simm.s32 @!p1 $0x0  }
0x14: {  	s2 =	sld [smem:$0x3F89];
	s0 =	simm.s32 @p1 $0x1  }
0x15: {  	[smem:$0x3FA6] =	sst s0;
	s0 =	simm.s32 @!p2 $0x0  }
0x16: {  	s3 =	sld [smem:$0x3FDB];
	s0 =	simm.s32 @p2 $0x1  }
0x17: {  	s4 =	simm.s32 $0x1BF5;
	[smem:$0x3FA8] =	sst s0  }
0x18: {  	s0 =	sld [smem:$0x3F8B];
	_ =	swait.ge [sflag:s4], $0x0  }
0x19: {  	s7 =	sld [smem:$0x3F8C]  }
0x1a: {  	s8 =	sadd.s32 $0xFFFFE003, lr  }
0x1b: {  	s9 =	sadd.s32 $0xFFFFFEF7, lr;
	s5 =	simm.s32 $0xFFFFFFFF;
	p2 =	slt.u32 s8, $0xFFFFF086  }
0x1c: {  	p1 =	slt.u32 s9, $0xF7A;
	s5 =	simm.s32 @!p2 $0x0  }
0x1d: {  	s5 =	simm.s32 @p1 $0x1;
	p0 =	seq.s32 s7, s2  }
0x1e: {  	s7 =	smul.u32 @!p0 $0xF7A, s2;
	p2 =	seq.s32 @!p0 s5, $0x0  }
0x1f: {  	s9 =	smul.u32 $0xF7A, s1;
	s8 =	simm.s32 @!p0 $0x1BF5;
	p2 =	por !p2, p0  }
0x20: {  	[sflag:s8] =	ssyncset.s32 @!p0 $0xFFFFF086;
	s6 =	sadd.s32 @!p0 s3, s7;
	s7 =	simm.s32 @!p0 $0x108  }
0x21: {  	s3 =	sadd.s32 s3, s9;
	s6 =	sadd.s32 @!p0 $0x88, s6;
	s7 =	simm.s32 @p2 $0x1082  }
0x22: {  	[simem:s7], [sflag:s8] =	dma.local @!p0 [hbm:s6], $0xF7A  }
0x23: {  	s9 =	sor.u32 $0xD0000000, s2;
	s6 =	simm.s32 $0x108;
	_ =	swait.ge @!p0 [sflag:s8], $0x0  }
0x24: {  	s3 =	sadd.s32 $0x88, s3;
	s6 =	simm.s32 @!p1 $0x1082;
	[sflag:s4] =	ssyncset.s32 $0xFFFFF086  }
0x25: {  	[simem:s6], [sflag:s4] =	dma.local [hbm:s3], $0xF7A  }
0x26: {  	[smem:$0x3F8C] =	sst s1;
	(tag) =	ssettag s2;
	_ =	strace s9  }
0x27: {  	s1 =	sld [smem:$0x3F9C]  }
0x28: {  	s2 =	sld [smem:$0x3F9D]  }
0x29: {  	s4 =	sld [smem:$0x3F9F]  }
0x2a: {  	p0 =	seq.s32 s5, $0x0;
	s5 =	sld [smem:$0x3FA0]  }
0x2b: {  	s6 =	sld [smem:$0x3FA1]  }
0x2c: {  	s7 =	sld [smem:$0x3FA2]  }
0x2d: {  	s3 =	simm.s32 $0x108;
	s8 =	sld [smem:$0x3FA3]  }
0x2e: {  	s3 =	simm.s32 @!p0 $0x1082;
	s9 =	sld [smem:$0x3FA4]  }
0x2f: {  	lr =	sadd.s32 s0, s3;
	s0 =	sld [smem:$0x3F9B]  }
0x30: {  	s3 =	sld [smem:$0x3F9E]  }
0x31: {  	[smem:$0x3FA7] =	sst s10  }
0x32: {  	s10 =	sld [smem:$0x3FA5];
	_ =	sdelay $0x3  }
0x33: {  	p0 =	seq.s32 s10, $0x1;
	s10 =	sld [smem:$0x3FA7];
	_ =	sdelay $0x3  }
0x34: {  	[smem:$0x3FA7] =	sst s10  }
0x35: {  	s10 =	sld [smem:$0x3FA6];
	_ =	sdelay $0x3  }
0x36: {  	p1 =	seq.s32 s10, $0x1;
	s10 =	sld [smem:$0x3FA7];
	_ =	sdelay $0x3  }
0x37: {  	[smem:$0x3FA7] =	sst s10  }
0x38: {  	s10 =	sld [smem:$0x3FA8]  }
0x39: {  	_ = 	snop;
	(pc) =	sbr.ind lr, $3  }
0x3a: {  	_ = 	snop  }
0x3b: {  	_ = 	snop  }
0x3c: {  	p2 =	seq.s32 s10, $0x1;
	s10 =	sld [smem:$0x3FA7]  }
0x3d: {  	_ =	shalt  }
0x3e: {  	_ =	shalt  }
0x3f: {  	_ =	shalt  }
0x40: {  	_ =	shalt  }
0x41: {  	_ =	shalt  }
0x42: {  	_ =	shalt  }
0x43: {  	_ =	shalt  }
0x44: {  	_ =	shalt  }
0x45: {  	_ =	shalt  }
0x46: {  	_ =	shalt  }
0x47: {  	_ =	shalt  }
0x48: {  	_ =	shalt  }
0x49: {  	_ =	shalt  }
0x4a: {  	_ =	shalt  }
0x4b: {  	_ =	shalt  }
0x4c: {  	_ =	shalt  }
0x4d: {  	_ =	shalt  }
0x4e: {  	_ =	shalt  }
0x4f: {  	_ =	shalt  }
0x50: {  	_ =	shalt  }
0x51: {  	_ =	shalt  }
0x52: {  	_ =	shalt  }
0x53: {  	_ =	shalt  }
0x54: {  	_ =	shalt  }
0x55: {  	_ =	shalt  }
0x56: {  	_ =	shalt  }
0x57: {  	_ =	shalt  }
0x58: {  	_ =	shalt  }
0x59: {  	_ =	shalt  }
0x5a: {  	_ =	shalt  }
0x5b: {  	_ =	shalt  }
0x5c: {  	_ =	shalt  }
0x5d: {  	_ =	shalt  }
0x5e: {  	_ =	shalt  }
0x5f: {  	_ =	shalt  }
0x60: {  	_ =	shalt  }
0x61: {  	_ =	shalt  }
0x62: {  	_ =	shalt  }
0x63: {  	_ =	shalt  }
0x64: {  	_ =	shalt  }
0x65: {  	_ =	shalt  }
0x66: {  	_ =	shalt  }
0x67: {  	_ =	shalt  }
0x68: {  	_ =	shalt  }
0x69: {  	_ =	shalt  }
0x6a: {  	_ =	shalt  }
0x6b: {  	_ =	shalt  }
0x6c: {  	_ =	shalt  }
0x6d: {  	_ =	shalt  }
0x6e: {  	_ =	shalt  }
0x6f: {  	_ =	shalt  }
0x70: {  	_ =	shalt  }
0x71: {  	_ =	shalt  }
0x72: {  	_ =	shalt  }
0x73: {  	_ =	shalt  }
0x74: {  	_ =	shalt  }
0x75: {  	_ =	shalt  }
0x76: {  	_ =	shalt  }
0x77: {  	_ =	shalt  }
0x78: {  	_ =	shalt  }
0x79: {  	_ =	shalt  }
0x7a: {  	_ =	shalt  }
0x7b: {  	_ =	shalt  }
0x7c: {  	_ =	shalt  }
0x7d: {  	_ =	shalt  }
0x7e: {  	_ =	shalt  }
0x7f: {  	_ =	shalt  }
0x80: {  	_ =	shalt  }
0x81: {  	_ =	shalt  }
0x82: {  	_ =	shalt  }
0x83: {  	_ =	shalt  }
0x84: {  	_ =	shalt  }
0x85: {  	_ =	shalt  }
0x86: {  	_ =	shalt  }
0x87: {  	_ =	shalt  }
.Lfunc_end0:
.L_simem_size_0:
called_computation.3_lowered:
.L_overlay_start_0:
0x88: {  	s2 =	sld [smem:$0x3FD9]  }
0x89: {  	s3 =	sld [smem:$0x3FFE];
	_ =	sdelay $0x1  }
0x8a: {  	s1 =	srdreg.scid  }
0x8b: {  	s0 =	sand.u32 $0x1, s1  }
0x8c: {  	s17 =	sshll.u32 s0, $0xA;
	s2 =	sadd.s32 s3, s2  }
0x8d: {  	s2 =	sadd.s32 s2, s17  }
0x8e: {  	[smem:$0x3FB3] =	sst s2  }
0x8f: {  	_ = 	snop  }
0x90: {  	(tm) =	ssettm $0x1  }
0x91: {  	s18 =	sld [smem:$0x3FFB];
	_ =	sdelay $0x3  }
0x92: {  	_ =	strace s18  }
0x93: {  	s2 =	sld [smem:$0x3FFC];
	_ =	sdelay $0x3  }
0x94: {  	_ =	strace s2  }
0x95: {  	s2 =	sld [smem:$0x3FFD];
	_ =	sdelay $0x3  }
0x96: {  	_ =	strace s2  }
0x97: {  	_ =	strace $0x8FFFFFFF  }
0x98: {  	s19 =	sld [smem:$0x3FDB];
	_ =	sdelay $0x1  }
0x99: {  	s20 =	simm.s32 $_scs_section_size  }
0x9a: {  	s4 =	simm.s32 $_size__tile_overlayer_lowered;
	s5 =	simm.s32 $_tile_overlayer_lowered  }
0x9b: {  	s6 =	simm.s32 $0x1BFF;
	s21 =	sshll.u32 s5, $0x1;
	s3 =	sadd.s32 s20, s19  }
0x9c: {  	s22 =	simm.s32 $0x0;
	s4 =	sshll.u32 s4, $0x1;
	s5 =	sadd.s32 s21, s3  }
0x9d: {  	[timem:s22], [sflag:s6] =	dma.local [hbm:s5], s4  }
0x9e: {  	_ =	swait.ge [sflag:s6], s4  }
0x9f: {  	s4 =	ssub.s32 $0x0, s4;
	[sflag:s6] =	ssyncset.done $0x0  }
0xa0: {  	[sflag:s6] =	ssyncadd.s32 s4;
	_ =	sdelay $0x1  }
0xa1: {  	s23 =	simm.s32 $0x1B8B  }
0xa2: {  	_ =	swait.ge [sflag:s23], $0x1  }
0xa3: {  	[sflag:s23] =	ssyncset.done $0x0  }
0xa4: {  	[sflag:s23] =	ssyncadd.s32 $0xFFFFFFFF  }
0xa5: {  	s4 =	sld [smem:$0x0]  }
0xa6: {  	s5 =	sand.u32 $0xFFFFFFFE, s1  }
0xa7: {  	p0 =	sne.s32 s1, s5  }
0xa8: {  	s5 =	sshll.u32 @p0 s5, $0xE  }
0xa9: {  	s5 =	sadd.s32 @p0 $0x11B8D, s5;
	s6 =	sshll.u32 @p0 s4, $0x11  }
0xaa: {  	s5 =	sor.u32 @p0 s6, s5  }
0xab: {  	[sflag:s5] =	ssyncadd.remote.s32 @p0 $0x1;
	_ =	sdelay $0x1  }
0xac: {  	s5 =	simm.s32 @p0 $0x1B8D  }
0xad: {  	_ =	swait.eq @p0 [sflag:s5], $0x1  }
0xae: {  	[sflag:s5] =	ssyncadd.s32 @p0 $0xFFFFFFFF  }
0xaf: {  	s6 =	sshll.u32 @!p0 s1, $0xE  }
0xb0: {  	s6 =	sor.u32 @!p0 $0x4000, s6;
	s5 =	simm.s32 @!p0 $0x1B8D  }
0xb1: {  	s4 =	sshll.u32 @!p0 s4, $0x11;
	s6 =	sadd.s32 @!p0 $0x11B8D, s6;
	_ =	swait.eq @!p0 [sflag:s5], $0x1  }
0xb2: {  	s4 =	sor.u32 @!p0 s4, s6;
	[sflag:s5] =	ssyncadd.s32 @!p0 $0xFFFFFFFF  }
0xb3: {  	s25 =	simm.s32 $0x1B8E;
	s24 =	sld [smem:$0x3FFE];
	[sflag:s4] =	ssyncadd.remote.s32 @!p0 $0x1  }
0xb4: {  	s26 =	simm.s32 $execute0_lowered;
	[smem:$0x3FD2] =	sst s25  }
0xb5: {  	s5 =	sshll.u32 s26, $0x1;
	_ =	strace $0x8000004F;
	[dreg:$0x1] =	wrdreg $0xFFFFFFFF  }
0xb6: {  	s28 =	simm.s32 $_size_execute0_lowered;
	s3 =	sadd.s32 s3, s5;
	[dreg:$0x0] =	wrdreg $0x0  }
0xb7: {  	s5 =	sshll.u32 s28, $0x1;
	[dreg:$0x2] =	wrdreg s3  }
0xb8: {  	[dreg:$0x3] =	wrdreg s5  }
0xb9: {  	[dreg:$0x4] =	wrdreg $0xC0  }
0xba: {  	_ =	task [dreg:s22], $0x5FFFF  }
0xbb: {  	[dreg:$0x1] =	wrdreg $0xFFFFFFFF  }
0xbc: {  	[dreg:$0x0] =	wrdreg $0x60  }
0xbd: {  	[dreg:$0x2] =	wrdreg s24  }
0xbe: {  	[dreg:$0x3] =	wrdreg $0xEC400  }
0xbf: {  	[dreg:$0x4] =	wrdreg $0xA  }
0xc0: {  	_ =	task.clear_ibuf [dreg:s22], $0x5FFFF;
	_ =	strace $0x9000004F  }
0xc1: {  	s29 =	simm.s32 $0xA;
	_ =	strace $0x80000051  }
0xc2: {  	_ =	swait.ge [sflag:s29], $0x1  }
0xc3: {  	[sflag:s29] =	ssyncadd.s32 $0xFFFFFFFF  }
0xc4: {  	_ =	strace $0x90000051  }
0xc5: {  	_ =	sfence  }
0xc6: {  	s30 =	sld [smem:$0x0];
	_ =	sdelay $0x2  }
0xc7: {  	s31 =	sshll.u32 s1, $0xD;
	s1 =	sshrl.u32 s1, $0x2  }
0xc8: {  	s4 =	sand.u32 $0x4000, s31;
	s1 =	sadd.s32 s1, s30  }
0xc9: {  	s0 =	sor.u32 s4, s0;
	s1 =	sshll.u32 s1, $0x11  }
0xca: {  	s0 =	sor.u32 s1, s0  }
0xcb: {  	s0 =	sadd.s32 $0x8F2B, s0  }
0xcc: {  	[sflag:s0] =	ssyncadd.remote.s32 $0x1  }
0xcd: {  	_ =	sfence.sel $0xFFFF  }
0xce: {  	[dreg:$0x0] =	wrdreg $0xFFFFFFFF;
	(pc) =	sbr.abs _section_cstart, $3  }
0xcf: {  	[dreg:$0x1] =	wrdreg $0xFFFFFFFF  }
0xd0: {  	_ =	task.clear_ibuf [dreg:s22], $0x2FFFF;
	_ =	strace $0x9FFFFFFF  }
0xd1: {  	(tm) =	ssettm $0x7FFFFFFF  }
tec
execute0_lowered:
.L_overlay_start_1:
0x0: {  	(tag) =	ssettag $0x1  }
0x1: {  	s6 =	rddreg [dreg:$0x0]  }
0x2: {  	s1 =	srdreg.scid;
	s0 =	stileid.u32  }
0x3: {  	s2 =	rddreg [dreg:$0x1];
	s3 =	simm.s32 $0x0;
	s16 =	simm.s32 $0xFA  }
0x4: {  	s17 =	simm.s32 $0x5000;
	s18 =	simm.s32 $0x100;
	s19 =	simm.s32 $0x9E20  }
0x5: {  	s20 =	simm.s32 $0x1;
	s21 =	simm.s32 $0x2;
	s22 =	simm.s32 $0x3  }
0x6: {  	s23 =	simm.s32 $0x4;
	s24 =	simm.s32 $0x4E00;
	s28 =	simm.s32 $0x0  }
0x7: {  	s7 =	sand.u32 $0x1, s1;
	s4 =	sshll.u32 s0, $0x1;
	s1 =	rddreg [dreg:$0x2]  }
0x8: {  	[smem:$0x7FF] =	sst s3;
	s9 =	smul.u32 $0x30C00, s0;
	s5 =	sadd.s32 $0x6C200, s6  }
0x9: {  	s12 =	smul.u32 $0xC300, s0;
	s13 =	sadd.s32 $0x6DC00, s6;
	s15 =	sadd.s32 $0xB6D00, s2  }
0xa: {  	p0 =	seq.s32 s0, $0xF;
	s4 =	sor.u32 s7, s4;
	s11 =	smul.u32 $0xC3500, s7  }
0xb: {  	_ =	strace $0x80000050;
	s10 =	ssub.s32 $0x2, s7;
	s4 =	smul.u32 $0x500, s4  }
0xc: {  	s26 =	sshrl.u32 s10, $0x1;
	s9 =	sshrl.u32 s9, $0x2;
	s25 =	sadd.s32 s12, s2  }
0xd: {  	s10 =	ssub.s32 s10, s26;
	s14 =	sadd.s32 s9, s2;
	s29 =	sadd.s32 s12, s11  }
0xe: {  	s31 =	sshrl.u32 s11, $0x3;
	s12 =	sshll.u32 @!p0 s0, $0x6;
	s11 =	sshrl.u32 @p0 s15, $0x3  }
0xf: {  	s15 =	simm.s32 $0x5;
	s25 =	sshrl.u32 @!p0 s25, $0x3;
	s26 =	simm.s32 $0x4F00  }
0x10: {  	s8 =	sadd.s32 s4, s6;
	s4 =	sadd.s32 $0x53A00, s6;
	s30 =	sshrl.u32 s29, $0x3  }
0x11: {  	s9 =	sadd.s32 s13, s31;
	s10 =	smax.u32 s10, $0x1;
	s12 =	sor.u32 @!p0 $0x1C06, s12  }
0x12: {  	s6 =	sadd.s32 $0xDA00, s8;
	s7 =	sadd.s32 $0x3A00, s8;
	s8 =	sadd.s32 s13, s30  }
0x13: {  	s9 =	sadd.s32 $0x16DA0, s9;
	s13 =	sshrl.u32 @!p0 s14, $0x3;
	s14 =	simm.s32 $0x2800  }
.LBB2_1:
0x14: {  	s29 =	simm.s32 @p0 $0x1FC6  }
0x15: {  	[spmem:s11], [sflag:s29] =	dma.local @p0 [hbm:s5], $0x1900  }
0x16: {  	s29 =	simm.s32 @p0 $0x6  }
0x17: {  	_ =	swait.ge @p0 [sflag:s29], $0x1900  }
0x18: {  	[sflag:s29] =	ssyncset.done @p0 $0x0  }
0x19: {  	[sflag:s29] =	ssyncadd.s32 @p0 $0xFFFFE700;
	s29 =	simm.s32 @!p0 $0x6  }
0x1a: {  	[spmem:s13], [sflag:s12] =	dma.local @!p0 [hbm:s5], $0x1860  }
0x1b: {  	_ =	swait.ge @!p0 [sflag:s29], $0x1860  }
0x1c: {  	[sflag:s29] =	ssyncset.done @!p0 $0x0  }
0x1d: {  	[sflag:s29] =	ssyncadd.s32 @!p0 $0xFFFFE7A0  }
0x1e: {  	[tilespmem:s3], [sflag:$0x5] =	stream.linear.gather [hbm4b:s6+s3], $0x2800, $0x38;
	[tilespmem:$0x1AF90] =	vst v63  }
0x1f: {  	_ = 	snop  }
0x20: {  	[tilespmem:s14], [sflag:$0x5] =	stream.linear.gather [hbm4b:s7+s3], $0x2800, $0x38;
	[tilespmem:$0x1AF90] =	vst v63  }
0x21: {  	_ =	swait.ge [sflag:s15], $0x2800  }
0x22: {  	[sflag:s15] =	ssyncset.done $0x0  }
0x23: {  	[sflag:s15] =	ssyncadd.s32 $0xFFFFD800  }
0x24: {  	_ =	swait.ge [sflag:s15], $0x2800  }
0x25: {  	[sflag:s15] =	ssyncset.done $0x0  }
0x26: {  	[sflag:s15] =	ssyncadd.s32 $0xFFFFD800  }
0x27: {  	[bflag:$0x0] =	sbarrier.arrive $0xFFFF  }
0x28: {  	[tilespmem:s17], [sflag:$0x1] =	stream.indirect.gather [hbm4b:s4+s16], $0x50, s3, s16, $0xb8;
	[tilespmem:$0x1AF90] =	vst v63  }
0x29: {  	_ = 	snop  }
0x2a: {  	[tilespmem:s19], [sflag:$0x2] =	stream.indirect.gather [hbm4b:s4+s16], $0x50, s18, s16, $0xb8;
	[tilespmem:$0x1AF90] =	vst v63  }
0x2b: {  	_ =	swait.ge [sflag:s20], $0x4E20  }
0x2c: {  	[sflag:s20] =	ssyncset.done $0x0  }
0x2d: {  	s29 =	simm.s32 $0x2800;
	[sflag:s20] =	ssyncadd.s32 $0xFFFFB1E0  }
0x2e: {  	[spmem:s2] =	stream.indirect.scatter.add.f32 [tilespmem:s17], [sflag:$0x3], $0x50, s29, s16, $0xb8;
	[tilespmem:$0x1AF90] =	vst v63  }
0x2f: {  	_ =	swait.ge [sflag:s21], $0x4E20  }
0x30: {  	[sflag:s21] =	ssyncset.done $0x0  }
0x31: {  	s29 =	simm.s32 $0x2900;
	[sflag:s21] =	ssyncadd.s32 $0xFFFFB1E0  }
0x32: {  	[spmem:s2] =	stream.indirect.scatter.add.f32 [tilespmem:s19], [sflag:$0x4], $0x50, s29, s16, $0xb8;
	[tilespmem:$0x1AF90] =	vst v63  }
0x33: {  	_ =	swait.ge [sflag:s22], $0x4E20  }
0x34: {  	[sflag:s22] =	ssyncset.done $0x0  }
0x35: {  	s29 =	simm.s32 $0x200;
	[sflag:s22] =	ssyncadd.s32 $0xFFFFB1E0  }
0x36: {  	[tilespmem:s17], [sflag:$0x1] =	stream.indirect.gather [hbm4b:s4+s16], $0x50, s29, s16, $0xb8;
	[tilespmem:$0x1AF90] =	vst v63  }
0x37: {  	_ =	swait.ge [sflag:s23], $0x4E20  }
0x38: {  	[sflag:s23] =	ssyncset.done $0x0  }
0x39: {  	s30 =	simm.s32 $0x300;
	s29 =	simm.s32 $0x800;
	[sflag:s23] =	ssyncadd.s32 $0xFFFFB1E0  }
.LBB2_2:
0x3a: {  	[tilespmem:s19], [sflag:$0x2] =	stream.indirect.gather [hbm4b:s4+s16], $0x50, s30, s16, $0xb8;
	[tilespmem:$0x1AF90] =	vst v63  }
0x3b: {  	s30 =	smov.u32 s29  }
0x3c: {  	p1 =	sne.s32 s29, $0x9000;
	s29 =	sadd.s32 $0x800, s29;
	_ =	swait.ge [sflag:s20], $0x4E20  }
0x3d: {  	s30 =	sshra.s32 s30, $0x2;
	[sflag:s20] =	ssyncset.done $0x0  }
0x3e: {  	s31 =	sadd.s32 $0x2800, s30;
	[sflag:s20] =	ssyncadd.s32 $0xFFFFB1E0  }
0x3f: {  	[spmem:s2] =	stream.indirect.scatter.add.f32 [tilespmem:s17], [sflag:$0x3], $0x50, s31, s16, $0xb8;
	[tilespmem:$0x1AF90] =	vst v63  }
0x40: {  	_ =	swait.ge [sflag:s21], $0x4E20  }
0x41: {  	[sflag:s21] =	ssyncset.done $0x0  }
0x42: {  	s31 =	sadd.s32 $0x2900, s30;
	[sflag:s21] =	ssyncadd.s32 $0xFFFFB1E0  }
0x43: {  	[spmem:s2] =	stream.indirect.scatter.add.f32 [tilespmem:s19], [sflag:$0x4], $0x50, s31, s16, $0xb8;
	[tilespmem:$0x1AF90] =	vst v63  }
0x44: {  	_ =	swait.ge [sflag:s22], $0x4E20  }
0x45: {  	[sflag:s22] =	ssyncset.done $0x0  }
.Ltmp0:
0x46: {  	s31 =	sadd.s32 $0x200, s30;
	[sflag:s22] =	ssyncadd.s32 $0xFFFFB1E0;
	(pc) =	sbr.rel @p1 .LBB2_2-.Ltmp0, $4  }
0x47: {  	[tilespmem:s17], [sflag:$0x1] =	stream.indirect.gather [hbm4b:s4+s16], $0x50, s31, s16, $0xb8;
	[tilespmem:$0x1AF90] =	vst v63  }
0x48: {  	_ =	swait.ge [sflag:s23], $0x4E20  }
0x49: {  	[sflag:s23] =	ssyncset.done $0x0  }
0x4a: {  	s30 =	sadd.s32 $0x300, s30;
	[sflag:s23] =	ssyncadd.s32 $0xFFFFB1E0  }
0x4b: {  	[tilespmem:s19], [sflag:$0x2] =	stream.indirect.gather [hbm4b:s4+s16], $0x50, s30, s16, $0xb8;
	[tilespmem:$0x1AF90] =	vst v63  }
0x4c: {  	_ =	swait.ge [sflag:s20], $0x4E20  }
0x4d: {  	[sflag:s20] =	ssyncset.done $0x0  }
0x4e: {  	[sflag:s20] =	ssyncadd.s32 $0xFFFFB1E0  }
0x4f: {  	[spmem:s2] =	stream.indirect.scatter.add.f32 [tilespmem:s17], [sflag:$0x3], $0x50, s24, s16, $0xb8;
	[tilespmem:$0x1AF90] =	vst v63  }
0x50: {  	_ =	swait.ge [sflag:s21], $0x4E20  }
0x51: {  	[sflag:s21] =	ssyncset.done $0x0  }
0x52: {  	[sflag:s21] =	ssyncadd.s32 $0xFFFFB1E0  }
0x53: {  	[spmem:s2] =	stream.indirect.scatter.add.f32 [tilespmem:s19], [sflag:$0x4], $0x50, s26, s16, $0xb8;
	[tilespmem:$0x1AF90] =	vst v63  }
0x54: {  	_ =	swait.ge [sflag:s22], $0x4E20  }
0x55: {  	[sflag:s22] =	ssyncset.done $0x0  }
0x56: {  	[sflag:s22] =	ssyncadd.s32 $0xFFFFB1E0  }
0x57: {  	_ =	swait.ge [sflag:s23], $0x4E20  }
0x58: {  	[sflag:s23] =	ssyncset.done $0x0  }
0x59: {  	[sflag:s23] =	ssyncadd.s32 $0xFFFFB1E0  }
0x5a: {  	s29 =	simm.s32 @p0 $0x1FC6;
	[bflag:$0x0] =	sbarrier.arrive $0xFFFF  }
0x5b: {  	[hbm:s9], [sflag:s29] =	dma.local @p0 [spmem:s11], $0x1900  }
0x5c: {  	s29 =	simm.s32 @p0 $0x6  }
0x5d: {  	s28 =	sadd.s32 $0x1, s28;
	_ =	swait.ge @p0 [sflag:s29], $0x1900  }
0x5e: {  	p1 =	sne.s32 s28, s10;
	[sflag:s29] =	ssyncset.done @p0 $0x0  }
.Ltmp1:
0x5f: {  	[sflag:s29] =	ssyncadd.s32 @p0 $0xFFFFE700;
	s29 =	simm.s32 @!p0 $0x6;
	(pc) =	sbr.rel @p1 .LBB2_1-.Ltmp1, $4  }
0x60: {  	[hbm:s8], [sflag:s12] =	dma.local @!p0 [spmem:s25], $0x1860  }
0x61: {  	_ =	swait.ge @!p0 [sflag:s29], $0x1860  }
0x62: {  	[sflag:s29] =	ssyncset.done @!p0 $0x0  }
0x63: {  	[sflag:s29] =	ssyncadd.s32 @!p0 $0xFFFFE7A0  }
0x64: {  	_ =	sfence.sel $0x180000  }
0x65: {  	[bflag:$0x0] =	sbarrier.arrive $0xFFFF  }
0x66: {  	p0 =	sne.s32 s0, $0x0;
	_ =	strace $0x90000050  }
0x67: {  	s0 =	sadd.s32 @!p0 $0x100000, s1;
	[bflag:$0x2] =	sbarrier.arrive $0xFFFF  }
0x68: {  	[sflag:s0] =	ssyncadd.tile.s32 @!p0 $0x1;
	_ =	shalt  }
.Lfunc_end2:
_tile_overlayer_lowered:
.L_overlay_start_2:
0x69: {  	(tag) =	ssettag $0x2  }
0x6a: {  	s0 =	rddreg [dreg:$0x0];
	s2 =	stileid.u32  }
0x6b: {  	s1 =	rddreg [dreg:$0x1];
	p0 =	sne.s32 s2, $0x0  }
0x6c: {  	s3 =	rddreg [dreg:$0x2];
	[bflag:$0x3] =	sbarrier.arrive $0xFFFF;
	s2 =	simm.s32 @!p0 $0x1C06  }
0x6d: {  	[timem:s3], [sflag:s2] =	dma.local @!p0 [hbm:s0], s1  }
0x6e: {  	s0 =	simm.s32 @!p0 $0x6  }
0x6f: {  	_ =	swait.ge @!p0 [sflag:s0], s1  }
0x70: {  	s1 =	ssub.s32 @!p0 $0x0, s1;
	[sflag:s0] =	ssyncset.done @!p0 $0x0  }
0x71: {  	[sflag:s0] =	ssyncadd.s32 @!p0 s1  }
0x72: {  	[bflag:$0x3] =	sbarrier.arrive $0xFFFF  }
0x73: {  	_ =	shalt  }

// kernel: kernel.8.cloned.1.call-start
scs
__scs_entry_jumppad:
0x0: {  	(pc) =	sbr.rel $0x88, $3  }
0x1: {  	(tag) =	ssettag $0x0;
	lr =	simm.s32 $0x1  }
0x2: {  	[smem:$0x3F8C] =	sst lr;
	_ =	strace $0xD0000000  }
0x3: {  	_ = 	snop  }
0x4: {  	_ = 	snop  }
0x5: {  	_ = 	snop  }
0x6: {  	_ = 	snop  }
0x7: {  	_ = 	snop  }
__scs_overlays_trampoline_lowered:
0x8: {  	[smem:$0x3F9B] =	sst s0  }
0x9: {  	[smem:$0x3F9C] =	sst s1  }
0xa: {  	[smem:$0x3F9D] =	sst s2  }
0xb: {  	[smem:$0x3F9E] =	sst s3  }
0xc: {  	[smem:$0x3F9F] =	sst s4  }
0xd: {  	[smem:$0x3FA0] =	sst s5  }
0xe: {  	[smem:$0x3FA1] =	sst s6  }
0xf: {  	[smem:$0x3FA2] =	sst s7  }
0x10: {  	[smem:$0x3FA3] =	sst s8  }
0x11: {  	[smem:$0x3FA4] =	sst s9;
	s0 =	simm.s32 @!p0 $0x0  }
0x12: {  	s1 =	sld [smem:$0x3F8A];
	s0 =	simm.s32 @p0 $0x1  }
0x13: {  	[smem:$0x3FA5] =	sst s0;
	s0 =	simm.s32 @!p1 $0x0  }
0x14: {  	s2 =	sld [smem:$0x3F89];
	s0 =	simm.s32 @p1 $0x1  }
0x15: {  	[smem:$0x3FA6] =	sst s0;
	s0 =	simm.s32 @!p2 $0x0  }
0x16: {  	s3 =	sld [smem:$0x3FDB];
	s0 =	simm.s32 @p2 $0x1  }
0x17: {  	s4 =	simm.s32 $0x1BF5;
	[smem:$0x3FA8] =	sst s0  }
0x18: {  	s0 =	sld [smem:$0x3F8B];
	_ =	swait.ge [sflag:s4], $0x0  }
0x19: {  	s7 =	sld [smem:$0x3F8C]  }
0x1a: {  	s8 =	sadd.s32 $0xFFFFE003, lr  }
0x1b: {  	s9 =	sadd.s32 $0xFFFFFEF7, lr;
	s5 =	simm.s32 $0xFFFFFFFF;
	p2 =	slt.u32 s8, $0xFFFFF086  }
0x1c: {  	p1 =	slt.u32 s9, $0xF7A;
	s5 =	simm.s32 @!p2 $0x0  }
0x1d: {  	s5 =	simm.s32 @p1 $0x1;
	p0 =	seq.s32 s7, s2  }
0x1e: {  	s7 =	smul.u32 @!p0 $0xF7A, s2;
	p2 =	seq.s32 @!p0 s5, $0x0  }
0x1f: {  	s9 =	smul.u32 $0xF7A, s1;
	s8 =	simm.s32 @!p0 $0x1BF5;
	p2 =	por !p2, p0  }
0x20: {  	[sflag:s8] =	ssyncset.s32 @!p0 $0xFFFFF086;
	s6 =	sadd.s32 @!p0 s3, s7;
	s7 =	simm.s32 @!p0 $0x108  }
0x21: {  	s3 =	sadd.s32 s3, s9;
	s6 =	sadd.s32 @!p0 $0x88, s6;
	s7 =	simm.s32 @p2 $0x1082  }
0x22: {  	[simem:s7], [sflag:s8] =	dma.local @!p0 [hbm:s6], $0xF7A  }
0x23: {  	s9 =	sor.u32 $0xD0000000, s2;
	s6 =	simm.s32 $0x108;
	_ =	swait.ge @!p0 [sflag:s8], $0x0  }
0x24: {  	s3 =	sadd.s32 $0x88, s3;
	s6 =	simm.s32 @!p1 $0x1082;
	[sflag:s4] =	ssyncset.s32 $0xFFFFF086  }
0x25: {  	[simem:s6], [sflag:s4] =	dma.local [hbm:s3], $0xF7A  }
0x26: {  	[smem:$0x3F8C] =	sst s1;
	(tag) =	ssettag s2;
	_ =	strace s9  }
0x27: {  	s1 =	sld [smem:$0x3F9C]  }
0x28: {  	s2 =	sld [smem:$0x3F9D]  }
0x29: {  	s4 =	sld [smem:$0x3F9F]  }
0x2a: {  	p0 =	seq.s32 s5, $0x0;
	s5 =	sld [smem:$0x3FA0]  }
0x2b: {  	s6 =	sld [smem:$0x3FA1]  }
0x2c: {  	s7 =	sld [smem:$0x3FA2]  }
0x2d: {  	s3 =	simm.s32 $0x108;
	s8 =	sld [smem:$0x3FA3]  }
0x2e: {  	s3 =	simm.s32 @!p0 $0x1082;
	s9 =	sld [smem:$0x3FA4]  }
0x2f: {  	lr =	sadd.s32 s0, s3;
	s0 =	sld [smem:$0x3F9B]  }
0x30: {  	s3 =	sld [smem:$0x3F9E]  }
0x31: {  	[smem:$0x3FA7] =	sst s10  }
0x32: {  	s10 =	sld [smem:$0x3FA5];
	_ =	sdelay $0x3  }
0x33: {  	p0 =	seq.s32 s10, $0x1;
	s10 =	sld [smem:$0x3FA7];
	_ =	sdelay $0x3  }
0x34: {  	[smem:$0x3FA7] =	sst s10  }
0x35: {  	s10 =	sld [smem:$0x3FA6];
	_ =	sdelay $0x3  }
0x36: {  	p1 =	seq.s32 s10, $0x1;
	s10 =	sld [smem:$0x3FA7];
	_ =	sdelay $0x3  }
0x37: {  	[smem:$0x3FA7] =	sst s10  }
0x38: {  	s10 =	sld [smem:$0x3FA8]  }
0x39: {  	_ = 	snop;
	(pc) =	sbr.ind lr, $3  }
0x3a: {  	_ = 	snop  }
0x3b: {  	_ = 	snop  }
0x3c: {  	p2 =	seq.s32 s10, $0x1;
	s10 =	sld [smem:$0x3FA7]  }
0x3d: {  	_ =	shalt  }
0x3e: {  	_ =	shalt  }
0x3f: {  	_ =	shalt  }
0x40: {  	_ =	shalt  }
0x41: {  	_ =	shalt  }
0x42: {  	_ =	shalt  }
0x43: {  	_ =	shalt  }
0x44: {  	_ =	shalt  }
0x45: {  	_ =	shalt  }
0x46: {  	_ =	shalt  }
0x47: {  	_ =	shalt  }
0x48: {  	_ =	shalt  }
0x49: {  	_ =	shalt  }
0x4a: {  	_ =	shalt  }
0x4b: {  	_ =	shalt  }
0x4c: {  	_ =	shalt  }
0x4d: {  	_ =	shalt  }
0x4e: {  	_ =	shalt  }
0x4f: {  	_ =	shalt  }
0x50: {  	_ =	shalt  }
0x51: {  	_ =	shalt  }
0x52: {  	_ =	shalt  }
0x53: {  	_ =	shalt  }
0x54: {  	_ =	shalt  }
0x55: {  	_ =	shalt  }
0x56: {  	_ =	shalt  }
0x57: {  	_ =	shalt  }
0x58: {  	_ =	shalt  }
0x59: {  	_ =	shalt  }
0x5a: {  	_ =	shalt  }
0x5b: {  	_ =	shalt  }
0x5c: {  	_ =	shalt  }
0x5d: {  	_ =	shalt  }
0x5e: {  	_ =	shalt  }
0x5f: {  	_ =	shalt  }
0x60: {  	_ =	shalt  }
0x61: {  	_ =	shalt  }
0x62: {  	_ =	shalt  }
0x63: {  	_ =	shalt  }
0x64: {  	_ =	shalt  }
0x65: {  	_ =	shalt  }
0x66: {  	_ =	shalt  }
0x67: {  	_ =	shalt  }
0x68: {  	_ =	shalt  }
0x69: {  	_ =	shalt  }
0x6a: {  	_ =	shalt  }
0x6b: {  	_ =	shalt  }
0x6c: {  	_ =	shalt  }
0x6d: {  	_ =	shalt  }
0x6e: {  	_ =	shalt  }
0x6f: {  	_ =	shalt  }
0x70: {  	_ =	shalt  }
0x71: {  	_ =	shalt  }
0x72: {  	_ =	shalt  }
0x73: {  	_ =	shalt  }
0x74: {  	_ =	shalt  }
0x75: {  	_ =	shalt  }
0x76: {  	_ =	shalt  }
0x77: {  	_ =	shalt  }
0x78: {  	_ =	shalt  }
0x79: {  	_ =	shalt  }
0x7a: {  	_ =	shalt  }
0x7b: {  	_ =	shalt  }
0x7c: {  	_ =	shalt  }
0x7d: {  	_ =	shalt  }
0x7e: {  	_ =	shalt  }
0x7f: {  	_ =	shalt  }
0x80: {  	_ =	shalt  }
0x81: {  	_ =	shalt  }
0x82: {  	_ =	shalt  }
0x83: {  	_ =	shalt  }
0x84: {  	_ =	shalt  }
0x85: {  	_ =	shalt  }
0x86: {  	_ =	shalt  }
0x87: {  	_ =	shalt  }
.Lfunc_end0:
.L_simem_size_0:
called_computation_lowered:
.L_overlay_start_0:
0x88: {  	s2 =	sld [smem:$0x3FD9]  }
0x89: {  	s3 =	sld [smem:$0x3FFE];
	_ =	sdelay $0x1  }
0x8a: {  	s1 =	srdreg.scid  }
0x8b: {  	s0 =	sand.u32 $0x1, s1  }
0x8c: {  	s17 =	sshll.u32 s0, $0xA;
	s2 =	sadd.s32 s3, s2  }
0x8d: {  	s2 =	sadd.s32 s2, s17  }
0x8e: {  	[smem:$0x3FB3] =	sst s2  }
0x8f: {  	_ = 	snop  }
0x90: {  	(tm) =	ssettm $0x1  }
0x91: {  	s18 =	sld [smem:$0x3FFB];
	_ =	sdelay $0x3  }
0x92: {  	_ =	strace s18  }
0x93: {  	s2 =	sld [smem:$0x3FFC];
	_ =	sdelay $0x3  }
0x94: {  	_ =	strace s2  }
0x95: {  	s2 =	sld [smem:$0x3FFD];
	_ =	sdelay $0x3  }
0x96: {  	_ =	strace s2  }
0x97: {  	_ =	strace $0x8FFFFFFF  }
0x98: {  	s19 =	sld [smem:$0x3FDB];
	_ =	sdelay $0x1  }
0x99: {  	s20 =	simm.s32 $_scs_section_size  }
0x9a: {  	s4 =	simm.s32 $_size__tile_overlayer_lowered;
	s5 =	simm.s32 $_tile_overlayer_lowered  }
0x9b: {  	s6 =	simm.s32 $0x1BFF;
	s21 =	sshll.u32 s5, $0x1;
	s3 =	sadd.s32 s20, s19  }
0x9c: {  	s22 =	simm.s32 $0x0;
	s4 =	sshll.u32 s4, $0x1;
	s5 =	sadd.s32 s21, s3  }
0x9d: {  	[timem:s22], [sflag:s6] =	dma.local [hbm:s5], s4  }
0x9e: {  	_ =	swait.ge [sflag:s6], s4  }
0x9f: {  	s4 =	ssub.s32 $0x0, s4;
	[sflag:s6] =	ssyncset.done $0x0  }
0xa0: {  	[sflag:s6] =	ssyncadd.s32 s4;
	_ =	sdelay $0x1  }
0xa1: {  	s23 =	simm.s32 $0x1B8B  }
0xa2: {  	_ =	swait.ge [sflag:s23], $0x1  }
0xa3: {  	[sflag:s23] =	ssyncset.done $0x0  }
0xa4: {  	[sflag:s23] =	ssyncadd.s32 $0xFFFFFFFF  }
0xa5: {  	s4 =	sld [smem:$0x0]  }
0xa6: {  	s5 =	sand.u32 $0xFFFFFFFE, s1  }
0xa7: {  	p0 =	sne.s32 s1, s5  }
0xa8: {  	s5 =	sshll.u32 @p0 s5, $0xE  }
0xa9: {  	s5 =	sadd.s32 @p0 $0x11B8D, s5;
	s6 =	sshll.u32 @p0 s4, $0x11  }
0xaa: {  	s5 =	sor.u32 @p0 s6, s5  }
0xab: {  	[sflag:s5] =	ssyncadd.remote.s32 @p0 $0x1;
	_ =	sdelay $0x1  }
0xac: {  	s5 =	simm.s32 @p0 $0x1B8D  }
0xad: {  	_ =	swait.eq @p0 [sflag:s5], $0x1  }
0xae: {  	[sflag:s5] =	ssyncadd.s32 @p0 $0xFFFFFFFF  }
0xaf: {  	s6 =	sshll.u32 @!p0 s1, $0xE  }
0xb0: {  	s6 =	sor.u32 @!p0 $0x4000, s6;
	s5 =	simm.s32 @!p0 $0x1B8D  }
0xb1: {  	s4 =	sshll.u32 @!p0 s4, $0x11;
	s6 =	sadd.s32 @!p0 $0x11B8D, s6;
	_ =	swait.eq @!p0 [sflag:s5], $0x1  }
0xb2: {  	s4 =	sor.u32 @!p0 s4, s6;
	[sflag:s5] =	ssyncadd.s32 @!p0 $0xFFFFFFFF  }
0xb3: {  	s25 =	simm.s32 $0x1B8E;
	s24 =	sld [smem:$0x3FFE];
	[sflag:s4] =	ssyncadd.remote.s32 @!p0 $0x1  }
0xb4: {  	s26 =	simm.s32 $execute0_lowered;
	[smem:$0x3FD2] =	sst s25  }
0xb5: {  	s5 =	sshll.u32 s26, $0x1;
	_ =	strace $0x80000049;
	[dreg:$0x1] =	wrdreg $0xFFFFFFFF  }
0xb6: {  	s28 =	simm.s32 $_size_execute0_lowered;
	s3 =	sadd.s32 s3, s5;
	[dreg:$0x0] =	wrdreg $0x0  }
0xb7: {  	s5 =	sshll.u32 s28, $0x1;
	[dreg:$0x2] =	wrdreg s3  }
0xb8: {  	[dreg:$0x3] =	wrdreg s5  }
0xb9: {  	[dreg:$0x4] =	wrdreg $0xC0  }
0xba: {  	_ =	task [dreg:s22], $0x5FFFF  }
0xbb: {  	[dreg:$0x1] =	wrdreg $0xFFFFFFFF  }
0xbc: {  	[dreg:$0x0] =	wrdreg $0x60  }
0xbd: {  	[dreg:$0x2] =	wrdreg s24  }
0xbe: {  	[dreg:$0x3] =	wrdreg $0xCD000  }
0xbf: {  	[dreg:$0x4] =	wrdreg $0x9  }
0xc0: {  	_ =	task.clear_ibuf [dreg:s22], $0x5FFFF;
	_ =	strace $0x90000049  }
0xc1: {  	s29 =	simm.s32 $0x9;
	_ =	strace $0x8000004B  }
0xc2: {  	_ =	swait.ge [sflag:s29], $0x1  }
0xc3: {  	[sflag:s29] =	ssyncadd.s32 $0xFFFFFFFF  }
0xc4: {  	_ =	strace $0x9000004B  }
0xc5: {  	_ =	sfence  }
0xc6: {  	s30 =	sld [smem:$0x0];
	_ =	sdelay $0x2  }
0xc7: {  	s31 =	sshll.u32 s1, $0xD;
	s1 =	sshrl.u32 s1, $0x2  }
0xc8: {  	s4 =	sand.u32 $0x4000, s31;
	s1 =	sadd.s32 s1, s30  }
0xc9: {  	s0 =	sor.u32 s4, s0;
	s1 =	sshll.u32 s1, $0x11  }
0xca: {  	s0 =	sor.u32 s1, s0  }
0xcb: {  	s0 =	sadd.s32 $0x8F2B, s0  }
0xcc: {  	[sflag:s0] =	ssyncadd.remote.s32 $0x1  }
0xcd: {  	_ =	sfence.sel $0xFFFF  }
0xce: {  	[dreg:$0x0] =	wrdreg $0xFFFFFFFF;
	(pc) =	sbr.abs _section_cstart, $3  }
0xcf: {  	[dreg:$0x1] =	wrdreg $0xFFFFFFFF  }
0xd0: {  	_ =	task.clear_ibuf [dreg:s22], $0x2FFFF;
	_ =	strace $0x9FFFFFFF  }
0xd1: {  	(tm) =	ssettm $0x7FFFFFFF  }
tec
execute0_lowered:
.L_overlay_start_1:
0x0: {  	(tag) =	ssettag $0x1  }
0x1: {  	s6 =	rddreg [dreg:$0x0]  }
0x2: {  	s1 =	srdreg.scid;
	s0 =	stileid.u32  }
0x3: {  	s2 =	rddreg [dreg:$0x1];
	s3 =	simm.s32 $0x0;
	s16 =	simm.s32 $0xFA  }
0x4: {  	s17 =	simm.s32 $0x5000;
	s18 =	simm.s32 $0x100;
	s19 =	simm.s32 $0x8E80  }
0x5: {  	s20 =	simm.s32 $0x1;
	s21 =	simm.s32 $0x2;
	s22 =	simm.s32 $0x3  }
0x6: {  	s23 =	simm.s32 $0x4;
	s24 =	simm.s32 $0x4E00;
	s28 =	simm.s32 $0x0  }
0x7: {  	s7 =	sand.u32 $0x1, s1;
	s4 =	sshll.u32 s0, $0x1;
	s1 =	rddreg [dreg:$0x2]  }
0x8: {  	[smem:$0x7FF] =	sst s3;
	s9 =	smul.u32 $0x27000, s0;
	s5 =	sadd.s32 $0x2B400, s6  }
0x9: {  	s12 =	smul.u32 $0x9C00, s0;
	s13 =	sadd.s32 $0x67400, s6;
	s15 =	sadd.s32 $0x92400, s2  }
0xa: {  	p0 =	seq.s32 s0, $0xF;
	s4 =	sor.u32 s7, s4;
	s11 =	smul.u32 $0x9C400, s7  }
0xb: {  	_ =	strace $0x8000004A;
	s10 =	ssub.s32 $0x2, s7;
	s4 =	smul.u32 $0x500, s4  }
0xc: {  	s26 =	sshrl.u32 s10, $0x1;
	s9 =	sshrl.u32 s9, $0x2;
	s25 =	sadd.s32 s12, s2  }
0xd: {  	s10 =	ssub.s32 s10, s26;
	s14 =	sadd.s32 s9, s2;
	s29 =	sadd.s32 s12, s11  }
0xe: {  	s31 =	sshrl.u32 s11, $0x3;
	s12 =	sshll.u32 @!p0 s0, $0x6;
	s11 =	sshrl.u32 @p0 s15, $0x3  }
0xf: {  	s15 =	simm.s32 $0x5;
	s25 =	sshrl.u32 @!p0 s25, $0x3;
	s26 =	simm.s32 $0x4F00  }
0x10: {  	s8 =	sadd.s32 s4, s6;
	s4 =	sadd.s32 $0x53A00, s6;
	s30 =	sshrl.u32 s29, $0x3  }
0x11: {  	s9 =	sadd.s32 s13, s31;
	s10 =	smax.u32 s10, $0x1;
	s12 =	sor.u32 @!p0 $0x1C06, s12  }
0x12: {  	s6 =	sadd.s32 $0xDA00, s8;
	s7 =	sadd.s32 $0x3A00, s8;
	s8 =	sadd.s32 s13, s30  }
0x13: {  	s9 =	sadd.s32 $0x12480, s9;
	s13 =	sshrl.u32 @!p0 s14, $0x3;
	s14 =	simm.s32 $0x2800  }
.LBB2_1:
0x14: {  	s29 =	simm.s32 @p0 $0x1FC6  }
0x15: {  	[spmem:s11], [sflag:s29] =	dma.local @p0 [hbm:s5], $0x1400  }
0x16: {  	s29 =	simm.s32 @p0 $0x6  }
0x17: {  	_ =	swait.ge @p0 [sflag:s29], $0x1400  }
0x18: {  	[sflag:s29] =	ssyncset.done @p0 $0x0  }
0x19: {  	[sflag:s29] =	ssyncadd.s32 @p0 $0xFFFFEC00;
	s29 =	simm.s32 @!p0 $0x6  }
0x1a: {  	[spmem:s13], [sflag:s12] =	dma.local @!p0 [hbm:s5], $0x1380  }
0x1b: {  	_ =	swait.ge @!p0 [sflag:s29], $0x1380  }
0x1c: {  	[sflag:s29] =	ssyncset.done @!p0 $0x0  }
0x1d: {  	[sflag:s29] =	ssyncadd.s32 @!p0 $0xFFFFEC80  }
0x1e: {  	[tilespmem:s3], [sflag:$0x5] =	stream.linear.gather [hbm4b:s6+s3], $0x2800, $0x38;
	[tilespmem:$0x16940] =	vst v63  }
0x1f: {  	_ = 	snop  }
0x20: {  	[tilespmem:s14], [sflag:$0x5] =	stream.linear.gather [hbm4b:s7+s3], $0x2800, $0x38;
	[tilespmem:$0x16940] =	vst v63  }
0x21: {  	_ =	swait.ge [sflag:s15], $0x2800  }
0x22: {  	[sflag:s15] =	ssyncset.done $0x0  }
0x23: {  	[sflag:s15] =	ssyncadd.s32 $0xFFFFD800  }
0x24: {  	_ =	swait.ge [sflag:s15], $0x2800  }
0x25: {  	[sflag:s15] =	ssyncset.done $0x0  }
0x26: {  	[sflag:s15] =	ssyncadd.s32 $0xFFFFD800  }
0x27: {  	[bflag:$0x0] =	sbarrier.arrive $0xFFFF  }
0x28: {  	[tilespmem:s17], [sflag:$0x1] =	stream.indirect.gather [hbm4b:s4+s16], $0x40, s3, s16, $0xb8;
	[tilespmem:$0x16940] =	vst v63  }
0x29: {  	_ = 	snop  }
0x2a: {  	[tilespmem:s19], [sflag:$0x2] =	stream.indirect.gather [hbm4b:s4+s16], $0x40, s18, s16, $0xb8;
	[tilespmem:$0x16940] =	vst v63  }
0x2b: {  	_ =	swait.ge [sflag:s20], $0x3E80  }
0x2c: {  	[sflag:s20] =	ssyncset.done $0x0  }
0x2d: {  	s29 =	simm.s32 $0x2800;
	[sflag:s20] =	ssyncadd.s32 $0xFFFFC180  }
0x2e: {  	[spmem:s2] =	stream.indirect.scatter.add.f32 [tilespmem:s17], [sflag:$0x3], $0x40, s29, s16, $0xb8;
	[tilespmem:$0x16940] =	vst v63  }
0x2f: {  	_ =	swait.ge [sflag:s21], $0x3E80  }
0x30: {  	[sflag:s21] =	ssyncset.done $0x0  }
0x31: {  	s29 =	simm.s32 $0x2900;
	[sflag:s21] =	ssyncadd.s32 $0xFFFFC180  }
0x32: {  	[spmem:s2] =	stream.indirect.scatter.add.f32 [tilespmem:s19], [sflag:$0x4], $0x40, s29, s16, $0xb8;
	[tilespmem:$0x16940] =	vst v63  }
0x33: {  	_ =	swait.ge [sflag:s22], $0x3E80  }
0x34: {  	[sflag:s22] =	ssyncset.done $0x0  }
0x35: {  	s29 =	simm.s32 $0x200;
	[sflag:s22] =	ssyncadd.s32 $0xFFFFC180  }
0x36: {  	[tilespmem:s17], [sflag:$0x1] =	stream.indirect.gather [hbm4b:s4+s16], $0x40, s29, s16, $0xb8;
	[tilespmem:$0x16940] =	vst v63  }
0x37: {  	_ =	swait.ge [sflag:s23], $0x3E80  }
0x38: {  	[sflag:s23] =	ssyncset.done $0x0  }
0x39: {  	s30 =	simm.s32 $0x300;
	s29 =	simm.s32 $0x800;
	[sflag:s23] =	ssyncadd.s32 $0xFFFFC180  }
.LBB2_2:
0x3a: {  	[tilespmem:s19], [sflag:$0x2] =	stream.indirect.gather [hbm4b:s4+s16], $0x40, s30, s16, $0xb8;
	[tilespmem:$0x16940] =	vst v63  }
0x3b: {  	s30 =	smov.u32 s29  }
0x3c: {  	p1 =	sne.s32 s29, $0x9000;
	s29 =	sadd.s32 $0x800, s29;
	_ =	swait.ge [sflag:s20], $0x3E80  }
0x3d: {  	s30 =	sshra.s32 s30, $0x2;
	[sflag:s20] =	ssyncset.done $0x0  }
0x3e: {  	s31 =	sadd.s32 $0x2800, s30;
	[sflag:s20] =	ssyncadd.s32 $0xFFFFC180  }
0x3f: {  	[spmem:s2] =	stream.indirect.scatter.add.f32 [tilespmem:s17], [sflag:$0x3], $0x40, s31, s16, $0xb8;
	[tilespmem:$0x16940] =	vst v63  }
0x40: {  	_ =	swait.ge [sflag:s21], $0x3E80  }
0x41: {  	[sflag:s21] =	ssyncset.done $0x0  }
0x42: {  	s31 =	sadd.s32 $0x2900, s30;
	[sflag:s21] =	ssyncadd.s32 $0xFFFFC180  }
0x43: {  	[spmem:s2] =	stream.indirect.scatter.add.f32 [tilespmem:s19], [sflag:$0x4], $0x40, s31, s16, $0xb8;
	[tilespmem:$0x16940] =	vst v63  }
0x44: {  	_ =	swait.ge [sflag:s22], $0x3E80  }
0x45: {  	[sflag:s22] =	ssyncset.done $0x0  }
.Ltmp0:
0x46: {  	s31 =	sadd.s32 $0x200, s30;
	[sflag:s22] =	ssyncadd.s32 $0xFFFFC180;
	(pc) =	sbr.rel @p1 .LBB2_2-.Ltmp0, $4  }
0x47: {  	[tilespmem:s17], [sflag:$0x1] =	stream.indirect.gather [hbm4b:s4+s16], $0x40, s31, s16, $0xb8;
	[tilespmem:$0x16940] =	vst v63  }
0x48: {  	_ =	swait.ge [sflag:s23], $0x3E80  }
0x49: {  	[sflag:s23] =	ssyncset.done $0x0  }
0x4a: {  	s30 =	sadd.s32 $0x300, s30;
	[sflag:s23] =	ssyncadd.s32 $0xFFFFC180  }
0x4b: {  	[tilespmem:s19], [sflag:$0x2] =	stream.indirect.gather [hbm4b:s4+s16], $0x40, s30, s16, $0xb8;
	[tilespmem:$0x16940] =	vst v63  }
0x4c: {  	_ =	swait.ge [sflag:s20], $0x3E80  }
0x4d: {  	[sflag:s20] =	ssyncset.done $0x0  }
0x4e: {  	[sflag:s20] =	ssyncadd.s32 $0xFFFFC180  }
0x4f: {  	[spmem:s2] =	stream.indirect.scatter.add.f32 [tilespmem:s17], [sflag:$0x3], $0x40, s24, s16, $0xb8;
	[tilespmem:$0x16940] =	vst v63  }
0x50: {  	_ =	swait.ge [sflag:s21], $0x3E80  }
0x51: {  	[sflag:s21] =	ssyncset.done $0x0  }
0x52: {  	[sflag:s21] =	ssyncadd.s32 $0xFFFFC180  }
0x53: {  	[spmem:s2] =	stream.indirect.scatter.add.f32 [tilespmem:s19], [sflag:$0x4], $0x40, s26, s16, $0xb8;
	[tilespmem:$0x16940] =	vst v63  }
0x54: {  	_ =	swait.ge [sflag:s22], $0x3E80  }
0x55: {  	[sflag:s22] =	ssyncset.done $0x0  }
0x56: {  	[sflag:s22] =	ssyncadd.s32 $0xFFFFC180  }
0x57: {  	_ =	swait.ge [sflag:s23], $0x3E80  }
0x58: {  	[sflag:s23] =	ssyncset.done $0x0  }
0x59: {  	[sflag:s23] =	ssyncadd.s32 $0xFFFFC180  }
0x5a: {  	s29 =	simm.s32 @p0 $0x1FC6;
	[bflag:$0x0] =	sbarrier.arrive $0xFFFF  }
0x5b: {  	[hbm:s9], [sflag:s29] =	dma.local @p0 [spmem:s11], $0x1400  }
0x5c: {  	s29 =	simm.s32 @p0 $0x6  }
0x5d: {  	s28 =	sadd.s32 $0x1, s28;
	_ =	swait.ge @p0 [sflag:s29], $0x1400  }
0x5e: {  	p1 =	sne.s32 s28, s10;
	[sflag:s29] =	ssyncset.done @p0 $0x0  }
.Ltmp1:
0x5f: {  	[sflag:s29] =	ssyncadd.s32 @p0 $0xFFFFEC00;
	s29 =	simm.s32 @!p0 $0x6;
	(pc) =	sbr.rel @p1 .LBB2_1-.Ltmp1, $4  }
0x60: {  	[hbm:s8], [sflag:s12] =	dma.local @!p0 [spmem:s25], $0x1380  }
0x61: {  	_ =	swait.ge @!p0 [sflag:s29], $0x1380  }
0x62: {  	[sflag:s29] =	ssyncset.done @!p0 $0x0  }
0x63: {  	[sflag:s29] =	ssyncadd.s32 @!p0 $0xFFFFEC80  }
0x64: {  	_ =	sfence.sel $0x180000  }
0x65: {  	[bflag:$0x0] =	sbarrier.arrive $0xFFFF  }
0x66: {  	p0 =	sne.s32 s0, $0x0;
	_ =	strace $0x9000004A  }
0x67: {  	s0 =	sadd.s32 @!p0 $0x100000, s1;
	[bflag:$0x2] =	sbarrier.arrive $0xFFFF  }
0x68: {  	[sflag:s0] =	ssyncadd.tile.s32 @!p0 $0x1;
	_ =	shalt  }
.Lfunc_end2:
_tile_overlayer_lowered:
.L_overlay_start_2:
0x69: {  	(tag) =	ssettag $0x2  }
0x6a: {  	s0 =	rddreg [dreg:$0x0];
	s2 =	stileid.u32  }
0x6b: {  	s1 =	rddreg [dreg:$0x1];
	p0 =	sne.s32 s2, $0x0  }
0x6c: {  	s3 =	rddreg [dreg:$0x2];
	[bflag:$0x3] =	sbarrier.arrive $0xFFFF;
	s2 =	simm.s32 @!p0 $0x1C06  }
0x6d: {  	[timem:s3], [sflag:s2] =	dma.local @!p0 [hbm:s0], s1  }
0x6e: {  	s0 =	simm.s32 @!p0 $0x6  }
0x6f: {  	_ =	swait.ge @!p0 [sflag:s0], s1  }
0x70: {  	s1 =	ssub.s32 @!p0 $0x0, s1;
	[sflag:s0] =	ssyncset.done @!p0 $0x0  }
0x71: {  	[sflag:s0] =	ssyncadd.s32 @!p0 s1  }
0x72: {  	[bflag:$0x3] =	sbarrier.arrive $0xFFFF  }
0x73: {  	_ =	shalt  }

</sc_bundles>
